<compile_context>
chip_gen: v7x
topology: tpu7x:2x2x1
jax: 0.10.2.dev20260603
libtpu: 0.0.44.dev20260713+nightly
codegen_flags: <defaults>
</compile_context>

<pallas_src>
import jax
import jax.numpy as jnp
from jax import lax
from jax.experimental import pallas as pl
from jax.experimental.pallas import tpu as pltpu

_N = 10000
_E = 160000
_D = 256
_H = 256
_R = 8
_NB = 400
_GRID = _N // _NB


def _wflat_body(wcomp_ref, bases_ref, out_ref):
    for r in range(_R):
        w = wcomp_ref[r, 0] * bases_ref[0]
        for b in range(1, 4):
            w = w + wcomp_ref[r, b] * bases_ref[b]
        out_ref[r * _D:(r + 1) * _D, :] = w


def _build_wflat(wcomp, bases):
    return pl.pallas_call(
        _wflat_body,
        out_shape=jax.ShapeDtypeStruct((_R * _D, _H), jnp.float32),
        in_specs=[
            pl.BlockSpec(memory_space=pltpu.SMEM),
            pl.BlockSpec(memory_space=pltpu.VMEM),
        ],
        out_specs=pl.BlockSpec(memory_space=pltpu.VMEM),
    )(wcomp, bases)


def _tc_body(agg_ref, deg_ref, h_ref, w_ref, loop_ref, bias_ref, out_ref):
    rec = 1.0 / jnp.maximum(deg_ref[...], 1.0)
    z = jnp.dot(h_ref[...], loop_ref[...],
                preferred_element_type=jnp.float32,
                precision=lax.Precision.HIGHEST)
    for r in range(_R):
        a = agg_ref[:, r * _D:(r + 1) * _D] * rec[:, r:r + 1]
        z = z + jnp.dot(a, w_ref[r * _D:(r + 1) * _D, :],
                        preferred_element_type=jnp.float32,
                        precision=lax.Precision.HIGHEST)
    z = z + bias_ref[0:1, :]
    out_ref[...] = jnp.maximum(z, 0.0)


def _tc_layer(agg, deg, h, w_flat, loop_w, bias8):
    return pl.pallas_call(
        _tc_body,
        grid=(_GRID,),
        out_shape=jax.ShapeDtypeStruct((_N, _H), jnp.float32),
        in_specs=[
            pl.BlockSpec((_NB, _R * _D), lambda i: (i, 0)),
            pl.BlockSpec((_NB, _R), lambda i: (i, 0)),
            pl.BlockSpec((_NB, _D), lambda i: (i, 0)),
            pl.BlockSpec((_R * _D, _H), lambda i: (0, 0)),
            pl.BlockSpec((_D, _H), lambda i: (0, 0)),
            pl.BlockSpec((8, _H), lambda i: (0, 0)),
        ],
        out_specs=pl.BlockSpec((_NB, _H), lambda i: (i, 0)),
    )(agg, deg, h, w_flat, loop_w, bias8)


def kernel(x, edge_index, edge_type, bases1, wcomp1, loop1, bias1,
           bases2, wcomp2, loop2, bias2):
    src = edge_index[0]
    dst = edge_index[1]
    seg = dst * _R + edge_type
    deg = jax.ops.segment_sum(jnp.ones((_E,), jnp.float32), seg,
                              num_segments=_N * _R).reshape(_N, _R)

    h = x
    for bases, wcomp, loop_w, bias in (
            (bases1, wcomp1, loop1, bias1), (bases2, wcomp2, loop2, bias2)):
        agg = jax.ops.segment_sum(h[src], seg,
                                  num_segments=_N * _R).reshape(_N, _R * _D)
        w_flat = _build_wflat(wcomp, bases)
        h = _tc_layer(agg, deg, h, w_flat, loop_w,
                      jnp.broadcast_to(bias.reshape(1, _H), (8, _H)))
    return h

# --- scband reference (transcript-rebuilt; emitter-appended) ---
"""Pipeline reference for scband-rgcnencoder-25623774888160 (READ-ONLY COPY).

The authoritative reference and input builder live on the scoring server;
editing this copy changes nothing except your own understanding.
"""

import jax, jax.numpy as jnp
import numpy as np

N = 10000   # nodes
E = 160000  # edges
D = 256     # in_size
H = 256     # hidden_size
R = 8       # number of relations (etypes)
B = 4       # num_bases


def setup_inputs(seed: int = 0) -> dict:
    key = jax.random.key(seed)
    ks = jax.random.split(key, 12)
    x = jax.random.normal(ks[0], (N, D), dtype=jnp.float32)
    edge_index = jax.random.randint(ks[1], (2, E), 0, N, dtype=jnp.int32)
    edge_type = jax.random.randint(ks[2], (E,), 0, R, dtype=jnp.int32)
    # Layer 1 params (basis decomposition: B < R so WeightBasis is used)
    bases1 = jax.random.normal(ks[3], (B, D, H), dtype=jnp.float32) * 0.05
    wcomp1 = jax.random.normal(ks[4], (R, B), dtype=jnp.float32) * 0.05
    loop1 = jax.random.normal(ks[5], (D, H), dtype=jnp.float32) * 0.05
    bias1 = jnp.zeros((H,), dtype=jnp.float32)
    # Layer 2 params
    bases2 = jax.random.normal(ks[6], (B, H, H), dtype=jnp.float32) * 0.05
    wcomp2 = jax.random.normal(ks[7], (R, B), dtype=jnp.float32) * 0.05
    loop2 = jax.random.normal(ks[8], (H, H), dtype=jnp.float32) * 0.05
    bias2 = jnp.zeros((H,), dtype=jnp.float32)
    return {
        "x": x, "edge_index": edge_index, "edge_type": edge_type,
        "bases1": bases1, "wcomp1": wcomp1, "loop1": loop1, "bias1": bias1,
        "bases2": bases2, "wcomp2": wcomp2, "loop2": loop2, "bias2": bias2,
    }


def _rel_graph_conv_layer(h, edge_index, edge_type, bases, wcomp, loop_w, bias):
    """One RelGraphConvLayer: per-relation GraphConv(norm='right',weight from
    WeightBasis), summed over relations (HeteroGraphConv aggregate='sum'),
    plus self-loop, bias, relu. Dropout p=0 -> identity (eval)."""
    # WeightBasis: weight[r] = sum_b wcomp[r, b] * bases[b]
    W = jnp.einsum('rb,bdh->rdh', wcomp, bases)  # [R, d_in, d_out]
    src = edge_index[0]
    dst = edge_index[1]
    # Per-(dst-node, relation) aggregation via combined segment ids
    seg = dst * R + edge_type  # [E]
    msg = h[src]                                 # gather: [E, d_in]
    agg = jax.ops.segment_sum(msg, seg, num_segments=N * R)   # [N*R, d_in]
    deg = jax.ops.segment_sum(jnp.ones((msg.shape[0],), h.dtype), seg,
                              num_segments=N * R)             # [N*R]
    # GraphConv norm='right': divide by in-degree, clamped to at least 1
    deg = jnp.clip(deg, 1.0, None)
    agg = (agg / deg[:, None]).reshape(N, R, h.shape[1])      # [N, R, d_in]
    # GraphConv with in_feats == out_feats applies weight after aggregation;
    # HeteroGraphConv sums relation outputs.
    out = jnp.einsum('nrd,rdh->nh', agg, W)                   # [N, d_out]
    # self-loop + bias + activation
    out = out + h @ loop_w
    out = out + bias
    return jax.nn.relu(out)


def reference(x, edge_index, edge_type, bases1, wcomp1, loop1, bias1,
              bases2, wcomp2, loop2, bias2):
    h = _rel_graph_conv_layer(x, edge_index, edge_type, bases1, wcomp1, loop1, bias1)
    h = _rel_graph_conv_layer(h, edge_index, edge_type, bases2, wcomp2, loop2, bias2)
    return h

if __name__ == "__main__":
    import jax
    _d = setup_inputs()
    print(jax.jit(kernel)(*tuple(_d.values())))

</pallas_src>

<mosaic_0001>
module attributes {stable_mosaic.version = 14 : i64} {
  func.func @_wflat_body(%arg0: memref<8x4xf32, #tpu.memory_space<smem>>, %arg1: memref<4x256x256xf32, #tpu.memory_space<vmem>>, %arg2: memref<2048x256xf32, #tpu.memory_space<vmem>>) attributes {dimension_semantics = [], scalar_prefetch = 0 : i64, scratch_operands = 0 : i64, tpu.core_type = #tpu.core_type<tc>} {
    %get3A = arith.constant 0 : index
    %get3A_0 = arith.constant 0 : index
    %get3A_1 = memref.load %arg0[%get3A, %get3A_0] : memref<8x4xf32, #tpu.memory_space<smem>>
    %get3A_2 = arith.constant 0 : index
    %get3A_3 = arith.constant 0 : index
    %get3A_4 = arith.constant 0 : index
    %get3A_5 = vector.load %arg1[%get3A_2, %get3A_3, %get3A_4] : memref<4x256x256xf32, #tpu.memory_space<vmem>>, vector<1x256x256xf32>
    %get3A_6 = vector.shape_cast %get3A_5 : vector<1x256x256xf32> to vector<256x256xf32>
    %mul3A = vector.broadcast %get3A_1 : f32 to vector<256x256xf32>
    %mul3A_7 = arith.mulf %mul3A, %get3A_6 : vector<256x256xf32>
    %get3A_8 = arith.constant 0 : index
    %get3A_9 = arith.constant 1 : index
    %get3A_10 = memref.load %arg0[%get3A_8, %get3A_9] : memref<8x4xf32, #tpu.memory_space<smem>>
    %get3A_11 = arith.constant 1 : index
    %get3A_12 = arith.constant 0 : index
    %get3A_13 = arith.constant 0 : index
    %get3A_14 = vector.load %arg1[%get3A_11, %get3A_12, %get3A_13] : memref<4x256x256xf32, #tpu.memory_space<vmem>>, vector<1x256x256xf32>
    %get3A_15 = vector.shape_cast %get3A_14 : vector<1x256x256xf32> to vector<256x256xf32>
    %mul3A_16 = vector.broadcast %get3A_10 : f32 to vector<256x256xf32>
    %mul3A_17 = arith.mulf %mul3A_16, %get3A_15 : vector<256x256xf32>
    %add3A = arith.addf %mul3A_7, %mul3A_17 : vector<256x256xf32>
    %get3A_18 = arith.constant 0 : index
    %get3A_19 = arith.constant 2 : index
    %get3A_20 = memref.load %arg0[%get3A_18, %get3A_19] : memref<8x4xf32, #tpu.memory_space<smem>>
    %get3A_21 = arith.constant 2 : index
    %get3A_22 = arith.constant 0 : index
    %get3A_23 = arith.constant 0 : index
    %get3A_24 = vector.load %arg1[%get3A_21, %get3A_22, %get3A_23] : memref<4x256x256xf32, #tpu.memory_space<vmem>>, vector<1x256x256xf32>
    %get3A_25 = vector.shape_cast %get3A_24 : vector<1x256x256xf32> to vector<256x256xf32>
    %mul3A_26 = vector.broadcast %get3A_20 : f32 to vector<256x256xf32>
    %mul3A_27 = arith.mulf %mul3A_26, %get3A_25 : vector<256x256xf32>
    %add3A_28 = arith.addf %add3A, %mul3A_27 : vector<256x256xf32>
    %get3A_29 = arith.constant 0 : index
    %get3A_30 = arith.constant 3 : index
    %get3A_31 = memref.load %arg0[%get3A_29, %get3A_30] : memref<8x4xf32, #tpu.memory_space<smem>>
    %get3A_32 = arith.constant 3 : index
    %get3A_33 = arith.constant 0 : index
    %get3A_34 = arith.constant 0 : index
    %get3A_35 = vector.load %arg1[%get3A_32, %get3A_33, %get3A_34] : memref<4x256x256xf32, #tpu.memory_space<vmem>>, vector<1x256x256xf32>
    %get3A_36 = vector.shape_cast %get3A_35 : vector<1x256x256xf32> to vector<256x256xf32>
    %mul3A_37 = vector.broadcast %get3A_31 : f32 to vector<256x256xf32>
    %mul3A_38 = arith.mulf %mul3A_37, %get3A_36 : vector<256x256xf32>
    %add3A_39 = arith.addf %add3A_28, %mul3A_38 : vector<256x256xf32>
    %swap3A = arith.constant 0 : index
    %swap3A_40 = arith.constant 0 : index
    %swap3A_41 = vector.load %arg2[%swap3A, %swap3A_40] : memref<2048x256xf32, #tpu.memory_space<vmem>>, vector<256x256xf32>
    tpu.vector_store %arg2[%swap3A, %swap3A_40], %add3A_39 {strides = array<i32>} : memref<2048x256xf32, #tpu.memory_space<vmem>>, vector<256x256xf32>,
    %get3A_42 = arith.constant 1 : index
    %get3A_43 = arith.constant 0 : index
    %get3A_44 = memref.load %arg0[%get3A_42, %get3A_43] : memref<8x4xf32, #tpu.memory_space<smem>>
    %get3A_45 = arith.constant 0 : index
    %get3A_46 = arith.constant 0 : index
    %get3A_47 = arith.constant 0 : index
    %get3A_48 = vector.load %arg1[%get3A_45, %get3A_46, %get3A_47] : memref<4x256x256xf32, #tpu.memory_space<vmem>>, vector<1x256x256xf32>
    %get3A_49 = vector.shape_cast %get3A_48 : vector<1x256x256xf32> to vector<256x256xf32>
    %mul3A_50 = vector.broadcast %get3A_44 : f32 to vector<256x256xf32>
    %mul3A_51 = arith.mulf %mul3A_50, %get3A_49 : vector<256x256xf32>
    %get3A_52 = arith.constant 1 : index
    %get3A_53 = arith.constant 1 : index
    %get3A_54 = memref.load %arg0[%get3A_52, %get3A_53] : memref<8x4xf32, #tpu.memory_space<smem>>
    %get3A_55 = arith.constant 1 : index
    %get3A_56 = arith.constant 0 : index
    %get3A_57 = arith.constant 0 : index
    %get3A_58 = vector.load %arg1[%get3A_55, %get3A_56, %get3A_57] : memref<4x256x256xf32, #tpu.memory_space<vmem>>, vector<1x256x256xf32>
    %get3A_59 = vector.shape_cast %get3A_58 : vector<1x256x256xf32> to vector<256x256xf32>
    %mul3A_60 = vector.broadcast %get3A_54 : f32 to vector<256x256xf32>
    %mul3A_61 = arith.mulf %mul3A_60, %get3A_59 : vector<256x256xf32>
    %add3A_62 = arith.addf %mul3A_51, %mul3A_61 : vector<256x256xf32>
    %get3A_63 = arith.constant 1 : index
    %get3A_64 = arith.constant 2 : index
    %get3A_65 = memref.load %arg0[%get3A_63, %get3A_64] : memref<8x4xf32, #tpu.memory_space<smem>>
    %get3A_66 = arith.constant 2 : index
    %get3A_67 = arith.constant 0 : index
    %get3A_68 = arith.constant 0 : index
    %get3A_69 = vector.load %arg1[%get3A_66, %get3A_67, %get3A_68] : memref<4x256x256xf32, #tpu.memory_space<vmem>>, vector<1x256x256xf32>
    %get3A_70 = vector.shape_cast %get3A_69 : vector<1x256x256xf32> to vector<256x256xf32>
    %mul3A_71 = vector.broadcast %get3A_65 : f32 to vector<256x256xf32>
    %mul3A_72 = arith.mulf %mul3A_71, %get3A_70 : vector<256x256xf32>
    %add3A_73 = arith.addf %add3A_62, %mul3A_72 : vector<256x256xf32>
    %get3A_74 = arith.constant 1 : index
    %get3A_75 = arith.constant 3 : index
    %get3A_76 = memref.load %arg0[%get3A_74, %get3A_75] : memref<8x4xf32, #tpu.memory_space<smem>>
    %get3A_77 = arith.constant 3 : index
    %get3A_78 = arith.constant 0 : index
    %get3A_79 = arith.constant 0 : index
    %get3A_80 = vector.load %arg1[%get3A_77, %get3A_78, %get3A_79] : memref<4x256x256xf32, #tpu.memory_space<vmem>>, vector<1x256x256xf32>
    %get3A_81 = vector.shape_cast %get3A_80 : vector<1x256x256xf32> to vector<256x256xf32>
    %mul3A_82 = vector.broadcast %get3A_76 : f32 to vector<256x256xf32>
    %mul3A_83 = arith.mulf %mul3A_82, %get3A_81 : vector<256x256xf32>
    %add3A_84 = arith.addf %add3A_73, %mul3A_83 : vector<256x256xf32>
    %swap3A_85 = arith.constant 256 : index
    %swap3A_86 = arith.constant 0 : index
    %swap3A_87 = vector.load %arg2[%swap3A_85, %swap3A_86] : memref<2048x256xf32, #tpu.memory_space<vmem>>, vector<256x256xf32>
    tpu.vector_store %arg2[%swap3A_85, %swap3A_86], %add3A_84 {strides = array<i32>} : memref<2048x256xf32, #tpu.memory_space<vmem>>, vector<256x256xf32>,
    %get3A_88 = arith.constant 2 : index
    %get3A_89 = arith.constant 0 : index
    %get3A_90 = memref.load %arg0[%get3A_88, %get3A_89] : memref<8x4xf32, #tpu.memory_space<smem>>
    %get3A_91 = arith.constant 0 : index
    %get3A_92 = arith.constant 0 : index
    %get3A_93 = arith.constant 0 : index
    %get3A_94 = vector.load %arg1[%get3A_91, %get3A_92, %get3A_93] : memref<4x256x256xf32, #tpu.memory_space<vmem>>, vector<1x256x256xf32>
    %get3A_95 = vector.shape_cast %get3A_94 : vector<1x256x256xf32> to vector<256x256xf32>
    %mul3A_96 = vector.broadcast %get3A_90 : f32 to vector<256x256xf32>
    %mul3A_97 = arith.mulf %mul3A_96, %get3A_95 : vector<256x256xf32>
    %get3A_98 = arith.constant 2 : index
    %get3A_99 = arith.constant 1 : index
    %get3A_100 = memref.load %arg0[%get3A_98, %get3A_99] : memref<8x4xf32, #tpu.memory_space<smem>>
    %get3A_101 = arith.constant 1 : index
    %get3A_102 = arith.constant 0 : index
    %get3A_103 = arith.constant 0 : index
    %get3A_104 = vector.load %arg1[%get3A_101, %get3A_102, %get3A_103] : memref<4x256x256xf32, #tpu.memory_space<vmem>>, vector<1x256x256xf32>
    %get3A_105 = vector.shape_cast %get3A_104 : vector<1x256x256xf32> to vector<256x256xf32>
    %mul3A_106 = vector.broadcast %get3A_100 : f32 to vector<256x256xf32>
    %mul3A_107 = arith.mulf %mul3A_106, %get3A_105 : vector<256x256xf32>
    %add3A_108 = arith.addf %mul3A_97, %mul3A_107 : vector<256x256xf32>
    %get3A_109 = arith.constant 2 : index
    %get3A_110 = arith.constant 2 : index
    %get3A_111 = memref.load %arg0[%get3A_109, %get3A_110] : memref<8x4xf32, #tpu.memory_space<smem>>
    %get3A_112 = arith.constant 2 : index
    %get3A_113 = arith.constant 0 : index
    %get3A_114 = arith.constant 0 : index
    %get3A_115 = vector.load %arg1[%get3A_112, %get3A_113, %get3A_114] : memref<4x256x256xf32, #tpu.memory_space<vmem>>, vector<1x256x256xf32>
    %get3A_116 = vector.shape_cast %get3A_115 : vector<1x256x256xf32> to vector<256x256xf32>
    %mul3A_117 = vector.broadcast %get3A_111 : f32 to vector<256x256xf32>
    %mul3A_118 = arith.mulf %mul3A_117, %get3A_116 : vector<256x256xf32>
    %add3A_119 = arith.addf %add3A_108, %mul3A_118 : vector<256x256xf32>
    %get3A_120 = arith.constant 2 : index
    %get3A_121 = arith.constant 3 : index
    %get3A_122 = memref.load %arg0[%get3A_120, %get3A_121] : memref<8x4xf32, #tpu.memory_space<smem>>
    %get3A_123 = arith.constant 3 : index
    %get3A_124 = arith.constant 0 : index
    %get3A_125 = arith.constant 0 : index
    %get3A_126 = vector.load %arg1[%get3A_123, %get3A_124, %get3A_125] : memref<4x256x256xf32, #tpu.memory_space<vmem>>, vector<1x256x256xf32>
    %get3A_127 = vector.shape_cast %get3A_126 : vector<1x256x256xf32> to vector<256x256xf32>
    %mul3A_128 = vector.broadcast %get3A_122 : f32 to vector<256x256xf32>
    %mul3A_129 = arith.mulf %mul3A_128, %get3A_127 : vector<256x256xf32>
    %add3A_130 = arith.addf %add3A_119, %mul3A_129 : vector<256x256xf32>
    %swap3A_131 = arith.constant 512 : index
    %swap3A_132 = arith.constant 0 : index
    %swap3A_133 = vector.load %arg2[%swap3A_131, %swap3A_132] : memref<2048x256xf32, #tpu.memory_space<vmem>>, vector<256x256xf32>
    tpu.vector_store %arg2[%swap3A_131, %swap3A_132], %add3A_130 {strides = array<i32>} : memref<2048x256xf32, #tpu.memory_space<vmem>>, vector<256x256xf32>,
    %get3A_134 = arith.constant 3 : index
    %get3A_135 = arith.constant 0 : index
    %get3A_136 = memref.load %arg0[%get3A_134, %get3A_135] : memref<8x4xf32, #tpu.memory_space<smem>>
    %get3A_137 = arith.constant 0 : index
    %get3A_138 = arith.constant 0 : index
    %get3A_139 = arith.constant 0 : index
    %get3A_140 = vector.load %arg1[%get3A_137, %get3A_138, %get3A_139] : memref<4x256x256xf32, #tpu.memory_space<vmem>>, vector<1x256x256xf32>
    %get3A_141 = vector.shape_cast %get3A_140 : vector<1x256x256xf32> to vector<256x256xf32>
    %mul3A_142 = vector.broadcast %get3A_136 : f32 to vector<256x256xf32>
    %mul3A_143 = arith.mulf %mul3A_142, %get3A_141 : vector<256x256xf32>
    %get3A_144 = arith.constant 3 : index
    %get3A_145 = arith.constant 1 : index
    %get3A_146 = memref.load %arg0[%get3A_144, %get3A_145] : memref<8x4xf32, #tpu.memory_space<smem>>
    %get3A_147 = arith.constant 1 : index
    %get3A_148 = arith.constant 0 : index
    %get3A_149 = arith.constant 0 : index
    %get3A_150 = vector.load %arg1[%get3A_147, %get3A_148, %get3A_149] : memref<4x256x256xf32, #tpu.memory_space<vmem>>, vector<1x256x256xf32>
    %get3A_151 = vector.shape_cast %get3A_150 : vector<1x256x256xf32> to vector<256x256xf32>
    %mul3A_152 = vector.broadcast %get3A_146 : f32 to vector<256x256xf32>
    %mul3A_153 = arith.mulf %mul3A_152, %get3A_151 : vector<256x256xf32>
    %add3A_154 = arith.addf %mul3A_143, %mul3A_153 : vector<256x256xf32>
    %get3A_155 = arith.constant 3 : index
    %get3A_156 = arith.constant 2 : index
    %get3A_157 = memref.load %arg0[%get3A_155, %get3A_156] : memref<8x4xf32, #tpu.memory_space<smem>>
    %get3A_158 = arith.constant 2 : index
    %get3A_159 = arith.constant 0 : index
    %get3A_160 = arith.constant 0 : index
    %get3A_161 = vector.load %arg1[%get3A_158, %get3A_159, %get3A_160] : memref<4x256x256xf32, #tpu.memory_space<vmem>>, vector<1x256x256xf32>
    %get3A_162 = vector.shape_cast %get3A_161 : vector<1x256x256xf32> to vector<256x256xf32>
    %mul3A_163 = vector.broadcast %get3A_157 : f32 to vector<256x256xf32>
    %mul3A_164 = arith.mulf %mul3A_163, %get3A_162 : vector<256x256xf32>
    %add3A_165 = arith.addf %add3A_154, %mul3A_164 : vector<256x256xf32>
    %get3A_166 = arith.constant 3 : index
    %get3A_167 = arith.constant 3 : index
    %get3A_168 = memref.load %arg0[%get3A_166, %get3A_167] : memref<8x4xf32, #tpu.memory_space<smem>>
    %get3A_169 = arith.constant 3 : index
    %get3A_170 = arith.constant 0 : index
    %get3A_171 = arith.constant 0 : index
    %get3A_172 = vector.load %arg1[%get3A_169, %get3A_170, %get3A_171] : memref<4x256x256xf32, #tpu.memory_space<vmem>>, vector<1x256x256xf32>
    %get3A_173 = vector.shape_cast %get3A_172 : vector<1x256x256xf32> to vector<256x256xf32>
    %mul3A_174 = vector.broadcast %get3A_168 : f32 to vector<256x256xf32>
    %mul3A_175 = arith.mulf %mul3A_174, %get3A_173 : vector<256x256xf32>
    %add3A_176 = arith.addf %add3A_165, %mul3A_175 : vector<256x256xf32>
    %swap3A_177 = arith.constant 768 : index
    %swap3A_178 = arith.constant 0 : index
    %swap3A_179 = vector.load %arg2[%swap3A_177, %swap3A_178] : memref<2048x256xf32, #tpu.memory_space<vmem>>, vector<256x256xf32>
    tpu.vector_store %arg2[%swap3A_177, %swap3A_178], %add3A_176 {strides = array<i32>} : memref<2048x256xf32, #tpu.memory_space<vmem>>, vector<256x256xf32>,
    %get3A_180 = arith.constant 4 : index
    %get3A_181 = arith.constant 0 : index
    %get3A_182 = memref.load %arg0[%get3A_180, %get3A_181] : memref<8x4xf32, #tpu.memory_space<smem>>
    %get3A_183 = arith.constant 0 : index
    %get3A_184 = arith.constant 0 : index
    %get3A_185 = arith.constant 0 : index
    %get3A_186 = vector.load %arg1[%get3A_183, %get3A_184, %get3A_185] : memref<4x256x256xf32, #tpu.memory_space<vmem>>, vector<1x256x256xf32>
    %get3A_187 = vector.shape_cast %get3A_186 : vector<1x256x256xf32> to vector<256x256xf32>
    %mul3A_188 = vector.broadcast %get3A_182 : f32 to vector<256x256xf32>
    %mul3A_189 = arith.mulf %mul3A_188, %get3A_187 : vector<256x256xf32>
    %get3A_190 = arith.constant 4 : index
    %get3A_191 = arith.constant 1 : index
    %get3A_192 = memref.load %arg0[%get3A_190, %get3A_191] : memref<8x4xf32, #tpu.memory_space<smem>>
    %get3A_193 = arith.constant 1 : index
    %get3A_194 = arith.constant 0 : index
    %get3A_195 = arith.constant 0 : index
    %get3A_196 = vector.load %arg1[%get3A_193, %get3A_194, %get3A_195] : memref<4x256x256xf32, #tpu.memory_space<vmem>>, vector<1x256x256xf32>
    %get3A_197 = vector.shape_cast %get3A_196 : vector<1x256x256xf32> to vector<256x256xf32>
    %mul3A_198 = vector.broadcast %get3A_192 : f32 to vector<256x256xf32>
    %mul3A_199 = arith.mulf %mul3A_198, %get3A_197 : vector<256x256xf32>
    %add3A_200 = arith.addf %mul3A_189, %mul3A_199 : vector<256x256xf32>
    %get3A_201 = arith.constant 4 : index
    %get3A_202 = arith.constant 2 : index
    %get3A_203 = memref.load %arg0[%get3A_201, %get3A_202] : memref<8x4xf32, #tpu.memory_space<smem>>
    %get3A_204 = arith.constant 2 : index
    %get3A_205 = arith.constant 0 : index
    %get3A_206 = arith.constant 0 : index
    %get3A_207 = vector.load %arg1[%get3A_204, %get3A_205, %get3A_206] : memref<4x256x256xf32, #tpu.memory_space<vmem>>, vector<1x256x256xf32>
    %get3A_208 = vector.shape_cast %get3A_207 : vector<1x256x256xf32> to vector<256x256xf32>
    %mul3A_209 = vector.broadcast %get3A_203 : f32 to vector<256x256xf32>
    %mul3A_210 = arith.mulf %mul3A_209, %get3A_208 : vector<256x256xf32>
    %add3A_211 = arith.addf %add3A_200, %mul3A_210 : vector<256x256xf32>
    %get3A_212 = arith.constant 4 : index
    %get3A_213 = arith.constant 3 : index
    %get3A_214 = memref.load %arg0[%get3A_212, %get3A_213] : memref<8x4xf32, #tpu.memory_space<smem>>
    %get3A_215 = arith.constant 3 : index
    %get3A_216 = arith.constant 0 : index
    %get3A_217 = arith.constant 0 : index
    %get3A_218 = vector.load %arg1[%get3A_215, %get3A_216, %get3A_217] : memref<4x256x256xf32, #tpu.memory_space<vmem>>, vector<1x256x256xf32>
    %get3A_219 = vector.shape_cast %get3A_218 : vector<1x256x256xf32> to vector<256x256xf32>
    %mul3A_220 = vector.broadcast %get3A_214 : f32 to vector<256x256xf32>
    %mul3A_221 = arith.mulf %mul3A_220, %get3A_219 : vector<256x256xf32>
    %add3A_222 = arith.addf %add3A_211, %mul3A_221 : vector<256x256xf32>
    %swap3A_223 = arith.constant 1024 : index
    %swap3A_224 = arith.constant 0 : index
    %swap3A_225 = vector.load %arg2[%swap3A_223, %swap3A_224] : memref<2048x256xf32, #tpu.memory_space<vmem>>, vector<256x256xf32>
    tpu.vector_store %arg2[%swap3A_223, %swap3A_224], %add3A_222 {strides = array<i32>} : memref<2048x256xf32, #tpu.memory_space<vmem>>, vector<256x256xf32>,
    %get3A_226 = arith.constant 5 : index
    %get3A_227 = arith.constant 0 : index
    %get3A_228 = memref.load %arg0[%get3A_226, %get3A_227] : memref<8x4xf32, #tpu.memory_space<smem>>
    %get3A_229 = arith.constant 0 : index
    %get3A_230 = arith.constant 0 : index
    %get3A_231 = arith.constant 0 : index
    %get3A_232 = vector.load %arg1[%get3A_229, %get3A_230, %get3A_231] : memref<4x256x256xf32, #tpu.memory_space<vmem>>, vector<1x256x256xf32>
    %get3A_233 = vector.shape_cast %get3A_232 : vector<1x256x256xf32> to vector<256x256xf32>
    %mul3A_234 = vector.broadcast %get3A_228 : f32 to vector<256x256xf32>
    %mul3A_235 = arith.mulf %mul3A_234, %get3A_233 : vector<256x256xf32>
    %get3A_236 = arith.constant 5 : index
    %get3A_237 = arith.constant 1 : index
    %get3A_238 = memref.load %arg0[%get3A_236, %get3A_237] : memref<8x4xf32, #tpu.memory_space<smem>>
    %get3A_239 = arith.constant 1 : index
    %get3A_240 = arith.constant 0 : index
    %get3A_241 = arith.constant 0 : index
    %get3A_242 = vector.load %arg1[%get3A_239, %get3A_240, %get3A_241] : memref<4x256x256xf32, #tpu.memory_space<vmem>>, vector<1x256x256xf32>
    %get3A_243 = vector.shape_cast %get3A_242 : vector<1x256x256xf32> to vector<256x256xf32>
    %mul3A_244 = vector.broadcast %get3A_238 : f32 to vector<256x256xf32>
    %mul3A_245 = arith.mulf %mul3A_244, %get3A_243 : vector<256x256xf32>
    %add3A_246 = arith.addf %mul3A_235, %mul3A_245 : vector<256x256xf32>
    %get3A_247 = arith.constant 5 : index
    %get3A_248 = arith.constant 2 : index
    %get3A_249 = memref.load %arg0[%get3A_247, %get3A_248] : memref<8x4xf32, #tpu.memory_space<smem>>
    %get3A_250 = arith.constant 2 : index
    %get3A_251 = arith.constant 0 : index
    %get3A_252 = arith.constant 0 : index
    %get3A_253 = vector.load %arg1[%get3A_250, %get3A_251, %get3A_252] : memref<4x256x256xf32, #tpu.memory_space<vmem>>, vector<1x256x256xf32>
    %get3A_254 = vector.shape_cast %get3A_253 : vector<1x256x256xf32> to vector<256x256xf32>
    %mul3A_255 = vector.broadcast %get3A_249 : f32 to vector<256x256xf32>
    %mul3A_256 = arith.mulf %mul3A_255, %get3A_254 : vector<256x256xf32>
    %add3A_257 = arith.addf %add3A_246, %mul3A_256 : vector<256x256xf32>
    %get3A_258 = arith.constant 5 : index
    %get3A_259 = arith.constant 3 : index
    %get3A_260 = memref.load %arg0[%get3A_258, %get3A_259] : memref<8x4xf32, #tpu.memory_space<smem>>
    %get3A_261 = arith.constant 3 : index
    %get3A_262 = arith.constant 0 : index
    %get3A_263 = arith.constant 0 : index
    %get3A_264 = vector.load %arg1[%get3A_261, %get3A_262, %get3A_263] : memref<4x256x256xf32, #tpu.memory_space<vmem>>, vector<1x256x256xf32>
    %get3A_265 = vector.shape_cast %get3A_264 : vector<1x256x256xf32> to vector<256x256xf32>
    %mul3A_266 = vector.broadcast %get3A_260 : f32 to vector<256x256xf32>
    %mul3A_267 = arith.mulf %mul3A_266, %get3A_265 : vector<256x256xf32>
    %add3A_268 = arith.addf %add3A_257, %mul3A_267 : vector<256x256xf32>
    %swap3A_269 = arith.constant 1280 : index
    %swap3A_270 = arith.constant 0 : index
    %swap3A_271 = vector.load %arg2[%swap3A_269, %swap3A_270] : memref<2048x256xf32, #tpu.memory_space<vmem>>, vector<256x256xf32>
    tpu.vector_store %arg2[%swap3A_269, %swap3A_270], %add3A_268 {strides = array<i32>} : memref<2048x256xf32, #tpu.memory_space<vmem>>, vector<256x256xf32>,
    %get3A_272 = arith.constant 6 : index
    %get3A_273 = arith.constant 0 : index
    %get3A_274 = memref.load %arg0[%get3A_272, %get3A_273] : memref<8x4xf32, #tpu.memory_space<smem>>
    %get3A_275 = arith.constant 0 : index
    %get3A_276 = arith.constant 0 : index
    %get3A_277 = arith.constant 0 : index
    %get3A_278 = vector.load %arg1[%get3A_275, %get3A_276, %get3A_277] : memref<4x256x256xf32, #tpu.memory_space<vmem>>, vector<1x256x256xf32>
    %get3A_279 = vector.shape_cast %get3A_278 : vector<1x256x256xf32> to vector<256x256xf32>
    %mul3A_280 = vector.broadcast %get3A_274 : f32 to vector<256x256xf32>
    %mul3A_281 = arith.mulf %mul3A_280, %get3A_279 : vector<256x256xf32>
    %get3A_282 = arith.constant 6 : index
    %get3A_283 = arith.constant 1 : index
    %get3A_284 = memref.load %arg0[%get3A_282, %get3A_283] : memref<8x4xf32, #tpu.memory_space<smem>>
    %get3A_285 = arith.constant 1 : index
    %get3A_286 = arith.constant 0 : index
    %get3A_287 = arith.constant 0 : index
    %get3A_288 = vector.load %arg1[%get3A_285, %get3A_286, %get3A_287] : memref<4x256x256xf32, #tpu.memory_space<vmem>>, vector<1x256x256xf32>
    %get3A_289 = vector.shape_cast %get3A_288 : vector<1x256x256xf32> to vector<256x256xf32>
    %mul3A_290 = vector.broadcast %get3A_284 : f32 to vector<256x256xf32>
    %mul3A_291 = arith.mulf %mul3A_290, %get3A_289 : vector<256x256xf32>
    %add3A_292 = arith.addf %mul3A_281, %mul3A_291 : vector<256x256xf32>
    %get3A_293 = arith.constant 6 : index
    %get3A_294 = arith.constant 2 : index
    %get3A_295 = memref.load %arg0[%get3A_293, %get3A_294] : memref<8x4xf32, #tpu.memory_space<smem>>
    %get3A_296 = arith.constant 2 : index
    %get3A_297 = arith.constant 0 : index
    %get3A_298 = arith.constant 0 : index
    %get3A_299 = vector.load %arg1[%get3A_296, %get3A_297, %get3A_298] : memref<4x256x256xf32, #tpu.memory_space<vmem>>, vector<1x256x256xf32>
    %get3A_300 = vector.shape_cast %get3A_299 : vector<1x256x256xf32> to vector<256x256xf32>
    %mul3A_301 = vector.broadcast %get3A_295 : f32 to vector<256x256xf32>
    %mul3A_302 = arith.mulf %mul3A_301, %get3A_300 : vector<256x256xf32>
    %add3A_303 = arith.addf %add3A_292, %mul3A_302 : vector<256x256xf32>
    %get3A_304 = arith.constant 6 : index
    %get3A_305 = arith.constant 3 : index
    %get3A_306 = memref.load %arg0[%get3A_304, %get3A_305] : memref<8x4xf32, #tpu.memory_space<smem>>
    %get3A_307 = arith.constant 3 : index
    %get3A_308 = arith.constant 0 : index
    %get3A_309 = arith.constant 0 : index
    %get3A_310 = vector.load %arg1[%get3A_307, %get3A_308, %get3A_309] : memref<4x256x256xf32, #tpu.memory_space<vmem>>, vector<1x256x256xf32>
    %get3A_311 = vector.shape_cast %get3A_310 : vector<1x256x256xf32> to vector<256x256xf32>
    %mul3A_312 = vector.broadcast %get3A_306 : f32 to vector<256x256xf32>
    %mul3A_313 = arith.mulf %mul3A_312, %get3A_311 : vector<256x256xf32>
    %add3A_314 = arith.addf %add3A_303, %mul3A_313 : vector<256x256xf32>
    %swap3A_315 = arith.constant 1536 : index
    %swap3A_316 = arith.constant 0 : index
    %swap3A_317 = vector.load %arg2[%swap3A_315, %swap3A_316] : memref<2048x256xf32, #tpu.memory_space<vmem>>, vector<256x256xf32>
    tpu.vector_store %arg2[%swap3A_315, %swap3A_316], %add3A_314 {strides = array<i32>} : memref<2048x256xf32, #tpu.memory_space<vmem>>, vector<256x256xf32>,
    %get3A_318 = arith.constant 7 : index
    %get3A_319 = arith.constant 0 : index
    %get3A_320 = memref.load %arg0[%get3A_318, %get3A_319] : memref<8x4xf32, #tpu.memory_space<smem>>
    %get3A_321 = arith.constant 0 : index
    %get3A_322 = arith.constant 0 : index
    %get3A_323 = arith.constant 0 : index
    %get3A_324 = vector.load %arg1[%get3A_321, %get3A_322, %get3A_323] : memref<4x256x256xf32, #tpu.memory_space<vmem>>, vector<1x256x256xf32>
    %get3A_325 = vector.shape_cast %get3A_324 : vector<1x256x256xf32> to vector<256x256xf32>
    %mul3A_326 = vector.broadcast %get3A_320 : f32 to vector<256x256xf32>
    %mul3A_327 = arith.mulf %mul3A_326, %get3A_325 : vector<256x256xf32>
    %get3A_328 = arith.constant 7 : index
    %get3A_329 = arith.constant 1 : index
    %get3A_330 = memref.load %arg0[%get3A_328, %get3A_329] : memref<8x4xf32, #tpu.memory_space<smem>>
    %get3A_331 = arith.constant 1 : index
    %get3A_332 = arith.constant 0 : index
    %get3A_333 = arith.constant 0 : index
    %get3A_334 = vector.load %arg1[%get3A_331, %get3A_332, %get3A_333] : memref<4x256x256xf32, #tpu.memory_space<vmem>>, vector<1x256x256xf32>
    %get3A_335 = vector.shape_cast %get3A_334 : vector<1x256x256xf32> to vector<256x256xf32>
    %mul3A_336 = vector.broadcast %get3A_330 : f32 to vector<256x256xf32>
    %mul3A_337 = arith.mulf %mul3A_336, %get3A_335 : vector<256x256xf32>
    %add3A_338 = arith.addf %mul3A_327, %mul3A_337 : vector<256x256xf32>
    %get3A_339 = arith.constant 7 : index
    %get3A_340 = arith.constant 2 : index
    %get3A_341 = memref.load %arg0[%get3A_339, %get3A_340] : memref<8x4xf32, #tpu.memory_space<smem>>
    %get3A_342 = arith.constant 2 : index
    %get3A_343 = arith.constant 0 : index
    %get3A_344 = arith.constant 0 : index
    %get3A_345 = vector.load %arg1[%get3A_342, %get3A_343, %get3A_344] : memref<4x256x256xf32, #tpu.memory_space<vmem>>, vector<1x256x256xf32>
    %get3A_346 = vector.shape_cast %get3A_345 : vector<1x256x256xf32> to vector<256x256xf32>
    %mul3A_347 = vector.broadcast %get3A_341 : f32 to vector<256x256xf32>
    %mul3A_348 = arith.mulf %mul3A_347, %get3A_346 : vector<256x256xf32>
    %add3A_349 = arith.addf %add3A_338, %mul3A_348 : vector<256x256xf32>
    %get3A_350 = arith.constant 7 : index
    %get3A_351 = arith.constant 3 : index
    %get3A_352 = memref.load %arg0[%get3A_350, %get3A_351] : memref<8x4xf32, #tpu.memory_space<smem>>
    %get3A_353 = arith.constant 3 : index
    %get3A_354 = arith.constant 0 : index
    %get3A_355 = arith.constant 0 : index
    %get3A_356 = vector.load %arg1[%get3A_353, %get3A_354, %get3A_355] : memref<4x256x256xf32, #tpu.memory_space<vmem>>, vector<1x256x256xf32>
    %get3A_357 = vector.shape_cast %get3A_356 : vector<1x256x256xf32> to vector<256x256xf32>
    %mul3A_358 = vector.broadcast %get3A_352 : f32 to vector<256x256xf32>
    %mul3A_359 = arith.mulf %mul3A_358, %get3A_357 : vector<256x256xf32>
    %add3A_360 = arith.addf %add3A_349, %mul3A_359 : vector<256x256xf32>
    %swap3A_361 = arith.constant 1792 : index
    %swap3A_362 = arith.constant 0 : index
    %swap3A_363 = vector.load %arg2[%swap3A_361, %swap3A_362] : memref<2048x256xf32, #tpu.memory_space<vmem>>, vector<256x256xf32>
    tpu.vector_store %arg2[%swap3A_361, %swap3A_362], %add3A_360 {strides = array<i32>} : memref<2048x256xf32, #tpu.memory_space<vmem>>, vector<256x256xf32>,
    return
  }
}

module attributes {stable_mosaic.version = 14 : i64} {
  func.func @_tc_body(%arg0: i32, %arg1: memref<400x2048xf32, #tpu.memory_space<vmem>>, %arg2: memref<400x8xf32, #tpu.memory_space<vmem>>, %arg3: memref<400x256xf32, #tpu.memory_space<vmem>>, %arg4: memref<2048x256xf32, #tpu.memory_space<vmem>>, %arg5: memref<256x256xf32, #tpu.memory_space<vmem>>, %arg6: memref<8x256xf32, #tpu.memory_space<vmem>>, %arg7: memref<400x256xf32, #tpu.memory_space<vmem>>) attributes {dimension_semantics = [#tpu.dimension_semantics<arbitrary>], iteration_bounds = array<i64: 25>, scalar_prefetch = 0 : i64, scratch_operands = 0 : i64, tpu.core_type = #tpu.core_type<tc>, window_params = [{transform_indices = @transform_0, window_bounds = array<i64: 400, 2048>}, {transform_indices = @transform_1, window_bounds = array<i64: 400, 8>}, {transform_indices = @transform_2, window_bounds = array<i64: 400, 256>}, {pipeline_mode = #tpu.pipeline_mode<synchronous>, transform_indices = @transform_3, window_bounds = array<i64: 2048, 256>}, {pipeline_mode = #tpu.pipeline_mode<synchronous>, transform_indices = @transform_4, window_bounds = array<i64: 256, 256>}, {pipeline_mode = #tpu.pipeline_mode<synchronous>, transform_indices = @transform_5, window_bounds = array<i64: 8, 256>}, {transform_indices = @transform_6, window_bounds = array<i64: 400, 256>}]} {
    %get3A = arith.constant 0 : index
    %get3A_0 = arith.constant 0 : index
    %get3A_1 = vector.load %arg2[%get3A, %get3A_0] : memref<400x8xf32, #tpu.memory_space<vmem>>, vector<400x8xf32>
    %max3A = arith.constant 1.000000e+00 : f32
    %max3A_2 = vector.broadcast %max3A : f32 to vector<400x8xf32>
    %max3A_3 = arith.maximumf %get3A_1, %max3A_2 : vector<400x8xf32>
    %div3A = arith.constant 1.000000e+00 : f32
    %div3A_4 = vector.broadcast %div3A : f32 to vector<400x8xf32>
    %div3A_5 = arith.divf %div3A_4, %max3A_3 : vector<400x8xf32>
    %get3A_6 = arith.constant 0 : index
    %get3A_7 = arith.constant 0 : index
    %get3A_8 = vector.load %arg3[%get3A_6, %get3A_7] : memref<400x256xf32, #tpu.memory_space<vmem>>, vector<400x256xf32>
    %get3A_9 = arith.constant 0 : index
    %get3A_10 = arith.constant 0 : index
    %get3A_11 = vector.load %arg5[%get3A_9, %get3A_10] : memref<256x256xf32, #tpu.memory_space<vmem>>, vector<256x256xf32>
    %dot_general3A = arith.constant dense<0.000000e+00> : vector<400x256xf32>
    %dot_general3A_12 = tpu.matmul %get3A_8, %get3A_11, %dot_general3A {dimension_numbers = #tpu.dot_dimension_numbers<[1], [0], [0], [1], [0, 0, 1, 1], [], []>, precision = #tpu.contract_precision<fp32>, transpose_lhs_hint = false} : vector<400x256xf32>, vector<256x256xf32>, vector<400x256xf32> -> vector<400x256xf32>
    %get3A_13 = arith.constant 0 : index
    %get3A_14 = arith.constant 0 : index
    %get3A_15 = vector.load %arg1[%get3A_13, %get3A_14] : memref<400x2048xf32, #tpu.memory_space<vmem>>, vector<400x256xf32>
    %slice3A = vector.extract_strided_slice %div3A_5 {offsets = [0, 0], sizes = [400, 1], strides = [1, 1]} : vector<400x8xf32> to vector<400x1xf32>
    %mul3A = vector.broadcast %slice3A : vector<400x1xf32> to vector<400x256xf32>
    %mul3A_16 = arith.mulf %get3A_15, %mul3A : vector<400x256xf32>
    %get3A_17 = arith.constant 0 : index
    %get3A_18 = arith.constant 0 : index
    %get3A_19 = vector.load %arg4[%get3A_17, %get3A_18] : memref<2048x256xf32, #tpu.memory_space<vmem>>, vector<256x256xf32>
    %dot_general3A_20 = arith.constant dense<0.000000e+00> : vector<400x256xf32>
    %dot_general3A_21 = tpu.matmul %mul3A_16, %get3A_19, %dot_general3A_20 {dimension_numbers = #tpu.dot_dimension_numbers<[1], [0], [0], [1], [0, 0, 1, 1], [], []>, precision = #tpu.contract_precision<fp32>, transpose_lhs_hint = false} : vector<400x256xf32>, vector<256x256xf32>, vector<400x256xf32> -> vector<400x256xf32>
    %add3A = arith.addf %dot_general3A_12, %dot_general3A_21 : vector<400x256xf32>
    %get3A_22 = arith.constant 0 : index
    %get3A_23 = arith.constant 256 : index
    %get3A_24 = vector.load %arg1[%get3A_22, %get3A_23] : memref<400x2048xf32, #tpu.memory_space<vmem>>, vector<400x256xf32>
    %slice3A_25 = vector.extract_strided_slice %div3A_5 {offsets = [0, 1], sizes = [400, 1], strides = [1, 1]} : vector<400x8xf32> to vector<400x1xf32>
    %mul3A_26 = vector.broadcast %slice3A_25 : vector<400x1xf32> to vector<400x256xf32>
    %mul3A_27 = arith.mulf %get3A_24, %mul3A_26 : vector<400x256xf32>
    %get3A_28 = arith.constant 256 : index
    %get3A_29 = arith.constant 0 : index
    %get3A_30 = vector.load %arg4[%get3A_28, %get3A_29] : memref<2048x256xf32, #tpu.memory_space<vmem>>, vector<256x256xf32>
    %dot_general3A_31 = arith.constant dense<0.000000e+00> : vector<400x256xf32>
    %dot_general3A_32 = tpu.matmul %mul3A_27, %get3A_30, %dot_general3A_31 {dimension_numbers = #tpu.dot_dimension_numbers<[1], [0], [0], [1], [0, 0, 1, 1], [], []>, precision = #tpu.contract_precision<fp32>, transpose_lhs_hint = false} : vector<400x256xf32>, vector<256x256xf32>, vector<400x256xf32> -> vector<400x256xf32>
    %add3A_33 = arith.addf %add3A, %dot_general3A_32 : vector<400x256xf32>
    %get3A_34 = arith.constant 0 : index
    %get3A_35 = arith.constant 512 : index
    %get3A_36 = vector.load %arg1[%get3A_34, %get3A_35] : memref<400x2048xf32, #tpu.memory_space<vmem>>, vector<400x256xf32>
    %slice3A_37 = vector.extract_strided_slice %div3A_5 {offsets = [0, 2], sizes = [400, 1], strides = [1, 1]} : vector<400x8xf32> to vector<400x1xf32>
    %mul3A_38 = vector.broadcast %slice3A_37 : vector<400x1xf32> to vector<400x256xf32>
    %mul3A_39 = arith.mulf %get3A_36, %mul3A_38 : vector<400x256xf32>
    %get3A_40 = arith.constant 512 : index
    %get3A_41 = arith.constant 0 : index
    %get3A_42 = vector.load %arg4[%get3A_40, %get3A_41] : memref<2048x256xf32, #tpu.memory_space<vmem>>, vector<256x256xf32>
    %dot_general3A_43 = arith.constant dense<0.000000e+00> : vector<400x256xf32>
    %dot_general3A_44 = tpu.matmul %mul3A_39, %get3A_42, %dot_general3A_43 {dimension_numbers = #tpu.dot_dimension_numbers<[1], [0], [0], [1], [0, 0, 1, 1], [], []>, precision = #tpu.contract_precision<fp32>, transpose_lhs_hint = false} : vector<400x256xf32>, vector<256x256xf32>, vector<400x256xf32> -> vector<400x256xf32>
    %add3A_45 = arith.addf %add3A_33, %dot_general3A_44 : vector<400x256xf32>
    %get3A_46 = arith.constant 0 : index
    %get3A_47 = arith.constant 768 : index
    %get3A_48 = vector.load %arg1[%get3A_46, %get3A_47] : memref<400x2048xf32, #tpu.memory_space<vmem>>, vector<400x256xf32>
    %slice3A_49 = vector.extract_strided_slice %div3A_5 {offsets = [0, 3], sizes = [400, 1], strides = [1, 1]} : vector<400x8xf32> to vector<400x1xf32>
    %mul3A_50 = vector.broadcast %slice3A_49 : vector<400x1xf32> to vector<400x256xf32>
    %mul3A_51 = arith.mulf %get3A_48, %mul3A_50 : vector<400x256xf32>
    %get3A_52 = arith.constant 768 : index
    %get3A_53 = arith.constant 0 : index
    %get3A_54 = vector.load %arg4[%get3A_52, %get3A_53] : memref<2048x256xf32, #tpu.memory_space<vmem>>, vector<256x256xf32>
    %dot_general3A_55 = arith.constant dense<0.000000e+00> : vector<400x256xf32>
    %dot_general3A_56 = tpu.matmul %mul3A_51, %get3A_54, %dot_general3A_55 {dimension_numbers = #tpu.dot_dimension_numbers<[1], [0], [0], [1], [0, 0, 1, 1], [], []>, precision = #tpu.contract_precision<fp32>, transpose_lhs_hint = false} : vector<400x256xf32>, vector<256x256xf32>, vector<400x256xf32> -> vector<400x256xf32>
    %add3A_57 = arith.addf %add3A_45, %dot_general3A_56 : vector<400x256xf32>
    %get3A_58 = arith.constant 0 : index
    %get3A_59 = arith.constant 1024 : index
    %get3A_60 = vector.load %arg1[%get3A_58, %get3A_59] : memref<400x2048xf32, #tpu.memory_space<vmem>>, vector<400x256xf32>
    %slice3A_61 = vector.extract_strided_slice %div3A_5 {offsets = [0, 4], sizes = [400, 1], strides = [1, 1]} : vector<400x8xf32> to vector<400x1xf32>
    %mul3A_62 = vector.broadcast %slice3A_61 : vector<400x1xf32> to vector<400x256xf32>
    %mul3A_63 = arith.mulf %get3A_60, %mul3A_62 : vector<400x256xf32>
    %get3A_64 = arith.constant 1024 : index
    %get3A_65 = arith.constant 0 : index
    %get3A_66 = vector.load %arg4[%get3A_64, %get3A_65] : memref<2048x256xf32, #tpu.memory_space<vmem>>, vector<256x256xf32>
    %dot_general3A_67 = arith.constant dense<0.000000e+00> : vector<400x256xf32>
    %dot_general3A_68 = tpu.matmul %mul3A_63, %get3A_66, %dot_general3A_67 {dimension_numbers = #tpu.dot_dimension_numbers<[1], [0], [0], [1], [0, 0, 1, 1], [], []>, precision = #tpu.contract_precision<fp32>, transpose_lhs_hint = false} : vector<400x256xf32>, vector<256x256xf32>, vector<400x256xf32> -> vector<400x256xf32>
    %add3A_69 = arith.addf %add3A_57, %dot_general3A_68 : vector<400x256xf32>
    %get3A_70 = arith.constant 0 : index
    %get3A_71 = arith.constant 1280 : index
    %get3A_72 = vector.load %arg1[%get3A_70, %get3A_71] : memref<400x2048xf32, #tpu.memory_space<vmem>>, vector<400x256xf32>
    %slice3A_73 = vector.extract_strided_slice %div3A_5 {offsets = [0, 5], sizes = [400, 1], strides = [1, 1]} : vector<400x8xf32> to vector<400x1xf32>
    %mul3A_74 = vector.broadcast %slice3A_73 : vector<400x1xf32> to vector<400x256xf32>
    %mul3A_75 = arith.mulf %get3A_72, %mul3A_74 : vector<400x256xf32>
    %get3A_76 = arith.constant 1280 : index
    %get3A_77 = arith.constant 0 : index
    %get3A_78 = vector.load %arg4[%get3A_76, %get3A_77] : memref<2048x256xf32, #tpu.memory_space<vmem>>, vector<256x256xf32>
    %dot_general3A_79 = arith.constant dense<0.000000e+00> : vector<400x256xf32>
    %dot_general3A_80 = tpu.matmul %mul3A_75, %get3A_78, %dot_general3A_79 {dimension_numbers = #tpu.dot_dimension_numbers<[1], [0], [0], [1], [0, 0, 1, 1], [], []>, precision = #tpu.contract_precision<fp32>, transpose_lhs_hint = false} : vector<400x256xf32>, vector<256x256xf32>, vector<400x256xf32> -> vector<400x256xf32>
    %add3A_81 = arith.addf %add3A_69, %dot_general3A_80 : vector<400x256xf32>
    %get3A_82 = arith.constant 0 : index
    %get3A_83 = arith.constant 1536 : index
    %get3A_84 = vector.load %arg1[%get3A_82, %get3A_83] : memref<400x2048xf32, #tpu.memory_space<vmem>>, vector<400x256xf32>
    %slice3A_85 = vector.extract_strided_slice %div3A_5 {offsets = [0, 6], sizes = [400, 1], strides = [1, 1]} : vector<400x8xf32> to vector<400x1xf32>
    %mul3A_86 = vector.broadcast %slice3A_85 : vector<400x1xf32> to vector<400x256xf32>
    %mul3A_87 = arith.mulf %get3A_84, %mul3A_86 : vector<400x256xf32>
    %get3A_88 = arith.constant 1536 : index
    %get3A_89 = arith.constant 0 : index
    %get3A_90 = vector.load %arg4[%get3A_88, %get3A_89] : memref<2048x256xf32, #tpu.memory_space<vmem>>, vector<256x256xf32>
    %dot_general3A_91 = arith.constant dense<0.000000e+00> : vector<400x256xf32>
    %dot_general3A_92 = tpu.matmul %mul3A_87, %get3A_90, %dot_general3A_91 {dimension_numbers = #tpu.dot_dimension_numbers<[1], [0], [0], [1], [0, 0, 1, 1], [], []>, precision = #tpu.contract_precision<fp32>, transpose_lhs_hint = false} : vector<400x256xf32>, vector<256x256xf32>, vector<400x256xf32> -> vector<400x256xf32>
    %add3A_93 = arith.addf %add3A_81, %dot_general3A_92 : vector<400x256xf32>
    %get3A_94 = arith.constant 0 : index
    %get3A_95 = arith.constant 1792 : index
    %get3A_96 = vector.load %arg1[%get3A_94, %get3A_95] : memref<400x2048xf32, #tpu.memory_space<vmem>>, vector<400x256xf32>
    %slice3A_97 = vector.extract_strided_slice %div3A_5 {offsets = [0, 7], sizes = [400, 1], strides = [1, 1]} : vector<400x8xf32> to vector<400x1xf32>
    %mul3A_98 = vector.broadcast %slice3A_97 : vector<400x1xf32> to vector<400x256xf32>
    %mul3A_99 = arith.mulf %get3A_96, %mul3A_98 : vector<400x256xf32>
    %get3A_100 = arith.constant 1792 : index
    %get3A_101 = arith.constant 0 : index
    %get3A_102 = vector.load %arg4[%get3A_100, %get3A_101] : memref<2048x256xf32, #tpu.memory_space<vmem>>, vector<256x256xf32>
    %dot_general3A_103 = arith.constant dense<0.000000e+00> : vector<400x256xf32>
    %dot_general3A_104 = tpu.matmul %mul3A_99, %get3A_102, %dot_general3A_103 {dimension_numbers = #tpu.dot_dimension_numbers<[1], [0], [0], [1], [0, 0, 1, 1], [], []>, precision = #tpu.contract_precision<fp32>, transpose_lhs_hint = false} : vector<400x256xf32>, vector<256x256xf32>, vector<400x256xf32> -> vector<400x256xf32>
    %add3A_105 = arith.addf %add3A_93, %dot_general3A_104 : vector<400x256xf32>
    %get3A_106 = arith.constant 0 : index
    %get3A_107 = arith.constant 0 : index
    %get3A_108 = vector.load %arg6[%get3A_106, %get3A_107] : memref<8x256xf32, #tpu.memory_space<vmem>>, vector<1x256xf32>
    %add3A_109 = vector.broadcast %get3A_108 : vector<1x256xf32> to vector<400x256xf32>
    %add3A_110 = arith.addf %add3A_105, %add3A_109 : vector<400x256xf32>
    %max3A_111 = arith.constant 0.000000e+00 : f32
    %max3A_112 = vector.broadcast %max3A_111 : f32 to vector<400x256xf32>
    %max3A_113 = arith.maximumf %add3A_110, %max3A_112 : vector<400x256xf32>
    %swap3A = arith.constant 0 : index
    %swap3A_114 = arith.constant 0 : index
    %swap3A_115 = vector.load %arg7[%swap3A, %swap3A_114] : memref<400x256xf32, #tpu.memory_space<vmem>>, vector<400x256xf32>
    tpu.vector_store %arg7[%swap3A, %swap3A_114], %max3A_113 {strides = array<i32>} : memref<400x256xf32, #tpu.memory_space<vmem>>, vector<400x256xf32>,
    return
  }
  func.func @transform_0(%arg0: i32) -> (i32, i32) {
    %c0_i32 = arith.constant 0 : i32
    %c0_i32_0 = arith.constant 0 : i32
    return %arg0, %c0_i32 : i32, i32
  }
  func.func @transform_1(%arg0: i32) -> (i32, i32) {
    %c0_i32 = arith.constant 0 : i32
    %c0_i32_0 = arith.constant 0 : i32
    return %arg0, %c0_i32 : i32, i32
  }
  func.func @transform_2(%arg0: i32) -> (i32, i32) {
    %c0_i32 = arith.constant 0 : i32
    %c0_i32_0 = arith.constant 0 : i32
    return %arg0, %c0_i32 : i32, i32
  }
  func.func @transform_3(%arg0: i32) -> (i32, i32) {
    %c0_i32 = arith.constant 0 : i32
    %c0_i32_0 = arith.constant 0 : i32
    %c0_i32_1 = arith.constant 0 : i32
    return %c0_i32, %c0_i32_0 : i32, i32
  }
  func.func @transform_4(%arg0: i32) -> (i32, i32) {
    %c0_i32 = arith.constant 0 : i32
    %c0_i32_0 = arith.constant 0 : i32
    %c0_i32_1 = arith.constant 0 : i32
    return %c0_i32, %c0_i32_0 : i32, i32
  }
  func.func @transform_5(%arg0: i32) -> (i32, i32) {
    %c0_i32 = arith.constant 0 : i32
    %c0_i32_0 = arith.constant 0 : i32
    %c0_i32_1 = arith.constant 0 : i32
    return %c0_i32, %c0_i32_0 : i32, i32
  }
  func.func @transform_6(%arg0: i32) -> (i32, i32) {
    %c0_i32 = arith.constant 0 : i32
    %c0_i32_0 = arith.constant 0 : i32
    return %arg0, %c0_i32 : i32, i32
  }
}

module attributes {stable_mosaic.version = 14 : i64} {
  func.func @_tc_body(%arg0: i32, %arg1: memref<400x2048xf32, #tpu.memory_space<vmem>>, %arg2: memref<400x8xf32, #tpu.memory_space<vmem>>, %arg3: memref<400x256xf32, #tpu.memory_space<vmem>>, %arg4: memref<2048x256xf32, #tpu.memory_space<vmem>>, %arg5: memref<256x256xf32, #tpu.memory_space<vmem>>, %arg6: memref<8x256xf32, #tpu.memory_space<vmem>>, %arg7: memref<400x256xf32, #tpu.memory_space<vmem>>) attributes {dimension_semantics = [#tpu.dimension_semantics<arbitrary>], iteration_bounds = array<i64: 25>, scalar_prefetch = 0 : i64, scratch_operands = 0 : i64, tpu.core_type = #tpu.core_type<tc>, window_params = [{transform_indices = @transform_0, window_bounds = array<i64: 400, 2048>}, {transform_indices = @transform_1, window_bounds = array<i64: 400, 8>}, {transform_indices = @transform_2, window_bounds = array<i64: 400, 256>}, {pipeline_mode = #tpu.pipeline_mode<synchronous>, transform_indices = @transform_3, window_bounds = array<i64: 2048, 256>}, {pipeline_mode = #tpu.pipeline_mode<synchronous>, transform_indices = @transform_4, window_bounds = array<i64: 256, 256>}, {pipeline_mode = #tpu.pipeline_mode<synchronous>, transform_indices = @transform_5, window_bounds = array<i64: 8, 256>}, {transform_indices = @transform_6, window_bounds = array<i64: 400, 256>}]} {
    %get3A = arith.constant 0 : index
    %get3A_0 = arith.constant 0 : index
    %get3A_1 = vector.load %arg2[%get3A, %get3A_0] : memref<400x8xf32, #tpu.memory_space<vmem>>, vector<400x8xf32>
    %max3A = arith.constant 1.000000e+00 : f32
    %max3A_2 = vector.broadcast %max3A : f32 to vector<400x8xf32>
    %max3A_3 = arith.maximumf %get3A_1, %max3A_2 : vector<400x8xf32>
    %div3A = arith.constant 1.000000e+00 : f32
    %div3A_4 = vector.broadcast %div3A : f32 to vector<400x8xf32>
    %div3A_5 = arith.divf %div3A_4, %max3A_3 : vector<400x8xf32>
    %get3A_6 = arith.constant 0 : index
    %get3A_7 = arith.constant 0 : index
    %get3A_8 = vector.load %arg3[%get3A_6, %get3A_7] : memref<400x256xf32, #tpu.memory_space<vmem>>, vector<400x256xf32>
    %get3A_9 = arith.constant 0 : index
    %get3A_10 = arith.constant 0 : index
    %get3A_11 = vector.load %arg5[%get3A_9, %get3A_10] : memref<256x256xf32, #tpu.memory_space<vmem>>, vector<256x256xf32>
    %dot_general3A = arith.constant dense<0.000000e+00> : vector<400x256xf32>
    %dot_general3A_12 = tpu.matmul %get3A_8, %get3A_11, %dot_general3A {dimension_numbers = #tpu.dot_dimension_numbers<[1], [0], [0], [1], [0, 0, 1, 1], [], []>, precision = #tpu.contract_precision<fp32>, transpose_lhs_hint = false} : vector<400x256xf32>, vector<256x256xf32>, vector<400x256xf32> -> vector<400x256xf32>
    %get3A_13 = arith.constant 0 : index
    %get3A_14 = arith.constant 0 : index
    %get3A_15 = vector.load %arg1[%get3A_13, %get3A_14] : memref<400x2048xf32, #tpu.memory_space<vmem>>, vector<400x256xf32>
    %slice3A = vector.extract_strided_slice %div3A_5 {offsets = [0, 0], sizes = [400, 1], strides = [1, 1]} : vector<400x8xf32> to vector<400x1xf32>
    %mul3A = vector.broadcast %slice3A : vector<400x1xf32> to vector<400x256xf32>
    %mul3A_16 = arith.mulf %get3A_15, %mul3A : vector<400x256xf32>
    %get3A_17 = arith.constant 0 : index
    %get3A_18 = arith.constant 0 : index
    %get3A_19 = vector.load %arg4[%get3A_17, %get3A_18] : memref<2048x256xf32, #tpu.memory_space<vmem>>, vector<256x256xf32>
    %dot_general3A_20 = arith.constant dense<0.000000e+00> : vector<400x256xf32>
    %dot_general3A_21 = tpu.matmul %mul3A_16, %get3A_19, %dot_general3A_20 {dimension_numbers = #tpu.dot_dimension_numbers<[1], [0], [0], [1], [0, 0, 1, 1], [], []>, precision = #tpu.contract_precision<fp32>, transpose_lhs_hint = false} : vector<400x256xf32>, vector<256x256xf32>, vector<400x256xf32> -> vector<400x256xf32>
    %add3A = arith.addf %dot_general3A_12, %dot_general3A_21 : vector<400x256xf32>
    %get3A_22 = arith.constant 0 : index
    %get3A_23 = arith.constant 256 : index
    %get3A_24 = vector.load %arg1[%get3A_22, %get3A_23] : memref<400x2048xf32, #tpu.memory_space<vmem>>, vector<400x256xf32>
    %slice3A_25 = vector.extract_strided_slice %div3A_5 {offsets = [0, 1], sizes = [400, 1], strides = [1, 1]} : vector<400x8xf32> to vector<400x1xf32>
    %mul3A_26 = vector.broadcast %slice3A_25 : vector<400x1xf32> to vector<400x256xf32>
    %mul3A_27 = arith.mulf %get3A_24, %mul3A_26 : vector<400x256xf32>
    %get3A_28 = arith.constant 256 : index
    %get3A_29 = arith.constant 0 : index
    %get3A_30 = vector.load %arg4[%get3A_28, %get3A_29] : memref<2048x256xf32, #tpu.memory_space<vmem>>, vector<256x256xf32>
    %dot_general3A_31 = arith.constant dense<0.000000e+00> : vector<400x256xf32>
    %dot_general3A_32 = tpu.matmul %mul3A_27, %get3A_30, %dot_general3A_31 {dimension_numbers = #tpu.dot_dimension_numbers<[1], [0], [0], [1], [0, 0, 1, 1], [], []>, precision = #tpu.contract_precision<fp32>, transpose_lhs_hint = false} : vector<400x256xf32>, vector<256x256xf32>, vector<400x256xf32> -> vector<400x256xf32>
    %add3A_33 = arith.addf %add3A, %dot_general3A_32 : vector<400x256xf32>
    %get3A_34 = arith.constant 0 : index
    %get3A_35 = arith.constant 512 : index
    %get3A_36 = vector.load %arg1[%get3A_34, %get3A_35] : memref<400x2048xf32, #tpu.memory_space<vmem>>, vector<400x256xf32>
    %slice3A_37 = vector.extract_strided_slice %div3A_5 {offsets = [0, 2], sizes = [400, 1], strides = [1, 1]} : vector<400x8xf32> to vector<400x1xf32>
    %mul3A_38 = vector.broadcast %slice3A_37 : vector<400x1xf32> to vector<400x256xf32>
    %mul3A_39 = arith.mulf %get3A_36, %mul3A_38 : vector<400x256xf32>
    %get3A_40 = arith.constant 512 : index
    %get3A_41 = arith.constant 0 : index
    %get3A_42 = vector.load %arg4[%get3A_40, %get3A_41] : memref<2048x256xf32, #tpu.memory_space<vmem>>, vector<256x256xf32>
    %dot_general3A_43 = arith.constant dense<0.000000e+00> : vector<400x256xf32>
    %dot_general3A_44 = tpu.matmul %mul3A_39, %get3A_42, %dot_general3A_43 {dimension_numbers = #tpu.dot_dimension_numbers<[1], [0], [0], [1], [0, 0, 1, 1], [], []>, precision = #tpu.contract_precision<fp32>, transpose_lhs_hint = false} : vector<400x256xf32>, vector<256x256xf32>, vector<400x256xf32> -> vector<400x256xf32>
    %add3A_45 = arith.addf %add3A_33, %dot_general3A_44 : vector<400x256xf32>
    %get3A_46 = arith.constant 0 : index
    %get3A_47 = arith.constant 768 : index
    %get3A_48 = vector.load %arg1[%get3A_46, %get3A_47] : memref<400x2048xf32, #tpu.memory_space<vmem>>, vector<400x256xf32>
    %slice3A_49 = vector.extract_strided_slice %div3A_5 {offsets = [0, 3], sizes = [400, 1], strides = [1, 1]} : vector<400x8xf32> to vector<400x1xf32>
    %mul3A_50 = vector.broadcast %slice3A_49 : vector<400x1xf32> to vector<400x256xf32>
    %mul3A_51 = arith.mulf %get3A_48, %mul3A_50 : vector<400x256xf32>
    %get3A_52 = arith.constant 768 : index
    %get3A_53 = arith.constant 0 : index
    %get3A_54 = vector.load %arg4[%get3A_52, %get3A_53] : memref<2048x256xf32, #tpu.memory_space<vmem>>, vector<256x256xf32>
    %dot_general3A_55 = arith.constant dense<0.000000e+00> : vector<400x256xf32>
    %dot_general3A_56 = tpu.matmul %mul3A_51, %get3A_54, %dot_general3A_55 {dimension_numbers = #tpu.dot_dimension_numbers<[1], [0], [0], [1], [0, 0, 1, 1], [], []>, precision = #tpu.contract_precision<fp32>, transpose_lhs_hint = false} : vector<400x256xf32>, vector<256x256xf32>, vector<400x256xf32> -> vector<400x256xf32>
    %add3A_57 = arith.addf %add3A_45, %dot_general3A_56 : vector<400x256xf32>
    %get3A_58 = arith.constant 0 : index
    %get3A_59 = arith.constant 1024 : index
    %get3A_60 = vector.load %arg1[%get3A_58, %get3A_59] : memref<400x2048xf32, #tpu.memory_space<vmem>>, vector<400x256xf32>
    %slice3A_61 = vector.extract_strided_slice %div3A_5 {offsets = [0, 4], sizes = [400, 1], strides = [1, 1]} : vector<400x8xf32> to vector<400x1xf32>
    %mul3A_62 = vector.broadcast %slice3A_61 : vector<400x1xf32> to vector<400x256xf32>
    %mul3A_63 = arith.mulf %get3A_60, %mul3A_62 : vector<400x256xf32>
    %get3A_64 = arith.constant 1024 : index
    %get3A_65 = arith.constant 0 : index
    %get3A_66 = vector.load %arg4[%get3A_64, %get3A_65] : memref<2048x256xf32, #tpu.memory_space<vmem>>, vector<256x256xf32>
    %dot_general3A_67 = arith.constant dense<0.000000e+00> : vector<400x256xf32>
    %dot_general3A_68 = tpu.matmul %mul3A_63, %get3A_66, %dot_general3A_67 {dimension_numbers = #tpu.dot_dimension_numbers<[1], [0], [0], [1], [0, 0, 1, 1], [], []>, precision = #tpu.contract_precision<fp32>, transpose_lhs_hint = false} : vector<400x256xf32>, vector<256x256xf32>, vector<400x256xf32> -> vector<400x256xf32>
    %add3A_69 = arith.addf %add3A_57, %dot_general3A_68 : vector<400x256xf32>
    %get3A_70 = arith.constant 0 : index
    %get3A_71 = arith.constant 1280 : index
    %get3A_72 = vector.load %arg1[%get3A_70, %get3A_71] : memref<400x2048xf32, #tpu.memory_space<vmem>>, vector<400x256xf32>
    %slice3A_73 = vector.extract_strided_slice %div3A_5 {offsets = [0, 5], sizes = [400, 1], strides = [1, 1]} : vector<400x8xf32> to vector<400x1xf32>
    %mul3A_74 = vector.broadcast %slice3A_73 : vector<400x1xf32> to vector<400x256xf32>
    %mul3A_75 = arith.mulf %get3A_72, %mul3A_74 : vector<400x256xf32>
    %get3A_76 = arith.constant 1280 : index
    %get3A_77 = arith.constant 0 : index
    %get3A_78 = vector.load %arg4[%get3A_76, %get3A_77] : memref<2048x256xf32, #tpu.memory_space<vmem>>, vector<256x256xf32>
    %dot_general3A_79 = arith.constant dense<0.000000e+00> : vector<400x256xf32>
    %dot_general3A_80 = tpu.matmul %mul3A_75, %get3A_78, %dot_general3A_79 {dimension_numbers = #tpu.dot_dimension_numbers<[1], [0], [0], [1], [0, 0, 1, 1], [], []>, precision = #tpu.contract_precision<fp32>, transpose_lhs_hint = false} : vector<400x256xf32>, vector<256x256xf32>, vector<400x256xf32> -> vector<400x256xf32>
    %add3A_81 = arith.addf %add3A_69, %dot_general3A_80 : vector<400x256xf32>
    %get3A_82 = arith.constant 0 : index
    %get3A_83 = arith.constant 1536 : index
    %get3A_84 = vector.load %arg1[%get3A_82, %get3A_83] : memref<400x2048xf32, #tpu.memory_space<vmem>>, vector<400x256xf32>
    %slice3A_85 = vector.extract_strided_slice %div3A_5 {offsets = [0, 6], sizes = [400, 1], strides = [1, 1]} : vector<400x8xf32> to vector<400x1xf32>
    %mul3A_86 = vector.broadcast %slice3A_85 : vector<400x1xf32> to vector<400x256xf32>
    %mul3A_87 = arith.mulf %get3A_84, %mul3A_86 : vector<400x256xf32>
    %get3A_88 = arith.constant 1536 : index
    %get3A_89 = arith.constant 0 : index
    %get3A_90 = vector.load %arg4[%get3A_88, %get3A_89] : memref<2048x256xf32, #tpu.memory_space<vmem>>, vector<256x256xf32>
    %dot_general3A_91 = arith.constant dense<0.000000e+00> : vector<400x256xf32>
    %dot_general3A_92 = tpu.matmul %mul3A_87, %get3A_90, %dot_general3A_91 {dimension_numbers = #tpu.dot_dimension_numbers<[1], [0], [0], [1], [0, 0, 1, 1], [], []>, precision = #tpu.contract_precision<fp32>, transpose_lhs_hint = false} : vector<400x256xf32>, vector<256x256xf32>, vector<400x256xf32> -> vector<400x256xf32>
    %add3A_93 = arith.addf %add3A_81, %dot_general3A_92 : vector<400x256xf32>
    %get3A_94 = arith.constant 0 : index
    %get3A_95 = arith.constant 1792 : index
    %get3A_96 = vector.load %arg1[%get3A_94, %get3A_95] : memref<400x2048xf32, #tpu.memory_space<vmem>>, vector<400x256xf32>
    %slice3A_97 = vector.extract_strided_slice %div3A_5 {offsets = [0, 7], sizes = [400, 1], strides = [1, 1]} : vector<400x8xf32> to vector<400x1xf32>
    %mul3A_98 = vector.broadcast %slice3A_97 : vector<400x1xf32> to vector<400x256xf32>
    %mul3A_99 = arith.mulf %get3A_96, %mul3A_98 : vector<400x256xf32>
    %get3A_100 = arith.constant 1792 : index
    %get3A_101 = arith.constant 0 : index
    %get3A_102 = vector.load %arg4[%get3A_100, %get3A_101] : memref<2048x256xf32, #tpu.memory_space<vmem>>, vector<256x256xf32>
    %dot_general3A_103 = arith.constant dense<0.000000e+00> : vector<400x256xf32>
    %dot_general3A_104 = tpu.matmul %mul3A_99, %get3A_102, %dot_general3A_103 {dimension_numbers = #tpu.dot_dimension_numbers<[1], [0], [0], [1], [0, 0, 1, 1], [], []>, precision = #tpu.contract_precision<fp32>, transpose_lhs_hint = false} : vector<400x256xf32>, vector<256x256xf32>, vector<400x256xf32> -> vector<400x256xf32>
    %add3A_105 = arith.addf %add3A_93, %dot_general3A_104 : vector<400x256xf32>
    %get3A_106 = arith.constant 0 : index
    %get3A_107 = arith.constant 0 : index
    %get3A_108 = vector.load %arg6[%get3A_106, %get3A_107] : memref<8x256xf32, #tpu.memory_space<vmem>>, vector<1x256xf32>
    %add3A_109 = vector.broadcast %get3A_108 : vector<1x256xf32> to vector<400x256xf32>
    %add3A_110 = arith.addf %add3A_105, %add3A_109 : vector<400x256xf32>
    %max3A_111 = arith.constant 0.000000e+00 : f32
    %max3A_112 = vector.broadcast %max3A_111 : f32 to vector<400x256xf32>
    %max3A_113 = arith.maximumf %add3A_110, %max3A_112 : vector<400x256xf32>
    %swap3A = arith.constant 0 : index
    %swap3A_114 = arith.constant 0 : index
    %swap3A_115 = vector.load %arg7[%swap3A, %swap3A_114] : memref<400x256xf32, #tpu.memory_space<vmem>>, vector<400x256xf32>
    tpu.vector_store %arg7[%swap3A, %swap3A_114], %max3A_113 {strides = array<i32>} : memref<400x256xf32, #tpu.memory_space<vmem>>, vector<400x256xf32>,
    return
  }
  func.func @transform_0(%arg0: i32) -> (i32, i32) {
    %c0_i32 = arith.constant 0 : i32
    %c0_i32_0 = arith.constant 0 : i32
    return %arg0, %c0_i32 : i32, i32
  }
  func.func @transform_1(%arg0: i32) -> (i32, i32) {
    %c0_i32 = arith.constant 0 : i32
    %c0_i32_0 = arith.constant 0 : i32
    return %arg0, %c0_i32 : i32, i32
  }
  func.func @transform_2(%arg0: i32) -> (i32, i32) {
    %c0_i32 = arith.constant 0 : i32
    %c0_i32_0 = arith.constant 0 : i32
    return %arg0, %c0_i32 : i32, i32
  }
  func.func @transform_3(%arg0: i32) -> (i32, i32) {
    %c0_i32 = arith.constant 0 : i32
    %c0_i32_0 = arith.constant 0 : i32
    %c0_i32_1 = arith.constant 0 : i32
    return %c0_i32, %c0_i32_0 : i32, i32
  }
  func.func @transform_4(%arg0: i32) -> (i32, i32) {
    %c0_i32 = arith.constant 0 : i32
    %c0_i32_0 = arith.constant 0 : i32
    %c0_i32_1 = arith.constant 0 : i32
    return %c0_i32, %c0_i32_0 : i32, i32
  }
  func.func @transform_5(%arg0: i32) -> (i32, i32) {
    %c0_i32 = arith.constant 0 : i32
    %c0_i32_0 = arith.constant 0 : i32
    %c0_i32_1 = arith.constant 0 : i32
    return %c0_i32, %c0_i32_0 : i32, i32
  }
  func.func @transform_6(%arg0: i32) -> (i32, i32) {
    %c0_i32 = arith.constant 0 : i32
    %c0_i32_0 = arith.constant 0 : i32
    return %arg0, %c0_i32 : i32, i32
  }
}

</mosaic_0001>

<sc_bundles>
// kernel: scatter_offload_async_start.1
scs
__scs_entry_jumppad:
0x0: {  	(pc) =	sbr.rel $0x88, $3  }
0x1: {  	(tag) =	ssettag $0x0;
	lr =	simm.s32 $0x1  }
0x2: {  	[smem:$0x3F96] =	sst lr;
	_ =	strace $0xD0000000  }
0x3: {  	_ = 	snop  }
0x4: {  	_ = 	snop  }
0x5: {  	_ = 	snop  }
0x6: {  	_ = 	snop  }
0x7: {  	_ = 	snop  }
__scs_overlays_trampoline_lowered:
0x8: {  	[smem:$0x3FA5] =	sst s0  }
0x9: {  	[smem:$0x3FA6] =	sst s1  }
0xa: {  	[smem:$0x3FA7] =	sst s2  }
0xb: {  	[smem:$0x3FA8] =	sst s3  }
0xc: {  	[smem:$0x3FA9] =	sst s4  }
0xd: {  	[smem:$0x3FAA] =	sst s5  }
0xe: {  	[smem:$0x3FAB] =	sst s6  }
0xf: {  	[smem:$0x3FAC] =	sst s7  }
0x10: {  	[smem:$0x3FAD] =	sst s8  }
0x11: {  	[smem:$0x3FAE] =	sst s9;
	s0 =	simm.s32 @!p0 $0x0  }
0x12: {  	s1 =	sld [smem:$0x3F94];
	s0 =	simm.s32 @p0 $0x1  }
0x13: {  	[smem:$0x3FAF] =	sst s0;
	s0 =	simm.s32 @!p1 $0x0  }
0x14: {  	s2 =	sld [smem:$0x3F93];
	s0 =	simm.s32 @p1 $0x1  }
0x15: {  	[smem:$0x3FB0] =	sst s0;
	s0 =	simm.s32 @!p2 $0x0  }
0x16: {  	s3 =	sld [smem:$0x3FDB];
	s0 =	simm.s32 @p2 $0x1  }
0x17: {  	s4 =	simm.s32 $0x1BF5;
	[smem:$0x3FB2] =	sst s0  }
0x18: {  	s0 =	sld [smem:$0x3F95];
	_ =	swait.ge [sflag:s4], $0x0  }
0x19: {  	s7 =	sld [smem:$0x3F96]  }
0x1a: {  	s8 =	sadd.s32 $0xFFFFE003, lr  }
0x1b: {  	s9 =	sadd.s32 $0xFFFFFEF7, lr;
	s5 =	simm.s32 $0xFFFFFFFF;
	p2 =	slt.u32 s8, $0xFFFFF086  }
0x1c: {  	p1 =	slt.u32 s9, $0xF7A;
	s5 =	simm.s32 @!p2 $0x0  }
0x1d: {  	s5 =	simm.s32 @p1 $0x1;
	p0 =	seq.s32 s7, s2  }
0x1e: {  	s7 =	smul.u32 @!p0 $0xF7A, s2;
	p2 =	seq.s32 @!p0 s5, $0x0  }
0x1f: {  	s9 =	smul.u32 $0xF7A, s1;
	s8 =	simm.s32 @!p0 $0x1BF5;
	p2 =	por !p2, p0  }
0x20: {  	[sflag:s8] =	ssyncset.s32 @!p0 $0xFFFFF086;
	s6 =	sadd.s32 @!p0 s3, s7;
	s7 =	simm.s32 @!p0 $0x108  }
0x21: {  	s3 =	sadd.s32 s3, s9;
	s6 =	sadd.s32 @!p0 $0x88, s6;
	s7 =	simm.s32 @p2 $0x1082  }
0x22: {  	[simem:s7], [sflag:s8] =	dma.local @!p0 [hbm:s6], $0xF7A  }
0x23: {  	s9 =	sor.u32 $0xD0000000, s2;
	s6 =	simm.s32 $0x108;
	_ =	swait.ge @!p0 [sflag:s8], $0x0  }
0x24: {  	s3 =	sadd.s32 $0x88, s3;
	s6 =	simm.s32 @!p1 $0x1082;
	[sflag:s4] =	ssyncset.s32 $0xFFFFF086  }
0x25: {  	[simem:s6], [sflag:s4] =	dma.local [hbm:s3], $0xF7A  }
0x26: {  	[smem:$0x3F96] =	sst s1;
	(tag) =	ssettag s2;
	_ =	strace s9  }
0x27: {  	s1 =	sld [smem:$0x3FA6]  }
0x28: {  	s2 =	sld [smem:$0x3FA7]  }
0x29: {  	s4 =	sld [smem:$0x3FA9]  }
0x2a: {  	p0 =	seq.s32 s5, $0x0;
	s5 =	sld [smem:$0x3FAA]  }
0x2b: {  	s6 =	sld [smem:$0x3FAB]  }
0x2c: {  	s7 =	sld [smem:$0x3FAC]  }
0x2d: {  	s3 =	simm.s32 $0x108;
	s8 =	sld [smem:$0x3FAD]  }
0x2e: {  	s3 =	simm.s32 @!p0 $0x1082;
	s9 =	sld [smem:$0x3FAE]  }
0x2f: {  	lr =	sadd.s32 s0, s3;
	s0 =	sld [smem:$0x3FA5]  }
0x30: {  	s3 =	sld [smem:$0x3FA8]  }
0x31: {  	[smem:$0x3FB1] =	sst s10  }
0x32: {  	s10 =	sld [smem:$0x3FAF];
	_ =	sdelay $0x3  }
0x33: {  	p0 =	seq.s32 s10, $0x1;
	s10 =	sld [smem:$0x3FB1];
	_ =	sdelay $0x3  }
0x34: {  	[smem:$0x3FB1] =	sst s10  }
0x35: {  	s10 =	sld [smem:$0x3FB0];
	_ =	sdelay $0x3  }
0x36: {  	p1 =	seq.s32 s10, $0x1;
	s10 =	sld [smem:$0x3FB1];
	_ =	sdelay $0x3  }
0x37: {  	[smem:$0x3FB1] =	sst s10  }
0x38: {  	s10 =	sld [smem:$0x3FB2]  }
0x39: {  	_ = 	snop;
	(pc) =	sbr.ind lr, $3  }
0x3a: {  	_ = 	snop  }
0x3b: {  	_ = 	snop  }
0x3c: {  	p2 =	seq.s32 s10, $0x1;
	s10 =	sld [smem:$0x3FB1]  }
0x3d: {  	_ =	shalt  }
0x3e: {  	_ =	shalt  }
0x3f: {  	_ =	shalt  }
0x40: {  	_ =	shalt  }
0x41: {  	_ =	shalt  }
0x42: {  	_ =	shalt  }
0x43: {  	_ =	shalt  }
0x44: {  	_ =	shalt  }
0x45: {  	_ =	shalt  }
0x46: {  	_ =	shalt  }
0x47: {  	_ =	shalt  }
0x48: {  	_ =	shalt  }
0x49: {  	_ =	shalt  }
0x4a: {  	_ =	shalt  }
0x4b: {  	_ =	shalt  }
0x4c: {  	_ =	shalt  }
0x4d: {  	_ =	shalt  }
0x4e: {  	_ =	shalt  }
0x4f: {  	_ =	shalt  }
0x50: {  	_ =	shalt  }
0x51: {  	_ =	shalt  }
0x52: {  	_ =	shalt  }
0x53: {  	_ =	shalt  }
0x54: {  	_ =	shalt  }
0x55: {  	_ =	shalt  }
0x56: {  	_ =	shalt  }
0x57: {  	_ =	shalt  }
0x58: {  	_ =	shalt  }
0x59: {  	_ =	shalt  }
0x5a: {  	_ =	shalt  }
0x5b: {  	_ =	shalt  }
0x5c: {  	_ =	shalt  }
0x5d: {  	_ =	shalt  }
0x5e: {  	_ =	shalt  }
0x5f: {  	_ =	shalt  }
0x60: {  	_ =	shalt  }
0x61: {  	_ =	shalt  }
0x62: {  	_ =	shalt  }
0x63: {  	_ =	shalt  }
0x64: {  	_ =	shalt  }
0x65: {  	_ =	shalt  }
0x66: {  	_ =	shalt  }
0x67: {  	_ =	shalt  }
0x68: {  	_ =	shalt  }
0x69: {  	_ =	shalt  }
0x6a: {  	_ =	shalt  }
0x6b: {  	_ =	shalt  }
0x6c: {  	_ =	shalt  }
0x6d: {  	_ =	shalt  }
0x6e: {  	_ =	shalt  }
0x6f: {  	_ =	shalt  }
0x70: {  	_ =	shalt  }
0x71: {  	_ =	shalt  }
0x72: {  	_ =	shalt  }
0x73: {  	_ =	shalt  }
0x74: {  	_ =	shalt  }
0x75: {  	_ =	shalt  }
0x76: {  	_ =	shalt  }
0x77: {  	_ =	shalt  }
0x78: {  	_ =	shalt  }
0x79: {  	_ =	shalt  }
0x7a: {  	_ =	shalt  }
0x7b: {  	_ =	shalt  }
0x7c: {  	_ =	shalt  }
0x7d: {  	_ =	shalt  }
0x7e: {  	_ =	shalt  }
0x7f: {  	_ =	shalt  }
0x80: {  	_ =	shalt  }
0x81: {  	_ =	shalt  }
0x82: {  	_ =	shalt  }
0x83: {  	_ =	shalt  }
0x84: {  	_ =	shalt  }
0x85: {  	_ =	shalt  }
0x86: {  	_ =	shalt  }
0x87: {  	_ =	shalt  }
.Lfunc_end0:
.L_simem_size_0:
called_computation.1_lowered:
.L_overlay_start_0:
0x88: {  	s2 =	sld [smem:$0x3FD9]  }
0x89: {  	s3 =	sld [smem:$0x3FFE];
	_ =	sdelay $0x1  }
0x8a: {  	s1 =	srdreg.scid  }
0x8b: {  	s0 =	sand.u32 $0x1, s1  }
0x8c: {  	s12 =	sshll.u32 s0, $0xA;
	s2 =	sadd.s32 s3, s2  }
0x8d: {  	s2 =	sadd.s32 s2, s12  }
0x8e: {  	[smem:$0x3FBD] =	sst s2  }
0x8f: {  	_ = 	snop  }
0x90: {  	(tm) =	ssettm $0x1  }
0x91: {  	s13 =	sld [smem:$0x3FFB];
	_ =	sdelay $0x3  }
0x92: {  	_ =	strace s13  }
0x93: {  	s2 =	sld [smem:$0x3FFC];
	_ =	sdelay $0x3  }
0x94: {  	_ =	strace s2  }
0x95: {  	s2 =	sld [smem:$0x3FFD];
	_ =	sdelay $0x3  }
0x96: {  	_ =	strace s2  }
0x97: {  	_ =	strace $0x8FFFFFFF  }
0x98: {  	s14 =	sld [smem:$0x3FDB];
	_ =	sdelay $0x1  }
0x99: {  	s15 =	simm.s32 $_scs_section_size  }
0x9a: {  	s4 =	simm.s32 $_size__tile_overlayer_lowered;
	s5 =	simm.s32 $_tile_overlayer_lowered  }
0x9b: {  	s19 =	simm.s32 $0x1BFF;
	s17 =	sshll.u32 s5, $0x1;
	s6 =	sadd.s32 s15, s14  }
0x9c: {  	s20 =	simm.s32 $0x0;
	s16 =	sshll.u32 s4, $0x1;
	s18 =	sadd.s32 s17, s6  }
0x9d: {  	[timem:s20], [sflag:s19] =	dma.local [hbm:s18], s16  }
0x9e: {  	_ =	swait.ge [sflag:s19], s16  }
0x9f: {  	s3 =	ssub.s32 $0x0, s16;
	[sflag:s19] =	ssyncset.done $0x0  }
0xa0: {  	[sflag:s19] =	ssyncadd.s32 s3;
	_ =	sdelay $0x1  }
0xa1: {  	s21 =	simm.s32 $0x1B8B  }
0xa2: {  	_ =	swait.ge [sflag:s21], $0x1  }
0xa3: {  	[sflag:s21] =	ssyncset.done $0x0  }
0xa4: {  	[sflag:s21] =	ssyncadd.s32 $0xFFFFFFFF  }
0xa5: {  	s3 =	sld [smem:$0x0]  }
0xa6: {  	s4 =	sand.u32 $0xFFFFFFFE, s1  }
0xa7: {  	p0 =	sne.s32 s1, s4  }
0xa8: {  	s4 =	sshll.u32 @p0 s4, $0xE  }
0xa9: {  	s5 =	sadd.s32 @p0 $0x11B8D, s4;
	s7 =	sshll.u32 @p0 s3, $0x11  }
0xaa: {  	s5 =	sor.u32 @p0 s7, s5  }
0xab: {  	[sflag:s5] =	ssyncadd.remote.s32 @p0 $0x1;
	_ =	sdelay $0x1  }
0xac: {  	s5 =	simm.s32 @p0 $0x1B8D  }
0xad: {  	_ =	swait.eq @p0 [sflag:s5], $0x1  }
0xae: {  	[sflag:s5] =	ssyncadd.s32 @p0 $0xFFFFFFFF  }
0xaf: {  	s7 =	sshll.u32 @!p0 s1, $0xE  }
0xb0: {  	s7 =	sor.u32 @!p0 $0x4000, s7;
	s5 =	simm.s32 @!p0 $0x1B8D  }
0xb1: {  	s9 =	sshll.u32 @!p0 s3, $0x11;
	s8 =	sadd.s32 @!p0 $0x11B8D, s7;
	_ =	swait.eq @!p0 [sflag:s5], $0x1  }
0xb2: {  	[sflag:s5] =	ssyncadd.s32 @!p0 $0xFFFFFFFF;
	s5 =	sor.u32 @!p0 s9, s8  }
0xb3: {  	s23 =	simm.s32 $0x1B8E;
	s22 =	sld [smem:$0x3FFE];
	[sflag:s5] =	ssyncadd.remote.s32 @!p0 $0x1  }
0xb4: {  	s24 =	simm.s32 $execute0_lowered;
	[smem:$0x3FD2] =	sst s23  }
0xb5: {  	s8 =	sshll.u32 s24, $0x1;
	_ =	strace $0x80000049;
	[dreg:$0x1] =	wrdreg $0xFFFFFFFF  }
0xb6: {  	s25 =	simm.s32 $_size_execute0_lowered;
	s8 =	sadd.s32 s6, s8;
	[dreg:$0x0] =	wrdreg $0x0  }
0xb7: {  	s9 =	sshll.u32 s25, $0x1;
	[dreg:$0x2] =	wrdreg s8  }
0xb8: {  	[dreg:$0x3] =	wrdreg s9  }
0xb9: {  	[dreg:$0x4] =	wrdreg $0xC0  }
0xba: {  	s26 =	simm.s32 $execute1_lowered;
	_ =	task [dreg:s20], $0x5FFFF  }
0xbb: {  	s8 =	sshll.u32 s26, $0x1;
	[dreg:$0x1] =	wrdreg $0xFFFFFFFF  }
0xbc: {  	s6 =	sadd.s32 s6, s8;
	[dreg:$0x0] =	wrdreg $0x60  }
0xbd: {  	[dreg:$0x2] =	wrdreg s6  }
0xbe: {  	[dreg:$0x3] =	wrdreg s22  }
0xbf: {  	[dreg:$0x4] =	wrdreg $0xA  }
0xc0: {  	_ =	task.clear_ibuf [dreg:s20], $0x5FFFF;
	_ =	strace $0x90000049  }
0xc1: {  	s28 =	simm.s32 $0xA;
	_ =	strace $0x8000004B  }
0xc2: {  	_ =	swait.ge [sflag:s28], $0x1  }
0xc3: {  	[sflag:s28] =	ssyncadd.s32 $0xFFFFFFFF  }
0xc4: {  	_ =	strace $0x9000004B  }
0xc5: {  	s6 =	sld [smem:$0x0];
	_ =	sdelay $0x3  }
0xc6: {  	s4 =	sadd.s32 @p0 $0x11BF3, s4;
	s8 =	sshll.u32 @p0 s6, $0x11  }
0xc7: {  	s4 =	sor.u32 @p0 s8, s4  }
0xc8: {  	[sflag:s4] =	ssyncadd.remote.s32 @p0 $0x1;
	_ =	sdelay $0x1  }
0xc9: {  	s4 =	simm.s32 @p0 $0x1BF3  }
0xca: {  	_ =	swait.eq @p0 [sflag:s4], $0x1  }
0xcb: {  	[sflag:s4] =	ssyncadd.s32 @p0 $0xFFFFFFFF;
	_ =	sdelay $0x1  }
0xcc: {  	s4 =	simm.s32 @!p0 $0x1BF3  }
0xcd: {  	s7 =	sadd.s32 @!p0 $0x11BF3, s7;
	s6 =	sshll.u32 @!p0 s6, $0x11;
	_ =	swait.eq @!p0 [sflag:s4], $0x1  }
0xce: {  	[sflag:s4] =	ssyncadd.s32 @!p0 $0xFFFFFFFF;
	s4 =	sor.u32 @!p0 s6, s7  }
0xcf: {  	[sflag:s4] =	ssyncadd.remote.s32 @!p0 $0x1  }
0xd0: {  	_ =	strace $0x8000004C;
	[dreg:$0x1] =	wrdreg $0xFFFFFFFF  }
0xd1: {  	[dreg:$0x0] =	wrdreg $0x2030  }
0xd2: {  	[dreg:$0x2] =	wrdreg s22  }
0xd3: {  	[dreg:$0x3] =	wrdreg s1  }
0xd4: {  	[dreg:$0x4] =	wrdreg s3  }
0xd5: {  	[dreg:$0x5] =	wrdreg $0xB  }
0xd6: {  	_ =	task.clear_ibuf [dreg:s20], $0x6FFFF;
	_ =	strace $0x9000004C  }
0xd7: {  	s29 =	simm.s32 $0xB;
	_ =	strace $0x8000004E  }
0xd8: {  	_ =	swait.ge [sflag:s29], $0x1  }
0xd9: {  	[sflag:s29] =	ssyncadd.s32 $0xFFFFFFFF  }
0xda: {  	_ =	strace $0x9000004E  }
0xdb: {  	_ =	sfence  }
0xdc: {  	s30 =	sld [smem:$0x0];
	_ =	sdelay $0x2  }
0xdd: {  	s31 =	sshll.u32 s1, $0xD;
	s1 =	sshrl.u32 s1, $0x2  }
0xde: {  	s4 =	sand.u32 $0x4000, s31;
	s1 =	sadd.s32 s1, s30  }
0xdf: {  	s0 =	sor.u32 s4, s0;
	s1 =	sshll.u32 s1, $0x11  }
0xe0: {  	s0 =	sor.u32 s1, s0  }
0xe1: {  	s0 =	sadd.s32 $0x8F2B, s0  }
0xe2: {  	[sflag:s0] =	ssyncadd.remote.s32 $0x1  }
0xe3: {  	_ =	sfence.sel $0xFFFF  }
0xe4: {  	[dreg:$0x0] =	wrdreg $0xFFFFFFFF;
	(pc) =	sbr.abs _section_cstart, $3  }
0xe5: {  	[dreg:$0x1] =	wrdreg $0xFFFFFFFF  }
0xe6: {  	_ =	task.clear_ibuf [dreg:s20], $0x2FFFF;
	_ =	strace $0x9FFFFFFF  }
0xe7: {  	(tm) =	ssettm $0x7FFFFFFF  }
tec
execute0_lowered:
.L_overlay_start_1:
0x0: {  	(tag) =	ssettag $0x1  }
0x1: {  	s2 =	rddreg [dreg:$0x0]  }
0x2: {  	s6 =	rddreg [dreg:$0x1]  }
0x3: {  	s3 =	stileid.u32;
	[bflag:$0x3] =	sbarrier.arrive $0xFFFF;
	s1 =	simm.s32 $_size_execute1_lowered  }
0x4: {  	s29 =	srdreg.scid;
	p0 =	sne.s32 s3, $0x0;
	s0 =	sshll.u32 s1, $0x1  }
0x5: {  	s4 =	simm.s32 @!p0 $0x1C3F;
	s5 =	simm.s32 @!p0 $0x4060;
	[dreg:$0x3] =	wrdreg s0  }
0x6: {  	[timem:s5], [sflag:s4] =	dma.local @!p0 [hbm:s2], s0  }
0x7: {  	s2 =	sshll.u32 s29, $0x6  }
0x8: {  	s3 =	sshll.u32 s3, $0x7;
	s2 =	sand.u32 $0x40, s2  }
0x9: {  	s7 =	simm.s32 $0x1;
	s2 =	sor.u32 s3, s2  }
0xa: {  	s8 =	simm.s32 $0x2;
	s11 =	simm.s32 $0x0;
	s30 =	ssub.s32 $0x13880, s2  }
.Ltmp0:
0xb: {  	s10 =	simm.s32 $0x0;
	s31 =	sand.u32 $0x7C0, s30;
	(pc) =	sbr.rel .LBB2_1-.Ltmp0, $4  }
0xc: {  	s4 =	simm.s32 $0x1;
	_ =	strace $0x8000004A;
	p1 =	sne.s32 s31, $0x0  }
0xd: {  	s3 =	sadd.s32 $0x4F8E00, s6;
	s5 =	sshrl.u32 s30, $0xB;
	s7 =	simm.s32 @!p1 $0x0  }
0xe: {  	[sflag:s4] =	ssyncpa.u1 $0x0;
	s6 =	sadd.s32 $0x769E00, s6;
	s5 =	sadd.s32 s7, s5  }
0xf: {  	[sflag:s8] =	ssyncpa.u1 $0x0;
	s9 =	smov.u32 s2;
	s7 =	sadd.s32 $0x1, s5  }
.LBB2_4:
0x10: {  	_ =	sdelay $0x3  }
0x11: {  	[tilespmem:v1+s22+$0x0 ss:$0x1] =	vst.idx.msk $0xffff, v7  }
0x12: {  	s0 =	sor.u32 s24, s23;
	v46 =	vld.idx.msk [tilespmem:v0+s14+$0x0 ss:$0x1], $0xffff;
	[tilespmem:v1+s20+$0x0 ss:$0x1] =	vst.idx.msk $0xffff, v6  }
0x13: {  	v47 =	vld.idx.msk [tilespmem:v0+s13+$0x0 ss:$0x1], $0xffff;
	[tilespmem:v1+s15+$0x0 ss:$0x1] =	vst.idx.msk $0xffff, v4;
	s20 =	sor.u32 $0x410, s0  }
0x14: {  	s1 =	sand.u32 $0x80, s18;
	[tilespmem:v1+s19+$0x0 ss:$0x1] =	vst.idx.msk $0xffff, v3;
	s8 =	sand.u32 $0x3B00, s0;
	s28 =	sor.u32 $0x420, s0;
	v48 =	vld.idx.msk [tilespmem:v0+s20+$0x0 ss:$0x1], $0xffff  }
0x15: {  	[tilespmem:v1+s17+$0x0 ss:$0x1] =	vst.idx.msk $0xffff, v2;
	s1 =	sor.u32 s1, s8;
	v58 =	vld.idx.msk [tilespmem:v0+s28+$0x0 ss:$0x1], $0xffff  }
0x16: {  	[tilespmem:v1+s16+$0x0 ss:$0x1] =	vst.idx.msk $0xffff, v5;
	v49 =	vld.idx.msk [tilespmem:v0+s1+$0x0 ss:$0x1], $0xffff;
	s21 =	sor.u32 $0x10, s1  }
0x17: {  	s22 =	sor.u32 $0x20, s1;
	v51 =	vld.idx.msk [tilespmem:v0+s21+$0x0 ss:$0x1], $0xffff;
	[tilespmem:v1+s14+$0x0 ss:$0x1] =	vst.idx.msk $0xffff, v46  }
0x18: {  	s23 =	sor.u32 $0x30, s1;
	v52 =	vld.idx.msk [tilespmem:v0+s22+$0x0 ss:$0x1], $0xffff;
	[tilespmem:v1+s13+$0x0 ss:$0x1] =	vst.idx.msk $0xffff, v47  }
0x19: {  	s24 =	sor.u32 $0x40, s1;
	v53 =	vld.idx.msk [tilespmem:v0+s23+$0x0 ss:$0x1], $0xffff;
	[tilespmem:v1+s20+$0x0 ss:$0x1] =	vst.idx.msk $0xffff, v48  }
0x1a: {  	s25 =	sor.u32 $0x50, s1;
	v54 =	vld.idx.msk [tilespmem:v0+s24+$0x0 ss:$0x1], $0xffff;
	[tilespmem:v1+s28+$0x0 ss:$0x1] =	vst.idx.msk $0xffff, v58  }
0x1b: {  	s26 =	sor.u32 $0x60, s1;
	v55 =	vld.idx.msk [tilespmem:v0+s25+$0x0 ss:$0x1], $0xffff;
	[tilespmem:v1+s1+$0x0 ss:$0x1] =	vst.idx.msk $0xffff, v49  }
0x1c: {  	s31 =	sor.u32 $0x430, s0;
	v56 =	vld.idx.msk [tilespmem:v0+s26+$0x0 ss:$0x1], $0xffff;
	[tilespmem:v1+s21+$0x0 ss:$0x1] =	vst.idx.msk $0xffff, v51  }
0x1d: {  	s29 =	sshll.u32 s11, $0x8;
	s30 =	sshll.u32 s11, $0x7;
	v59 =	vld.idx.msk [tilespmem:v0+s31+$0x0 ss:$0x1], $0xffff;
	s8 =	sor.u32 $0x400, s1;
	[tilespmem:v1+s22+$0x0 ss:$0x1] =	vst.idx.msk $0xffff, v52  }
0x1e: {  	v50 =	vld.idx.msk [tilespmem:v0+s8+$0x0 ss:$0x1], $0xffff;
	s20 =	sand.u32 $0xFFFFF800, s29;
	s1 =	sor.u32 $0x70, s1;
	[tilespmem:v1+s23+$0x0 ss:$0x1] =	vst.idx.msk $0xffff, v53;
	s21 =	sand.u32 $0x300, s30  }
0x1f: {  	v57 =	vld.idx.msk [tilespmem:v0+s1+$0x0 ss:$0x1], $0xffff;
	s22 =	sor.u32 $0x440, s0;
	[tilespmem:v1+s24+$0x0 ss:$0x1] =	vst.idx.msk $0xffff, v54;
	s23 =	sor.u32 s21, s20  }
0x20: {  	s24 =	sor.u32 $0x450, s0;
	[tilespmem:v1+s25+$0x0 ss:$0x1] =	vst.idx.msk $0xffff, v55;
	v60 =	vld.idx.msk [tilespmem:v0+s22+$0x0 ss:$0x1], $0xffff;
	s13 =	sshrl.u32 s23, $0x8  }
0x21: {  	s25 =	sor.u32 $0x460, s0;
	[tilespmem:v1+s26+$0x0 ss:$0x1] =	vst.idx.msk $0xffff, v56;
	v61 =	vld.idx.msk [tilespmem:v0+s24+$0x0 ss:$0x1], $0xffff;
	s26 =	smulhi.u32 $0x1A36E3, s13  }
0x22: {  	[tilespmem:v1+s31+$0x0 ss:$0x1] =	vst.idx.msk $0xffff, v59;
	s0 =	sor.u32 $0x470, s0;
	v62 =	vld.idx.msk [tilespmem:v0+s25+$0x0 ss:$0x1], $0xffff  }
0x23: {  	[tilespmem:v1+s8+$0x0 ss:$0x1] =	vst.idx.msk $0xffff, v50;
	v63 =	vld.idx.msk [tilespmem:v0+s0+$0x0 ss:$0x1], $0xffff;
	s28 =	sshrl.u32 s26, $0x5  }
0x24: {  	[tilespmem:v1+s1+$0x0 ss:$0x1] =	vst.idx.msk $0xffff, v57;
	s1 =	smul.u32 $0x13880, s28  }
0x25: {  	s29 =	sshll.u32 s11, $0x4;
	[tilespmem:v1+s22+$0x0 ss:$0x1] =	vst.idx.msk $0xffff, v60  }
0x26: {  	s8 =	sand.u32 $0x10, s29;
	[tilespmem:v1+s24+$0x0 ss:$0x1] =	vst.idx.msk $0xffff, v61;
	s1 =	ssub.s32 s13, s1  }
0x27: {  	s8 =	sadd.s32 s6, s8;
	[tilespmem:v1+s25+$0x0 ss:$0x1] =	vst.idx.msk $0xffff, v62;
	s1 =	sshll.u32 s1, $0x5  }
0x28: {  	s31 =	simm.s32 $0x0;
	[tilespmem:v1+s0+$0x0 ss:$0x1] =	vst.idx.msk $0xffff, v63;
	s30 =	sadd.s32 s1, s8  }
0x29: {  	[hbm4b:s30+s31] =	stream.linear.scatter [tilespmem:s12], [sflag:$0x2], $0x4000, $0x38;
	[tilespmem:$0x10000] =	vst v63  }
.LBB2_5:
0x2a: {  	s1 =	sadd.s32 $0x800, s9  }
0x2b: {  	p2 =	sgt.s32 s1, $0x1387F  }
0x2c: {  	s1 =	smov.u32 @p2 s2;
	p2 =	sne.s32 s10, s7  }
.Ltmp1:
0x2d: {  	p1 =	slt.u32 s10, $0x2;
	(pc) =	sbr.rel @!p2 .LBB2_6-.Ltmp1, $4  }
0x2e: {  	s0 =	simm.s32 @!p1 $0x2  }
0x2f: {  	_ =	swait.ge @!p1 [sflag:s0], $0x4000  }
0x30: {  	s8 =	sadd.s32 $0x1, s10;
	s11 =	smov.u32 s9;
	[sflag:s0] =	ssyncset.done @!p1 $0x0  }
0x31: {  	s10 =	smov.u32 s8;
	s9 =	smov.u32 s1;
	[sflag:s0] =	ssyncadd.s32 @!p1 $0xFFFFC000  }
.LBB2_1:
0x32: {  	p1 =	sge.u32 s10, s5  }
0x33: {  	s12 =	sshll.u32 @!p1 s9, $0x8;
	s13 =	sshll.u32 @!p1 s9, $0x7  }
0x34: {  	s12 =	sand.u32 @!p1 $0xFFFFF800, s12;
	s13 =	sand.u32 @!p1 $0x300, s13  }
0x35: {  	s12 =	sor.u32 @!p1 s13, s12  }
0x36: {  	s12 =	sshrl.u32 @!p1 s12, $0x8  }
0x37: {  	s13 =	smulhi.u32 @!p1 $0x1A36E3, s12;
	_ =	sdelay $0x1  }
0x38: {  	s13 =	sshrl.u32 @!p1 s13, $0x5  }
0x39: {  	s13 =	smul.u32 @!p1 $0x13880, s13  }
0x3a: {  	s31 =	sadd.s32 $0xFFFFFFFF, s10;
	s14 =	sshll.u32 @!p1 s9, $0x4  }
0x3b: {  	s14 =	sand.u32 @!p1 $0x10, s14;
	s12 =	ssub.s32 @!p1 s12, s13;
	s13 =	sxor.u32 @!p1 $0xFFFFFFFF, s10  }
0x3c: {  	s14 =	sadd.s32 @!p1 s3, s14;
	s13 =	sshll.u32 @!p1 s13, $0xE;
	s12 =	sshll.u32 @!p1 s12, $0x5  }
0x3d: {  	s13 =	sand.u32 @!p1 $0x4000, s13;
	s12 =	sadd.s32 @!p1 s12, s14;
	s14 =	simm.s32 @!p1 $0x0  }
0x3e: {  	[tilespmem:s13], [sflag:$0x1] =	stream.linear.gather @!p1 [hbm4b:s12+s14], $0x4000, $0x38;
	[tilespmem:$0x10000] =	vst v63  }
0x3f: {  	p1 =	sge.u32 s31, s5  }
.Ltmp2:
0x40: {  	_ = 	snop;
	(pc) =	sbr.rel @p1 .LBB2_5-.Ltmp2, $1  }
0x41: {  	_ =	sdelay $0x3  }
0x42: {  	s12 =	sshll.u32 s10, $0xE  }
0x43: {  	s12 =	sand.u32 $0x4000, s12  }
0x44: {  	v0 =	vmov s12  }
0x45: {  	s13 =	simm.s32 $0x0  }
0x46: {  	_ =	swait.ge [sflag:s4], $0x4000;
	s14 =	sand.u32 $0x3800, s13;
	s15 =	sand.u32 $0x380, s13  }
0x47: {  	[sflag:s4] =	ssyncset.done $0x0;
	s13 =	sand.u32 $0x80, s13;
	s18 =	sor.u32 s15, s14  }
0x48: {  	[sflag:s4] =	ssyncadd.s32 $0xFFFFC000;
	s14 =	sand.u32 $0x3B00, s18;
	s15 =	sor.u32 $0x410, s18  }
0x49: {  	s12 =	sor.u32 $0x8000, s12;
	s13 =	sor.u32 s13, s14;
	v2 =	vld.idx.msk [tilespmem:v0+s15+$0x0 ss:$0x1], $0xffff  }
0x4a: {  	v1 =	vmov s12;
	s14 =	sor.u32 $0x400, s13;
	v3 =	vld.idx.msk [tilespmem:v0+s13+$0x0 ss:$0x1], $0xffff  }
0x4b: {  	s16 =	sor.u32 $0x10, s13;
	v4 =	vld.idx.msk [tilespmem:v0+s14+$0x0 ss:$0x1], $0xffff  }
0x4c: {  	s17 =	sor.u32 $0x20, s13;
	v5 =	vld.idx.msk [tilespmem:v0+s16+$0x0 ss:$0x1], $0xffff  }
0x4d: {  	s21 =	sor.u32 $0x30, s13;
	v8 =	vld.idx.msk [tilespmem:v0+s17+$0x0 ss:$0x1], $0xffff  }
0x4e: {  	s23 =	sor.u32 $0x40, s13;
	v9 =	vld.idx.msk [tilespmem:v0+s21+$0x0 ss:$0x1], $0xffff  }
0x4f: {  	s25 =	sor.u32 $0x50, s13;
	v10 =	vld.idx.msk [tilespmem:v0+s23+$0x0 ss:$0x1], $0xffff;
	[tilespmem:v1+s15+$0x0 ss:$0x1] =	vst.idx.msk $0xffff, v2  }
0x50: {  	s22 =	sor.u32 $0x60, s13;
	v11 =	vld.idx.msk [tilespmem:v0+s25+$0x0 ss:$0x1], $0xffff;
	[tilespmem:v1+s13+$0x0 ss:$0x1] =	vst.idx.msk $0xffff, v3  }
0x51: {  	s20 =	sor.u32 $0x70, s13;
	v7 =	vld.idx.msk [tilespmem:v0+s22+$0x0 ss:$0x1], $0xffff;
	[tilespmem:v1+s14+$0x0 ss:$0x1] =	vst.idx.msk $0xffff, v4  }
0x52: {  	s19 =	sor.u32 $0x430, s18;
	v6 =	vld.idx.msk [tilespmem:v0+s20+$0x0 ss:$0x1], $0xffff;
	[tilespmem:v1+s16+$0x0 ss:$0x1] =	vst.idx.msk $0xffff, v5  }
0x53: {  	s15 =	sor.u32 $0x420, s18;
	[tilespmem:v1+s17+$0x0 ss:$0x1] =	vst.idx.msk $0xffff, v8;
	v3 =	vld.idx.msk [tilespmem:v0+s19+$0x0 ss:$0x1], $0xffff  }
0x54: {  	s24 =	simm.s32 $0x100;
	s17 =	sor.u32 $0x440, s18;
	s16 =	sor.u32 $0x450, s18;
	[tilespmem:v1+s21+$0x0 ss:$0x1] =	vst.idx.msk $0xffff, v9;
	v4 =	vld.idx.msk [tilespmem:v0+s15+$0x0 ss:$0x1], $0xffff  }
0x55: {  	s14 =	sor.u32 $0x460, s18;
	s13 =	sor.u32 $0x470, s18;
	[tilespmem:v1+s23+$0x0 ss:$0x1] =	vst.idx.msk $0xffff, v10;
	s18 =	simm.s32 $0x80;
	v2 =	vld.idx.msk [tilespmem:v0+s17+$0x0 ss:$0x1], $0xffff  }
0x56: {  	s23 =	sand.u32 $0x3800, s24;
	s21 =	simm.s32 $0x200;
	[tilespmem:v1+s25+$0x0 ss:$0x1] =	vst.idx.msk $0xffff, v11;
	s24 =	sand.u32 $0x380, s18;
	v5 =	vld.idx.msk [tilespmem:v0+s16+$0x0 ss:$0x1], $0xffff  }
.LBB2_3:
0x57: {  	p1 =	sne.s32 s21, $0x3F00;
	s23 =	sor.u32 s24, s23;
	[tilespmem:v1+s22+$0x0 ss:$0x1] =	vst.idx.msk $0xffff, v7;
	v7 =	vld.idx.msk [tilespmem:v0+s14+$0x0 ss:$0x1], $0xffff  }
0x58: {  	s22 =	sand.u32 $0x80, s18;
	s24 =	sand.u32 $0x3B00, s23;
	s25 =	sor.u32 $0x410, s23;
	[tilespmem:v1+s20+$0x0 ss:$0x1] =	vst.idx.msk $0xffff, v6;
	v6 =	vld.idx.msk [tilespmem:v0+s13+$0x0 ss:$0x1], $0xffff  }
0x59: {  	s26 =	sor.u32 $0x430, s23;
	s24 =	sor.u32 s22, s24;
	v8 =	vld.idx.msk [tilespmem:v0+s25+$0x0 ss:$0x1], $0xffff;
	[tilespmem:v1+s15+$0x0 ss:$0x1] =	vst.idx.msk $0xffff, v4;
	s15 =	sor.u32 $0x420, s23  }
0x5a: {  	v4 =	vld.idx.msk [tilespmem:v0+s24+$0x0 ss:$0x1], $0xffff;
	s28 =	sor.u32 $0x10, s24;
	s29 =	sor.u32 $0x20, s24;
	s30 =	sor.u32 $0x400, s24;
	[tilespmem:v1+s19+$0x0 ss:$0x1] =	vst.idx.msk $0xffff, v3  }
0x5b: {  	s31 =	sor.u32 $0x30, s24;
	s0 =	sor.u32 $0x40, s24;
	s1 =	sor.u32 $0x50, s24;
	v3 =	vld.idx.msk [tilespmem:v0+s30+$0x0 ss:$0x1], $0xffff;
	[tilespmem:v1+s17+$0x0 ss:$0x1] =	vst.idx.msk $0xffff, v2  }
0x5c: {  	s22 =	sor.u32 $0x60, s24;
	s20 =	sor.u32 $0x70, s24;
	s17 =	sor.u32 $0x440, s23;
	v2 =	vld.idx.msk [tilespmem:v0+s28+$0x0 ss:$0x1], $0xffff;
	[tilespmem:v1+s16+$0x0 ss:$0x1] =	vst.idx.msk $0xffff, v5  }
0x5d: {  	s8 =	sor.u32 $0x470, s23;
	s16 =	sor.u32 $0x450, s23;
	v5 =	vld.idx.msk [tilespmem:v0+s29+$0x0 ss:$0x1], $0xffff;
	[tilespmem:v1+s14+$0x0 ss:$0x1] =	vst.idx.msk $0xffff, v7;
	s14 =	sor.u32 $0x460, s23  }
0x5e: {  	s19 =	smov.u32 s26;
	v9 =	vld.idx.msk [tilespmem:v0+s31+$0x0 ss:$0x1], $0xffff;
	[tilespmem:v1+s13+$0x0 ss:$0x1] =	vst.idx.msk $0xffff, v6;
	s13 =	smov.u32 s8  }
0x5f: {  	v10 =	vld.idx.msk [tilespmem:v0+s0+$0x0 ss:$0x1], $0xffff;
	[tilespmem:v1+s25+$0x0 ss:$0x1] =	vst.idx.msk $0xffff, v8  }
0x60: {  	[tilespmem:v1+s24+$0x0 ss:$0x1] =	vst.idx.msk $0xffff, v4;
	v8 =	vld.idx.msk [tilespmem:v0+s1+$0x0 ss:$0x1], $0xffff  }
0x61: {  	v7 =	vld.idx.msk [tilespmem:v0+s22+$0x0 ss:$0x1], $0xffff;
	[tilespmem:v1+s30+$0x0 ss:$0x1] =	vst.idx.msk $0xffff, v3  }
.Ltmp3:
0x62: {  	[tilespmem:v1+s28+$0x0 ss:$0x1] =	vst.idx.msk $0xffff, v2;
	v6 =	vld.idx.msk [tilespmem:v0+s20+$0x0 ss:$0x1], $0xffff;
	(pc) =	sbr.rel @p1 .LBB2_3-.Ltmp3, $4  }
0x63: {  	[tilespmem:v1+s29+$0x0 ss:$0x1] =	vst.idx.msk $0xffff, v5;
	v4 =	vld.idx.msk [tilespmem:v0+s15+$0x0 ss:$0x1], $0xffff  }
0x64: {  	[tilespmem:v1+s31+$0x0 ss:$0x1] =	vst.idx.msk $0xffff, v9;
	v3 =	vld.idx.msk [tilespmem:v0+s19+$0x0 ss:$0x1], $0xffff  }
0x65: {  	s18 =	sadd.s32 $0x80, s18;
	[tilespmem:v1+s0+$0x0 ss:$0x1] =	vst.idx.msk $0xffff, v10;
	v2 =	vld.idx.msk [tilespmem:v0+s17+$0x0 ss:$0x1], $0xffff  }
0x66: {  	s23 =	sand.u32 $0x3800, s21;
	s21 =	sadd.s32 $0x100, s21;
	s24 =	sand.u32 $0x380, s18;
	[tilespmem:v1+s1+$0x0 ss:$0x1] =	vst.idx.msk $0xffff, v8;
	v5 =	vld.idx.msk [tilespmem:v0+s16+$0x0 ss:$0x1], $0xffff  }
.Ltmp4:
0x67: {  	_ = 	snop;
	(pc) =	sbr.rel .LBB2_4-.Ltmp4, $1  }
0x68: {  	_ =	sdelay $0x3  }
.LBB2_6:
0x69: {  	_ =	sfence.sel $0x180000  }
0x6a: {  	s0 =	simm.s32 $0x1;
	[bflag:$0x0] =	sbarrier.arrive $0xFFFF  }
0x6b: {  	s31 =	simm.s32 $0x2;
	[sflag:s0] =	ssyncpa.u1 $0x1  }
0x6c: {  	[sflag:s31] =	ssyncpa.u1 $0x1  }
0x6d: {  	_ =	strace $0x9000004A  }
0x6e: {  	[bflag:$0x2] =	sbarrier.arrive $0xFFFF  }
0x6f: {  	s0 =	rddreg [dreg:$0x2]  }
0x70: {  	s0 =	sadd.s32 @!p0 $0x100000, s0  }
0x71: {  	s1 =	rddreg [dreg:$0x3];
	[sflag:s0] =	ssyncadd.tile.s32 @!p0 $0x1;
	s0 =	simm.s32 @!p0 $0x3F  }
0x72: {  	_ =	swait.ge @!p0 [sflag:s0], s1  }
0x73: {  	s1 =	ssub.s32 @!p0 $0x0, s1;
	[sflag:s0] =	ssyncset.done @!p0 $0x0  }
0x74: {  	[sflag:s0] =	ssyncadd.s32 @!p0 s1  }
0x75: {  	[bflag:$0x3] =	sbarrier.arrive $0xFFFF  }
0x76: {  	_ =	shalt  }
.Lfunc_end2:
execute1_lowered:
.L_overlay_start_2:
0x77: {  	(tag) =	ssettag $0x2  }
0x78: {  	s2 =	rddreg [dreg:$0x0]  }
0x79: {  	s3 =	rddreg [dreg:$0x1];
	_ =	strace $0x8000004D;
	s0 =	simm.s32 $0x1  }
0x7a: {  	s5 =	simm.s32 $0x208;
	v0 =	vimm.s32 $0x0;
	[sflag:s0] =	ssyncpa.u1 $0x0  }
0x7b: {  	[tilespmem:s5+$0x70] =	vst v0  }
0x7c: {  	[tilespmem:s5+$0x60] =	vst v0  }
0x7d: {  	[tilespmem:s5+$0x50] =	vst v0  }
0x7e: {  	[tilespmem:s5+$0x40] =	vst v0  }
0x7f: {  	[tilespmem:s5+$0x30] =	vst v0  }
0x80: {  	s1 =	sadd.s32 $0x769E00, s2;
	s0 =	sadd.s32 $0x5600, s2;
	s6 =	sadd.s32 $0x14600, s2;
	[tilespmem:s5+$0x20] =	vst v0  }
0x81: {  	s4 =	sadd.s32 $0xA600, s2;
	s10 =	sand.u32 $0x1, s3;
	s2 =	simm.s32 $0x40;
	[tilespmem:s5+$0x10] =	vst v0  }
.LBB3_1:
0x82: {  	s2 =	sadd.s32 $0x40, s2;
	[tilespmem:s5+$0x0] =	vst v0;
	s5 =	sadd.s32 $0x80, s5  }
0x83: {  	p0 =	slt.u32 s2, $0x3880;
	[tilespmem:s5+$0x70] =	vst v0  }
0x84: {  	[tilespmem:s5+$0x60] =	vst v0  }
.Ltmp5:
0x85: {  	[tilespmem:s5+$0x50] =	vst v0;
	(pc) =	sbr.rel @p0 .LBB3_1-.Ltmp5, $4  }
0x86: {  	[tilespmem:s5+$0x40] =	vst v0  }
0x87: {  	[tilespmem:s5+$0x30] =	vst v0  }
0x88: {  	[tilespmem:s5+$0x20] =	vst v0  }
0x89: {  	[tilespmem:s5+$0x10] =	vst v0  }
0x8a: {  	s11 =	stileid.u32  }
0x8b: {  	s2 =	smul.u32 $0x2C, s11  }
0x8c: {  	s3 =	smin.u32 s11, $0xB  }
0x8d: {  	s2 =	sadd.s32 s3, s2  }
0x8e: {  	p0 =	slt.u32 s11, $0xB;
	s20 =	smul.u32 $0x70, s2;
	s2 =	simm.s32 $0x13B0  }
0x8f: {  	s2 =	simm.s32 @!p0 $0x1340  }
0x90: {  	s2 =	sadd.s32 s2, s20  }
0x91: {  	s8 =	smin.u32 s2, $0x13880  }
0x92: {  	s26 =	simm.s32 $0x2;
	s2 =	ssub.s32 s8, s20  }
0x93: {  	s9 =	simm.s32 $0x9;
	s29 =	simm.s32 $0xA;
	p0 =	sgt.s32 s2, $0x0  }
0x94: {  	s30 =	simm.s32 $0xB;
	s31 =	smul.u32 $0x2710, s10;
	s2 =	simm.s32 @!p0 $0x0  }
0x95: {  	[dreg:$0x4] =	wrdreg s10;
	s12 =	simm.s32 $0x1;
	s25 =	smulhi.u32 $0x92492493, s2  }
0x96: {  	s24 =	simm.s32 $0x0;
	p1 =	por $0x0, $0x0;
	s18 =	simm.s32 $0x80  }
0x97: {  	s19 =	simm.s32 $0x400;
	s17 =	simm.s32 $0xC;
	s3 =	sshrl.u32 s25, $0x6  }
0x98: {  	s21 =	simm.s32 $0x0;
	s23 =	simm.s32 $0x0;
	s28 =	smul.u32 $0x70, s3  }
.Ltmp6:
0x99: {  	[tilespmem:s5+$0x0] =	vst v0;
	v0 =	vimm.s32 $0xFFFFFFFF;
	[sflag:s26] =	ssyncpa.u1 $0x0;
	s16 =	sshll.u32 s11, $0x9;
	(pc) =	sbr.rel .LBB3_3-.Ltmp6, $4  }
0x9a: {  	[tilespmem:$0xE408] =	vst v0;
	[sflag:s9] =	ssyncpa.u1 $0x0;
	p0 =	sne.s32 s2, s28;
	s2 =	simm.s32 $0x1  }
0x9b: {  	s14 =	sadd.s32 s31, s4;
	[sflag:s29] =	ssyncpa.u1 $0x0;
	s2 =	simm.s32 @!p0 $0x0  }
0x9c: {  	s15 =	sadd.s32 s31, s0;
	[sflag:s30] =	ssyncpa.u1 $0x0;
	s13 =	sadd.s32 s2, s3  }
0x9d: {  	v0 =	vlaneseq.u32;
	s22 =	smov.u32 s20;
	p0 =	por $0x1, $0x1;
	s11 =	sadd.s32 $0x1, s13  }
.LBB3_24:
0x9e: {  	s2 =	sshrl.u32 s4, $0x2  }
.LBB3_26:
0x9f: {  	_ =	swait.ge [sflag:s17], s2  }
0xa0: {  	s31 =	ssub.s32 $0x0, s2;
	v1 =	vmov s26;
	vm0 =	veq.s32 v0, $0x0;
	[sflag:s17] =	ssyncset.done $0x0  }
0xa1: {  	vm15 =	veq.s32 v0, $0x2;
	v1 =	vsel vm0, s0, v1;
	[sflag:s17] =	ssyncadd.s32 s31  }
0xa2: {  	v1 =	vsel vm15, s24, v1;
	[sflag:s17] =	ssyncpa.u1 $0x1  }
0xa3: {  	[tilespmem:$0xE408] =	vst v1  }
.LBB3_27:
0xa4: {  	s0 =	sadd.s32 $0x70, s22  }
0xa5: {  	s2 =	smov.u32 s20;
	p2 =	slt.s32 s0, s8  }
0xa6: {  	s2 =	smov.u32 @p2 s0;
	p2 =	sne.s32 s23, s11  }
.Ltmp7:
0xa7: {  	_ = 	snop;
	(pc) =	sbr.rel @!p2 .LBB3_28-.Ltmp7, $4  }
0xa8: {  	_ = 	snop  }
0xa9: {  	s24 =	smov.u32 s21  }
0xaa: {  	s31 =	sadd.s32 $0x1, s23;
	s21 =	smov.u32 s22;
	p0 =	por !p0, !p0  }
0xab: {  	p1 =	por !p1, !p1;
	s23 =	smov.u32 s31;
	s22 =	smov.u32 s2  }
.LBB3_3:
0xac: {  	p2 =	sge.u32 s23, s13  }
0xad: {  	s0 =	smulhi.u32 @!p2 $0xAAAAAAAB, s23  }
0xae: {  	s2 =	smov.u32 s22;
	p3 =	sgt.s32 @!p2 s22, $0x13810  }
0xaf: {  	s3 =	sshra.s32 @!p2 s22, $0x1F;
	p3 =	por !p3, p2;
	s0 =	sshrl.u32 @!p2 s0, $0x1  }
0xb0: {  	s3 =	sand.u32 @!p2 s3, s22;
	s2 =	simm.s32 @p3 $0x13810;
	s0 =	smul.u32 @!p2 $0x3, s0  }
0xb1: {  	s2 =	ssub.s32 @!p2 s2, s3  }
0xb2: {  	s2 =	sadd.s32 @!p2 $0xFFFEC7F0, s2;
	s0 =	ssub.s32 @!p2 s23, s0  }
0xb3: {  	s3 =	sshll.u32 @!p2 s2, $0x2;
	p3 =	sgt.s32 @!p2 s2, $0x6F;
	s0 =	smul.u32 @!p2 $0x1C0, s0  }
0xb4: {  	s4 =	sand.u32 @!p2 $0x7, s22;
	s2 =	ssub.s32 @!p2 $0x1C0, s3;
	p3 =	por !p3, p2  }
0xb5: {  	s3 =	sshrl.u32 @!p2 s22, $0x3;
	s2 =	sshrl.u32 @!p2 s2, $0x2;
	s0 =	sshrl.u32 @!p2 s0, $0x2  }
0xb6: {  	s3 =	sadd.s32 @!p2 s3, s14;
	s2 =	simm.s32 @!p3 $0x0;
	s0 =	sadd.s32 @!p2 $0x10448, s0  }
0xb7: {  	[tilespmem:s0], [sflag:$0xA] =	stream.linear.gather @!p2 [hbm4b:s3+s4], s2, $0x38;
	[tilespmem:$0x1E678] =	vst v63  }
0xb8: {  	s2 =	sadd.s32 $0xFFFFFFFF, s23  }
0xb9: {  	p2 =	sge.u32 s2, s13  }
0xba: {  	p3 =	sgt.s32 @!p2 s21, $0x13810  }
0xbb: {  	s0 =	smov.u32 s21;
	s3 =	sshra.s32 @!p2 s21, $0x1F;
	p3 =	por !p3, p2  }
0xbc: {  	s3 =	sand.u32 @!p2 s3, s21;
	s0 =	simm.s32 @p3 $0x13810  }
0xbd: {  	s0 =	ssub.s32 @!p2 s0, s3  }
0xbe: {  	s0 =	sadd.s32 @!p2 $0xFFFEC7F0, s0  }
0xbf: {  	s3 =	sshll.u32 @!p2 s0, $0x2  }
0xc0: {  	p3 =	sgt.s32 @!p2 s0, $0x6F;
	s0 =	ssub.s32 @!p2 $0x1C0, s3  }
0xc1: {  	p3 =	por !p3, p2;
	s0 =	sshrl.u32 @!p2 s0, $0x2  }
0xc2: {  	s4 =	simm.s32 @!p2 $0xA;
	s3 =	sand.u32 @!p2 $0x1, s2;
	s0 =	simm.s32 @!p3 $0x0  }
0xc3: {  	s3 =	smul.u32 @!p2 $0x1C0, s3;
	_ =	swait.ge @!p2 [sflag:s4], s0  }
0xc4: {  	s5 =	ssub.s32 @!p2 $0x0, s0;
	[sflag:s4] =	ssyncset.done @!p2 $0x0  }
0xc5: {  	s3 =	sshrl.u32 @!p2 s3, $0x2;
	[sflag:s4] =	ssyncadd.s32 @!p2 s5;
	s4 =	sshrl.u32 @!p2 s21, $0x3  }
0xc6: {  	s3 =	sadd.s32 @!p2 $0x10598, s3;
	s5 =	sand.u32 @!p2 $0x7, s21;
	s4 =	sadd.s32 @!p2 s4, s15  }
0xc7: {  	[tilespmem:s3], [sflag:$0xB] =	stream.linear.gather @!p2 [hbm4b:s4+s5], s0, $0x38;
	[tilespmem:$0x1E678] =	vst v63  }
0xc8: {  	s0 =	ssub.s32 @!p2 $0x13880, s21  }
0xc9: {  	p3 =	slt.s32 @!p2 s0, $0x1  }
0xca: {  	p3 =	por p2, p3  }
.Ltmp8:
0xcb: {  	_ = 	snop;
	(pc) =	sbr.rel @p3 .LBB3_9-.Ltmp8, $1  }
0xcc: {  	_ =	sdelay $0x3  }
0xcd: {  	s3 =	smulhi.u32 $0xAAAAAAAB, s2;
	_ =	sdelay $0x1  }
0xce: {  	s3 =	sshrl.u32 s3, $0x1  }
0xcf: {  	s3 =	smul.u32 $0x3, s3;
	_ =	sdelay $0x1  }
0xd0: {  	s30 =	ssub.s32 s2, s3  }
0xd1: {  	s4 =	simm.s32 $0x1;
	s2 =	smul.u32 $0x1C0, s30  }
.Ltmp9:
0xd2: {  	s4 =	simm.s32 @!p0 $0x0;
	(pc) =	sbr.rel .LBB3_6-.Ltmp9, $4  }
0xd3: {  	s31 =	smul.u32 $0x1C000, s4  }
0xd4: {  	p3 =	slt.s32 @!p2 s0, $0x70;
	s2 =	sshrl.u32 s2, $0x2  }
0xd5: {  	p2 =	por !p3, p2;
	s3 =	sshrl.u32 s31, $0x2;
	s5 =	sadd.s32 $0x10448, s2  }
0xd6: {  	s0 =	simm.s32 @p2 $0x70;
	s4 =	sor.u32 $0x10678, s3;
	s2 =	simm.s32 $0x0;
	v1 =	vmov s5  }
.LBB3_5:
0xd7: {  	p2 =	sge.s32 s2, s0  }
.Ltmp10:
0xd8: {  	_ = 	snop;
	(pc) =	sbr.rel @p2 .LBB3_9-.Ltmp10, $2  }
0xd9: {  	_ =	sdelay $0x2  }
0xda: {  	s4 =	sadd.s32 $0x1000, s4  }
.LBB3_6:
0xdb: {  	p2 =	sle.s32 s0, s2  }
.Ltmp11:
0xdc: {  	_ = 	snop;
	(pc) =	sbr.rel @p2 .LBB3_5-.Ltmp11, $2  }
0xdd: {  	_ =	sdelay $0x2  }
0xde: {  	s5 =	smov.u32 s2;
	s2 =	sadd.s32 $0x10, s2  }
0xdf: {  	s3 =	ssub.s32 s0, s5  }
0xe0: {  	p2 =	slt.s32 s3, $0x10  }
0xe1: {  	s3 =	simm.s32 @!p2 $0x10  }
0xe2: {  	v2 =	vmov s3  }
0xe3: {  	vm0 =	vgt.s32 v2, v0;
	_ =	sdelay $0x5  }
0xe4: {  	v2 =	vld.idx.msk [tilespmem:v1+s5+$0x0 ss:$0x1], vm0;
	_ =	sdelay $0x2  }
0xe5: {  	p2 =	slt.s32 s2, s0;
	s3 =	smov.u32 s0  }
0xe6: {  	s9 =	smov.u32 s4;
	s25 =	simm.s32 $0x0;
	s3 =	smov.u32 @p2 s2  }
.LBB3_8:
0xe7: {  	(v2sf) =	vpush v2, s25;
	_ =	sdelay $0xe  }
0xe8: {  	s25 =	sadd.s32 $0x1, s25;
	s10 =	spop (v2sf)  }
0xe9: {  	s31 =	sadd.s32 s25, s5;
	s26 =	sshll.u32 s10, $0x8;
	s10 =	sshll.u32 s10, $0x7  }
0xea: {  	p2 =	slt.s32 s31, s3;
	s26 =	sand.u32 $0xFFFFF800, s26;
	s10 =	sand.u32 $0x380, s10  }
.Ltmp12:
0xeb: {  	s10 =	sor.u32 s10, s26;
	(pc) =	sbr.rel @p2 .LBB3_8-.Ltmp12, $4  }
0xec: {  	s10 =	sshrl.u32 s10, $0x3  }
0xed: {  	s10 =	sadd.s32 s6, s10  }
0xee: {  	[tilespmem:s9], [sflag:$0x9] =	stream.strided.gather [hbm4b:s10+s18], $0x100, s19, s18, $0x38;
	[tilespmem:$0x1E678] =	vst v63  }
0xef: {  	s9 =	sadd.s32 $0x100, s9  }
.Ltmp13:
0xf0: {  	_ = 	snop;
	(pc) =	sbr.rel .LBB3_5-.Ltmp13, $1  }
0xf1: {  	_ =	sdelay $0x3  }
.LBB3_9:
0xf2: {  	p2 =	slt.u32 s23, $0x2  }
.Ltmp14:
0xf3: {  	_ = 	snop;
	(pc) =	sbr.rel @p2 .LBB3_27-.Ltmp14, $1  }
0xf4: {  	_ =	sdelay $0x3  }
0xf5: {  	p2 =	sgt.s32 s24, $0x13810  }
0xf6: {  	s0 =	smov.u32 s24;
	s2 =	sshra.s32 s24, $0x1F;
	s3 =	ssub.s32 $0x13880, s24  }
0xf7: {  	s0 =	simm.s32 @!p2 $0x13810;
	s2 =	sand.u32 s2, s24;
	p2 =	slt.s32 s3, $0x70  }
0xf8: {  	s0 =	ssub.s32 s0, s2;
	s3 =	simm.s32 @!p2 $0x70  }
0xf9: {  	s0 =	sadd.s32 $0xFFFEC7F0, s0;
	s9 =	sshll.u32 s3, $0x8  }
0xfa: {  	s26 =	simm.s32 $0x9;
	s10 =	sshll.u32 s0, $0x2;
	s2 =	sand.u32 $0x3FFFFF00, s9  }
0xfb: {  	p2 =	sgt.s32 s0, $0x6F;
	s25 =	ssub.s32 $0x1C0, s10;
	_ =	swait.ge [sflag:s26], s2  }
0xfc: {  	s2 =	ssub.s32 $0x0, s2;
	[sflag:s26] =	ssyncset.done $0x0;
	s0 =	sshrl.u32 s25, $0x2  }
0xfd: {  	s29 =	simm.s32 $0xB;
	[sflag:s26] =	ssyncadd.s32 s2;
	s0 =	simm.s32 @p2 $0x0  }
0xfe: {  	_ =	swait.ge [sflag:s29], s0  }
0xff: {  	s0 =	ssub.s32 $0x0, s0;
	[sflag:s29] =	ssyncset.done $0x0  }
0x100: {  	[sflag:s29] =	ssyncadd.s32 s0  }
0x101: {  	v1 =	vld [tilespmem:$0xE408];
	_ =	sdelay $0x4  }
0x102: {  	(v2sf) =	vpush v1, $0x0  }
0x103: {  	(v2sf) =	vpush v1, $0x1  }
0x104: {  	(v2sf) =	vpush v1, $0x2;
	_ =	sdelay $0x3  }
0x105: {  	s0 =	sadd.s32 $0x70, s24  }
0x106: {  	s2 =	ssub.s32 $0x27100, s24;
	p2 =	slt.s32 s8, s0  }
0x107: {  	s0 =	smov.u32 @p2 s8;
	p2 =	sgt.s32 s2, $0x0  }
0x108: {  	s0 =	ssub.s32 s0, s24;
	s2 =	simm.s32 @!p2 $0x0  }
0x109: {  	p2 =	slt.s32 s2, s0  }
0x10a: {  	s0 =	smov.u32 @p2 s2  }
0x10b: {  	s4 =	simm.s32 $0x1;
	p2 =	slt.s32 s0, $0x1  }
.Ltmp15:
0x10c: {  	s4 =	simm.s32 @!p1 $0x0;
	(pc) =	sbr.rel @p2 .LBB3_14-.Ltmp15, $4  }
0x10d: {  	s30 =	smul.u32 $0x1C0, s4  }
0x10e: {  	s5 =	spop (v2sf)  }
0x10f: {  	s31 =	sshrl.u32 s30, $0x2;
	s28 =	spop (v2sf)  }
0x110: {  	s25 =	sadd.s32 $0x10598, s31;
	s24 =	spop (v2sf)  }
0x111: {  	s2 =	smin.u32 s0, $0x10  }
0x112: {  	v1 =	vmov s2  }
0x113: {  	vm1 =	vgt.u32 v1, v0  }
0x114: {  	p3 =	sgt.s32 s0, $0x10  }
.Ltmp16:
0x115: {  	_ = 	snop;
	(pc) =	sbr.rel @!p3 .LBB3_13-.Ltmp16, $2  }
0x116: {  	_ =	sdelay $0x2  }
0x117: {  	s26 =	simm.s32 $0x10;
	s29 =	sadd.s32 $0xFFFFFFF0, s0;
	s2 =	smov.u32 s25;
	vm0 =	vmmov vm1;
	v1 =	vld.msk [tilespmem:s25+$0x0 ss:$0x1], vm1  }
.LBB3_12:
0x118: {  	s3 =	smin.u32 s29, $0x10;
	s26 =	sadd.s32 $0x10, s26  }
0x119: {  	v2 =	vmov s3;
	p3 =	slt.s32 s26, s0  }
0x11a: {  	vm1 =	vgt.u32 v2, v0;
	_ =	sdelay $0x1  }
0x11b: {  	v2 =	vshll.u32 v1, $0x5;
	v1 =	vshll.u32 v1, $0x4  }
.Ltmp17:
0x11c: {  	v2 =	vand.u32 $0xFFFFFF00, v2;
	v1 =	vand.u32 $0x70, v1;
	(pc) =	sbr.rel @p3 .LBB3_12-.Ltmp17, $4  }
0x11d: {  	v1 =	vor.u32 v1, v2  }
0x11e: {  	[tilespmem:s2+$0x0] =	vst.msk vm0, v1;
	s2 =	sadd.s32 $0x10, s2;
	vm0 =	vmmov vm1  }
0x11f: {  	v1 =	vld.msk [tilespmem:s2+$0x0 ss:$0x1], vm1  }
0x120: {  	s29 =	sadd.s32 $0xFFFFFFF0, s29  }
.LBB3_13:
0x121: {  	_ =	sdelay $0x3  }
0x122: {  	v2 =	vshll.u32 v1, $0x5;
	v1 =	vshll.u32 v1, $0x4  }
0x123: {  	v2 =	vand.u32 $0xFFFFFF00, v2;
	v1 =	vand.u32 $0x70, v1  }
0x124: {  	v1 =	vor.u32 v1, v2  }
0x125: {  	[tilespmem:s2+$0x0] =	vst.msk vm0, v1  }
.LBB3_14:
0x126: {  	s2 =	sand.u32 $0x1, s23  }
0x127: {  	s2 =	smul.u32 $0x70, s2  }
0x128: {  	p3 =	sne.s32 s28, $0xFFFFFFFF  }
0x129: {  	v1 =	vld.msk @!p3 [tilespmem:s2+$0x10598], $0x1;
	_ =	sdelay $0x4  }
0x12a: {  	(v2sf) =	vpush @!p3 v1, $0x0;
	_ =	sdelay $0xc  }
.Ltmp18:
0x12b: {  	_ = 	snop;
	(pc) =	sbr.rel @p2 .LBB3_25-.Ltmp18, $4  }
0x12c: {  	_ = 	snop  }
0x12d: {  	s31 =	spop @!p3 (v2sf)  }
0x12e: {  	s24 =	simm.s32 @!p3 $0x0;
	s26 =	smov.u32 s31  }
0x12f: {  	[sflag:s17] =	ssyncpa.u1 $0x0;
	s31 =	smov.u32 @p3 s5;
	s26 =	smov.u32 @p3 s28  }
0x130: {  	v1 =	vld.msk [tilespmem:s25+$0x0], $0x1;
	_ =	sdelay $0x4  }
0x131: {  	(v2sf) =	vpush v1, $0x0;
	_ =	sdelay $0xe  }
0x132: {  	s7 =	smov.u32 s11;
	s5 =	spop (v2sf)  }
0x133: {  	s17 =	smov.u32 s15;
	s2 =	smul.u32 $0x1C000, s4;
	p2 =	seq.s32 s31, s5  }
0x134: {  	s3 =	smov.u32 s31;
	s29 =	ssub.s32 $0x0, s0;
	p3 =	sgt.s32 @!p2 s31, $0x0  }
0x135: {  	s30 =	simm.s32 $0x0;
	s2 =	sshrl.u32 s2, $0x2;
	p3 =	por !p3, p2  }
0x136: {  	s0 =	sadd.s32 $0x1, s29;
	s28 =	sor.u32 $0x106F8, s2;
	s3 =	simm.s32 @p3 $0x0  }
0x137: {  	s2 =	simm.s32 @!p2 $0x1;
	p3 =	seq.s32 s0, $0x0;
	s3 =	smin.u32 @!p2 s3, $0x270F70  }
.Ltmp19:
0x138: {  	s4 =	simm.s32 @!p2 $0x7308;
	s9 =	sand.u32 @!p2 $0x3FFFF8, s3;
	(pc) =	sbr.rel @p3 .LBB3_17-.Ltmp19, $4  }
0x139: {  	s10 =	sadd.s32 @!p2 $0x80, s3;
	s11 =	sadd.s32 @!p2 s1, s9;
	s9 =	sand.u32 @!p2 $0x7, s3  }
0x13a: {  	[tilespmem:s4], [sflag:$0x2] =	stream.linear.gather @!p2 [hbm4b:s11+s9], $0x80, $0x38;
	[tilespmem:$0x1E678] =	vst v63  }
0x13b: {  	s15 =	smov.u32 s14;
	s2 =	smov.u32 @p2 s30;
	s4 =	sand.u32 @!p2 $0x7FFFF8, s10  }
0x13c: {  	s3 =	simm.s32 @!p2 $0x7388;
	s10 =	sadd.s32 @!p2 s1, s4;
	s4 =	sadd.s32 $0x1, s25  }
.LBB3_16:
0x13d: {  	s11 =	smov.u32 s2  }
0x13e: {  	[tilespmem:s3], [sflag:$0x2] =	stream.linear.gather @!p2 [hbm4b:s10+s9], $0x80, $0x38;
	[tilespmem:$0x1E678] =	vst v63  }
0x13f: {  	s0 =	sadd.s32 $0x1, s0;
	s9 =	smov.u32 s5;
	v1 =	vld.msk [tilespmem:s4+$0x0], $0x1  }
0x140: {  	p3 =	seq.s32 s0, $0x0;
	_ =	sdelay $0x3  }
0x141: {  	(v2sf) =	vpush v1, $0x0;
	_ =	sdelay $0xe  }
0x142: {  	s5 =	spop (v2sf)  }
0x143: {  	p2 =	seq.s32 s9, s5  }
0x144: {  	p4 =	sgt.s32 @!p2 s9, $0x0;
	s3 =	sshll.u32 @!p2 s2, $0xA;
	s2 =	sadd.s32 @!p2 $0x1, s2  }
0x145: {  	p4 =	por !p4, p2;
	s3 =	sshra.s32 @!p2 s3, $0x2;
	s2 =	smov.u32 @p2 s11  }
0x146: {  	s9 =	simm.s32 @p4 $0x0;
	s10 =	sadd.s32 @!p2 $0x7308, s3;
	s3 =	sadd.s32 @!p2 $0x7388, s3  }
.Ltmp20:
0x147: {  	s9 =	smin.u32 @!p2 s9, $0x270F70;
	(pc) =	sbr.rel @!p3 .LBB3_16-.Ltmp20, $4  }
0x148: {  	s11 =	sand.u32 @!p2 $0x3FFFF8, s9;
	s14 =	sadd.s32 @!p2 $0x80, s9  }
0x149: {  	s9 =	sand.u32 @!p2 $0x7, s9;
	s11 =	sadd.s32 @!p2 s1, s11;
	s14 =	sand.u32 @!p2 $0x7FFFF8, s14  }
0x14a: {  	[tilespmem:s10], [sflag:$0x2] =	stream.linear.gather @!p2 [hbm4b:s11+s9], $0x80, $0x38;
	[tilespmem:$0x1E678] =	vst v63  }
0x14b: {  	s4 =	sadd.s32 $0x1, s4;
	s10 =	sadd.s32 @!p2 s1, s14  }
.LBB3_17:
0x14c: {  	[tilespmem:s3], [sflag:$0x2] =	stream.linear.gather @!p2 [hbm4b:s10+s9], $0x80, $0x38;
	[tilespmem:$0x1E678] =	vst v63  }
0x14d: {  	s0 =	sshll.u32 s2, $0x8  }
.Ltmp21:
0x14e: {  	s14 =	simm.s32 $0x2;
	s0 =	sand.u32 $0x3FFFFF00, s0;
	(pc) =	sbr.rel .LBB3_18-.Ltmp21, $4  }
0x14f: {  	_ =	swait.ge [sflag:s14], s0  }
0x150: {  	s0 =	ssub.s32 $0x0, s0;
	[sflag:s14] =	ssyncset.done $0x0  }
0x151: {  	s4 =	simm.s32 $0x0;
	s11 =	smov.u32 s7;
	[sflag:s14] =	ssyncadd.s32 s0  }
0x152: {  	s14 =	smov.u32 s15;
	s15 =	smov.u32 s17;
	s17 =	simm.s32 $0xC  }
.LBB3_19:
0x153: {  	v1 =	vld [tilespmem:s28+$0xFFFFFF80];
	_ =	sdelay $0x4  }
0x154: {  	[tilespmem:s5+$0x208] =	vst.add.f32.msk $0xffff, v1  }
0x155: {  	v1 =	vld [tilespmem:s28+$0xFFFFFF90];
	_ =	sdelay $0x4  }
0x156: {  	[tilespmem:s5+$0x218] =	vst.add.f32.msk $0xffff, v1  }
0x157: {  	v1 =	vld [tilespmem:s28+$0xFFFFFFA0];
	_ =	sdelay $0x4  }
0x158: {  	[tilespmem:s5+$0x228] =	vst.add.f32.msk $0xffff, v1  }
0x159: {  	v1 =	vld [tilespmem:s28+$0xFFFFFFB0];
	_ =	sdelay $0x4  }
0x15a: {  	[tilespmem:s5+$0x238] =	vst.add.f32.msk $0xffff, v1  }
0x15b: {  	v1 =	vld [tilespmem:s28+$0xFFFFFFC0];
	_ =	sdelay $0x4  }
0x15c: {  	[tilespmem:s5+$0x248] =	vst.add.f32.msk $0xffff, v1  }
0x15d: {  	v1 =	vld [tilespmem:s28+$0xFFFFFFD0];
	_ =	sdelay $0x4  }
0x15e: {  	[tilespmem:s5+$0x258] =	vst.add.f32.msk $0xffff, v1  }
0x15f: {  	v1 =	vld [tilespmem:s28+$0xFFFFFFE0];
	_ =	sdelay $0x4  }
0x160: {  	[tilespmem:s5+$0x268] =	vst.add.f32.msk $0xffff, v1  }
0x161: {  	v1 =	vld [tilespmem:s28+$0xFFFFFFF0];
	_ =	sdelay $0x4  }
0x162: {  	[tilespmem:s5+$0x278] =	vst.add.f32.msk $0xffff, v1  }
0x163: {  	v1 =	vld [tilespmem:s28+$0x0];
	_ =	sdelay $0x4  }
0x164: {  	[tilespmem:s5+$0x288] =	vst.add.f32.msk $0xffff, v1  }
0x165: {  	v1 =	vld [tilespmem:s28+$0x10];
	_ =	sdelay $0x4  }
0x166: {  	[tilespmem:s5+$0x298] =	vst.add.f32.msk $0xffff, v1  }
0x167: {  	v1 =	vld [tilespmem:s28+$0x20];
	_ =	sdelay $0x4  }
0x168: {  	[tilespmem:s5+$0x2A8] =	vst.add.f32.msk $0xffff, v1  }
0x169: {  	v1 =	vld [tilespmem:s28+$0x30];
	_ =	sdelay $0x4  }
0x16a: {  	[tilespmem:s5+$0x2B8] =	vst.add.f32.msk $0xffff, v1  }
0x16b: {  	v1 =	vld [tilespmem:s28+$0x40];
	_ =	sdelay $0x4  }
0x16c: {  	[tilespmem:s5+$0x2C8] =	vst.add.f32.msk $0xffff, v1  }
0x16d: {  	v1 =	vld [tilespmem:s28+$0x50];
	_ =	sdelay $0x4  }
0x16e: {  	[tilespmem:s5+$0x2D8] =	vst.add.f32.msk $0xffff, v1  }
0x16f: {  	v1 =	vld [tilespmem:s28+$0x60];
	_ =	sdelay $0x4  }
0x170: {  	[tilespmem:s5+$0x2E8] =	vst.add.f32.msk $0xffff, v1  }
0x171: {  	v1 =	vld [tilespmem:s28+$0x70];
	_ =	sdelay $0x4  }
0x172: {  	[tilespmem:s5+$0x2F8] =	vst.add.f32.msk $0xffff, v1  }
.LBB3_23:
0x173: {  	s29 =	sadd.s32 $0x1, s29  }
0x174: {  	p2 =	seq.s32 s29, $0x0  }
.Ltmp22:
0x175: {  	_ = 	snop;
	(pc) =	sbr.rel @p2 .LBB3_24-.Ltmp22, $2  }
0x176: {  	_ =	sdelay $0x2  }
0x177: {  	s25 =	sadd.s32 $0x1, s25;
	s28 =	sadd.s32 $0x100, s28;
	s31 =	smov.u32 s0  }
.LBB3_18:
0x178: {  	v1 =	vld.msk [tilespmem:s25+$0x0], $0x1;
	_ =	sdelay $0x4  }
0x179: {  	(v2sf) =	vpush v1, $0x0;
	_ =	sdelay $0xe  }
0x17a: {  	s0 =	spop (v2sf)  }
0x17b: {  	p2 =	sne.s32 s31, s0  }
.Ltmp23:
0x17c: {  	_ = 	snop;
	(pc) =	sbr.rel @!p2 .LBB3_19-.Ltmp23, $3  }
0x17d: {  	_ =	sdelay $0x1  }
0x17e: {  	s2 =	sshll.u32 s24, $0xA  }
0x17f: {  	s5 =	sshra.s32 s2, $0x2  }
0x180: {  	p2 =	seq.s32 s31, s26  }
.Ltmp24:
0x181: {  	_ = 	snop;
	(pc) =	sbr.rel @!p2 .LBB3_21-.Ltmp24, $1  }
0x182: {  	_ =	sdelay $0x3  }
.Ltmp25:
0x183: {  	s2 =	sadd.s32 $0x208, s5;
	(pc) =	sbr.rel .LBB3_22-.Ltmp25, $4  }
0x184: {  	[spmem:s16] =	stream.linear.scatter [tilespmem:s2], [sflag:$0x1], $0x100, $0x38;
	[tilespmem:$0x1E678] =	vst v63  }
0x185: {  	_ =	swait.ge [sflag:s12], $0x100  }
0x186: {  	[sflag:s12] =	ssyncset.done $0x0  }
0x187: {  	[sflag:s12] =	ssyncadd.s32 $0xFFFFFF00  }
.LBB3_21:
0x188: {  	s2 =	sshll.u32 s30, $0xA  }
0x189: {  	s2 =	sshra.s32 s2, $0x2  }
0x18a: {  	v1 =	vld [tilespmem:s2+$0x7308];
	_ =	sdelay $0x4  }
0x18b: {  	[tilespmem:s5+$0x208] =	vst.add.f32.msk $0xffff, v1  }
0x18c: {  	v1 =	vld [tilespmem:s2+$0x7318];
	_ =	sdelay $0x4  }
0x18d: {  	[tilespmem:s5+$0x218] =	vst.add.f32.msk $0xffff, v1  }
0x18e: {  	v1 =	vld [tilespmem:s2+$0x7328];
	_ =	sdelay $0x4  }
0x18f: {  	[tilespmem:s5+$0x228] =	vst.add.f32.msk $0xffff, v1  }
0x190: {  	v1 =	vld [tilespmem:s2+$0x7338];
	_ =	sdelay $0x4  }
0x191: {  	[tilespmem:s5+$0x238] =	vst.add.f32.msk $0xffff, v1  }
0x192: {  	v1 =	vld [tilespmem:s2+$0x7348];
	_ =	sdelay $0x4  }
0x193: {  	[tilespmem:s5+$0x248] =	vst.add.f32.msk $0xffff, v1  }
0x194: {  	v1 =	vld [tilespmem:s2+$0x7358];
	_ =	sdelay $0x4  }
0x195: {  	[tilespmem:s5+$0x258] =	vst.add.f32.msk $0xffff, v1  }
0x196: {  	v1 =	vld [tilespmem:s2+$0x7368];
	_ =	sdelay $0x4  }
0x197: {  	[tilespmem:s5+$0x268] =	vst.add.f32.msk $0xffff, v1  }
0x198: {  	v1 =	vld [tilespmem:s2+$0x7378];
	_ =	sdelay $0x4  }
0x199: {  	[tilespmem:s5+$0x278] =	vst.add.f32.msk $0xffff, v1  }
0x19a: {  	v1 =	vld [tilespmem:s2+$0x7388];
	_ =	sdelay $0x4  }
0x19b: {  	[tilespmem:s5+$0x288] =	vst.add.f32.msk $0xffff, v1  }
0x19c: {  	v1 =	vld [tilespmem:s2+$0x7398];
	_ =	sdelay $0x4  }
0x19d: {  	[tilespmem:s5+$0x298] =	vst.add.f32.msk $0xffff, v1  }
0x19e: {  	v1 =	vld [tilespmem:s2+$0x73A8];
	_ =	sdelay $0x4  }
0x19f: {  	[tilespmem:s5+$0x2A8] =	vst.add.f32.msk $0xffff, v1  }
0x1a0: {  	v1 =	vld [tilespmem:s2+$0x73B8];
	_ =	sdelay $0x4  }
0x1a1: {  	[tilespmem:s5+$0x2B8] =	vst.add.f32.msk $0xffff, v1  }
0x1a2: {  	v1 =	vld [tilespmem:s2+$0x73C8];
	_ =	sdelay $0x4  }
0x1a3: {  	[tilespmem:s5+$0x2C8] =	vst.add.f32.msk $0xffff, v1  }
0x1a4: {  	v1 =	vld [tilespmem:s2+$0x73D8];
	_ =	sdelay $0x4  }
0x1a5: {  	[tilespmem:s5+$0x2D8] =	vst.add.f32.msk $0xffff, v1  }
0x1a6: {  	v1 =	vld [tilespmem:s2+$0x73E8];
	_ =	sdelay $0x4  }
0x1a7: {  	[tilespmem:s5+$0x2E8] =	vst.add.f32.msk $0xffff, v1  }
0x1a8: {  	v1 =	vld [tilespmem:s2+$0x73F8];
	_ =	sdelay $0x2  }
0x1a9: {  	p2 =	sgt.u32 s31, $0x270F70  }
0x1aa: {  	s2 =	sand.u32 @!p2 $0x3FFFF8, s31  }
0x1ab: {  	s3 =	sadd.s32 $0x208, s5;
	s9 =	sand.u32 @!p2 $0x7, s31;
	s2 =	sadd.s32 @!p2 s1, s2;
	[tilespmem:s5+$0x2F8] =	vst.add.f32.msk $0xffff, v1  }
0x1ac: {  	[hbm4b:s2+s9] =	stream.linear.scatter @!p2 [tilespmem:s3], [sflag:$0xC], $0x80, $0x38;
	[tilespmem:$0x1E678] =	vst v63  }
0x1ad: {  	s2 =	sadd.s32 @!p2 $0x80, s31  }
0x1ae: {  	s2 =	sand.u32 @!p2 $0x7FFFF8, s2  }
0x1af: {  	s3 =	sadd.s32 $0x288, s5;
	s2 =	sadd.s32 @!p2 s1, s2  }
0x1b0: {  	[hbm4b:s2+s9] =	stream.linear.scatter @!p2 [tilespmem:s3], [sflag:$0xC], $0x80, $0x38;
	[tilespmem:$0x1E678] =	vst v63  }
0x1b1: {  	s2 =	simm.s32 $0x0  }
0x1b2: {  	s2 =	simm.s32 @!p2 $0x400  }
0x1b3: {  	s4 =	sadd.s32 s2, s4  }
.LBB3_22:
0x1b4: {  	s2 =	sadd.s32 $0x1, s24  }
0x1b5: {  	s3 =	sshrl.u32 s2, $0x4  }
0x1b6: {  	s3 =	smulhi.u32 $0x24924925, s3  }
0x1b7: {  	v1 =	vld [tilespmem:s28+$0xFFFFFF80]  }
0x1b8: {  	s3 =	smul.u32 $0x70, s3;
	_ =	sdelay $0x1  }
0x1b9: {  	s24 =	ssub.s32 s2, s3  }
0x1ba: {  	s2 =	sshll.u32 s24, $0x8  }
0x1bb: {  	[tilespmem:s2+$0x208] =	vst v1  }
0x1bc: {  	v1 =	vld [tilespmem:s28+$0xFFFFFF90];
	_ =	sdelay $0x4  }
0x1bd: {  	[tilespmem:s2+$0x218] =	vst v1  }
0x1be: {  	v1 =	vld [tilespmem:s28+$0xFFFFFFA0];
	_ =	sdelay $0x4  }
0x1bf: {  	[tilespmem:s2+$0x228] =	vst v1  }
0x1c0: {  	v1 =	vld [tilespmem:s28+$0xFFFFFFB0];
	_ =	sdelay $0x4  }
0x1c1: {  	[tilespmem:s2+$0x238] =	vst v1  }
0x1c2: {  	v1 =	vld [tilespmem:s28+$0xFFFFFFC0];
	_ =	sdelay $0x4  }
0x1c3: {  	[tilespmem:s2+$0x248] =	vst v1  }
0x1c4: {  	v1 =	vld [tilespmem:s28+$0xFFFFFFD0];
	_ =	sdelay $0x4  }
0x1c5: {  	[tilespmem:s2+$0x258] =	vst v1  }
0x1c6: {  	v1 =	vld [tilespmem:s28+$0xFFFFFFE0];
	_ =	sdelay $0x4  }
0x1c7: {  	[tilespmem:s2+$0x268] =	vst v1  }
0x1c8: {  	v1 =	vld [tilespmem:s28+$0xFFFFFFF0];
	_ =	sdelay $0x4  }
0x1c9: {  	[tilespmem:s2+$0x278] =	vst v1  }
0x1ca: {  	v1 =	vld [tilespmem:s28+$0x0];
	_ =	sdelay $0x4  }
0x1cb: {  	[tilespmem:s2+$0x288] =	vst v1  }
0x1cc: {  	v1 =	vld [tilespmem:s28+$0x10];
	_ =	sdelay $0x4  }
0x1cd: {  	[tilespmem:s2+$0x298] =	vst v1  }
0x1ce: {  	v1 =	vld [tilespmem:s28+$0x20];
	_ =	sdelay $0x4  }
0x1cf: {  	[tilespmem:s2+$0x2A8] =	vst v1  }
0x1d0: {  	v1 =	vld [tilespmem:s28+$0x30];
	_ =	sdelay $0x4  }
0x1d1: {  	[tilespmem:s2+$0x2B8] =	vst v1  }
0x1d2: {  	v1 =	vld [tilespmem:s28+$0x40];
	_ =	sdelay $0x4  }
0x1d3: {  	[tilespmem:s2+$0x2C8] =	vst v1  }
0x1d4: {  	v1 =	vld [tilespmem:s28+$0x50];
	_ =	sdelay $0x4  }
0x1d5: {  	[tilespmem:s2+$0x2D8] =	vst v1  }
0x1d6: {  	v1 =	vld [tilespmem:s28+$0x60];
	_ =	sdelay $0x4  }
0x1d7: {  	[tilespmem:s2+$0x2E8] =	vst v1  }
0x1d8: {  	v1 =	vld [tilespmem:s28+$0x70]  }
.Ltmp26:
0x1d9: {  	_ = 	snop;
	(pc) =	sbr.rel .LBB3_23-.Ltmp26, $2  }
0x1da: {  	_ =	sdelay $0x2  }
0x1db: {  	s30 =	sadd.s32 $0x1, s30;
	[tilespmem:s2+$0x2F8] =	vst v1  }
.LBB3_25:
.Ltmp27:
0x1dc: {  	(pc) =	sbr.rel .LBB3_26-.Ltmp27, $4  }
0x1dd: {  	_ = 	snop  }
0x1de: {  	s0 =	simm.s32 $0x2  }
0x1df: {  	_ =	swait.ge [sflag:s0], $0x0  }
0x1e0: {  	s2 =	simm.s32 $0x0;
	[sflag:s0] =	ssyncset.done $0x0;
	s0 =	smov.u32 s31  }
.LBB3_28:
0x1e1: {  	_ =	sfence.sel $0x180000  }
0x1e2: {  	s0 =	simm.s32 $0x9;
	[bflag:$0x0] =	sbarrier.arrive $0xFFFF  }
0x1e3: {  	s24 =	simm.s32 $0xA;
	[sflag:s0] =	ssyncpa.u1 $0x1  }
0x1e4: {  	s25 =	simm.s32 $0xB;
	[sflag:s24] =	ssyncpa.u1 $0x1  }
0x1e5: {  	s26 =	simm.s32 $0x2;
	[sflag:s25] =	ssyncpa.u1 $0x1  }
0x1e6: {  	[sflag:s26] =	ssyncpa.u1 $0x1  }
0x1e7: {  	v0 =	vld [tilespmem:$0xE408];
	_ =	sdelay $0x4  }
0x1e8: {  	(v2sf) =	vpush v0, $0x0  }
0x1e9: {  	(v2sf) =	vpush v0, $0x1;
	_ =	sdelay $0x1  }
0x1ea: {  	(v2sf) =	vpush v0, $0x2;
	_ =	sdelay $0xb  }
0x1eb: {  	s0 =	spop (v2sf)  }
0x1ec: {  	s2 =	spop (v2sf)  }
0x1ed: {  	s3 =	smov.u32 s0;
	p0 =	sne.s32 s0, s2  }
0x1ee: {  	s4 =	spop (v2sf);
	s3 =	simm.s32 @!p0 $0xFFFFFFFF  }
0x1ef: {  	v2 =	vimm.s32 $0x1;
	v3 =	vlaneseq.u32;
	p0 =	seq.s32 s4, $0xFFFFFFFF;
	v1 =	vmov s3  }
0x1f0: {  	s15 =	stileid.u32;
	v0 =	vperm.xlane v0, v2;
	p1 =	sne.s32 @!p0 s0, s2;
	v1 =	vperm.xlane v1, v3  }
0x1f1: {  	vm0 =	vcmask $0x3F04;
	s6 =	simm.s32 $0xE408;
	s0 =	simm.s32 @!p0 $0x1;
	p1 =	por !p1, p0  }
0x1f2: {  	s3 =	sshll.u32 s15, $0x1;
	s2 =	sshll.u32 @!p0 s4, $0xA;
	s0 =	simm.s32 @p1 $0x0;
	v0 =	vsel vm0, v1, v0  }
0x1f3: {  	s5 =	sor.u32 $0x2000, s3;
	s2 =	sshra.s32 @!p0 s2, $0x2;
	s0 =	sor.u32 @!p0 s0, s3;
	[tilespmem:$0xE408] =	vst v0  }
0x1f4: {  	[spmem:s5] =	stream.linear.scatter [tilespmem:s6], [sflag:$0x1], $0x2, $0x38;
	[tilespmem:$0x1E678] =	vst v63  }
0x1f5: {  	s2 =	sadd.s32 @!p0 $0x208, s2;
	s0 =	sshll.u32 @!p0 s0, $0x8  }
0x1f6: {  	[spmem:s0] =	stream.linear.scatter @!p0 [tilespmem:s2], [sflag:$0x1], $0x100, $0x38;
	[tilespmem:$0x1E678] =	vst v63  }
0x1f7: {  	s0 =	simm.s32 @!p0 $0x102  }
0x1f8: {  	s28 =	simm.s32 $0x1;
	s0 =	simm.s32 @p0 $0x2  }
0x1f9: {  	_ =	swait.ge [sflag:s28], s0  }
0x1fa: {  	s0 =	ssub.s32 $0x0, s0;
	[sflag:s28] =	ssyncset.done $0x0  }
0x1fb: {  	p0 =	sne.s32 s15, $0x0;
	[sflag:s28] =	ssyncadd.s32 s0  }
.Ltmp28:
0x1fc: {  	_ =	sfence.stream.spmem;
	(pc) =	sbr.rel @p0 .LBB3_45-.Ltmp28, $4  }
0x1fd: {  	s29 =	simm.s32 $0x3;
	[bflag:$0x0] =	sbarrier.arrive $0xFFFF  }
0x1fe: {  	s30 =	simm.s32 $0x4;
	[sflag:s29] =	ssyncpa.u1 $0x1  }
0x1ff: {  	s31 =	simm.s32 $0x3C;
	[sflag:s30] =	ssyncpa.u1 $0x1  }
0x200: {  	s14 =	rddreg [dreg:$0x4];
	[sflag:s31] =	ssyncpa.u1 $0x1  }
0x201: {  	_ =	sfence.stream.spmem;
	s0 =	simm.s32 $0x5  }
0x202: {  	s2 =	simm.s32 $0x2000;
	s3 =	simm.s32 $0xE418;
	[sflag:s0] =	ssyncpa.u1 $0x0  }
0x203: {  	[tilespmem:s3], [sflag:$0x5] =	stream.linear.gather [spmem:s2], $0x20, $0x38;
	[tilespmem:$0x1E678] =	vst v63  }
0x204: {  	s26 =	simm.s32 $0x0;
	s28 =	simm.s32 $0xE438  }
0x205: {  	[tilespmem:s28], [sflag:$0x5] =	stream.linear.gather [spmem:s26], $0x2000, $0x38;
	[tilespmem:$0x1E678] =	vst v63  }
0x206: {  	_ =	swait.ge [sflag:s0], $0x2020  }
0x207: {  	[sflag:s0] =	ssyncset.done $0x0  }
0x208: {  	s29 =	simm.s32 $0x0;
	[sflag:s0] =	ssyncadd.s32 $0xFFFFDFE0  }
0x209: {  	v0 =	vld.msk [tilespmem:s29+$0xE418], $0x1;
	_ =	sdelay $0x1  }
0x20a: {  	s30 =	simm.s32 $0x1  }
0x20b: {  	v1 =	vld.msk [tilespmem:s30+$0xE418], $0x1;
	_ =	sdelay $0x1  }
0x20c: {  	(v2sf) =	vpush v0, $0x0;
	_ =	sdelay $0x2  }
0x20d: {  	(v2sf) =	vpush v1, $0x0;
	_ =	sdelay $0x2  }
0x20e: {  	s31 =	simm.s32 $0x2  }
0x20f: {  	v0 =	vld.msk [tilespmem:s31+$0xE418], $0x1;
	_ =	sdelay $0x2  }
0x210: {  	s2 =	simm.s32 $0xFFFFFFFF;
	s3 =	simm.s32 $0xFFFFFFFF;
	s0 =	simm.s32 $0xC  }
.LBB3_30:
0x211: {  	s4 =	smov.u32 s3;
	s5 =	smov.u32 s2  }
0x212: {  	s2 =	sshra.s32 s0, $0x2;
	p1 =	sne.s32 s0, $0x7C;
	s0 =	sadd.s32 $0x4, s0;
	(v2sf) =	vpush v0, $0x0  }
0x213: {  	v0 =	vld.msk [tilespmem:s2+$0xE418], $0x1  }
.Ltmp29:
0x214: {  	(pc) =	sbr.rel @p1 .LBB3_30-.Ltmp29, $4  }
0x215: {  	s3 =	spop (v2sf)  }
0x216: {  	p2 =	sne.s32 s5, $0xFFFFFFFF;
	s2 =	smov.u32 s3  }
0x217: {  	p3 =	seq.s32 s3, $0xFFFFFFFF;
	s2 =	smov.u32 @p2 s5  }
0x218: {  	s3 =	smov.u32 @p3 s4;
	s2 =	smov.u32 @p3 s5  }
0x219: {  	(v2sf) =	vpush v0, $0x0;
	_ =	sdelay $0x8  }
0x21a: {  	s0 =	spop (v2sf)  }
0x21b: {  	p1 =	sne.s32 s2, $0xFFFFFFFF;
	s9 =	simm.s32 $0x6;
	s4 =	smov.u32 s0  }
0x21c: {  	s6 =	simm.s32 $0x0;
	p2 =	seq.s32 s0, $0xFFFFFFFF;
	s4 =	smov.u32 @p1 s2  }
0x21d: {  	s10 =	simm.s32 $0xE308;
	s4 =	smov.u32 @p2 s2;
	s2 =	spop (v2sf)  }
0x21e: {  	s0 =	smov.u32 @p2 s3;
	p1 =	sne.s32 s4, $0xFFFFFFFF;
	s5 =	smov.u32 s2  }
.Ltmp30:
0x21f: {  	p2 =	seq.s32 s2, $0xFFFFFFFF;
	s5 =	smov.u32 @p1 s4;
	(pc) =	sbr.rel .LBB3_32-.Ltmp30, $4  }
0x220: {  	s11 =	simm.s32 $0xE388;
	s5 =	smov.u32 @p2 s4;
	s7 =	spop (v2sf)  }
0x221: {  	s12 =	simm.s32 $0x0;
	p1 =	sne.s32 s5, $0xFFFFFFFF;
	s8 =	smov.u32 s7  }
0x222: {  	s2 =	smov.u32 @p2 s0;
	p2 =	seq.s32 s7, $0xFFFFFFFF;
	s8 =	smov.u32 @p1 s5  }
0x223: {  	[sflag:s9] =	ssyncpa.u1 $0x0;
	s7 =	smov.u32 @p2 s2;
	s8 =	smov.u32 @p2 s5  }
.LBB3_38:
0x224: {  	p1 =	sgt.u32 s0, $0x270F70  }
0x225: {  	p2 =	seq.s32 @!p1 s0, s8  }
0x226: {  	p1 =	por p1, p2  }
0x227: {  	p2 =	sne.s32 @!p1 s0, s7  }
0x228: {  	p1 =	por p1, !p2  }
0x229: {  	s0 =	sshll.u32 @p1 s12, $0xA  }
0x22a: {  	s2 =	sand.u32 @!p1 $0x3FFFF8, s0;
	s3 =	sand.u32 @!p1 $0x7, s0;
	s0 =	sadd.s32 @!p1 $0x80, s0  }
0x22b: {  	s2 =	sadd.s32 @!p1 s1, s2;
	s0 =	sand.u32 @!p1 $0x7FFFF8, s0  }
0x22c: {  	[tilespmem:s10], [sflag:$0x6] =	stream.linear.gather @!p1 [hbm4b:s2+s3], $0x80, $0x38;
	[tilespmem:$0x1E678] =	vst v63  }
0x22d: {  	s0 =	sadd.s32 @!p1 s1, s0  }
0x22e: {  	[tilespmem:s11], [sflag:$0x6] =	stream.linear.gather @!p1 [hbm4b:s0+s3], $0x80, $0x38;
	[tilespmem:$0x1E678] =	vst v63  }
0x22f: {  	_ =	swait.ge @!p1 [sflag:s9], $0x100  }
0x230: {  	[sflag:s9] =	ssyncset.done @!p1 $0x0  }
0x231: {  	[sflag:s9] =	ssyncadd.s32 @!p1 $0xFFFFFF00  }
0x232: {  	v1 =	vld @!p1 [tilespmem:$0xE308];
	_ =	sdelay $0x2  }
0x233: {  	s0 =	sshll.u32 @!p1 s12, $0xA  }
0x234: {  	s2 =	sshrl.u32 @!p1 s0, $0x2  }
0x235: {  	[tilespmem:s2+$0xE438] =	vst.add.f32.msk @!p1 $0xffff, v1  }
0x236: {  	v1 =	vld @!p1 [tilespmem:$0xE318];
	_ =	sdelay $0x4  }
0x237: {  	[tilespmem:s2+$0xE448] =	vst.add.f32.msk @!p1 $0xffff, v1  }
0x238: {  	v1 =	vld @!p1 [tilespmem:$0xE328];
	_ =	sdelay $0x4  }
0x239: {  	[tilespmem:s2+$0xE458] =	vst.add.f32.msk @!p1 $0xffff, v1  }
0x23a: {  	v1 =	vld @!p1 [tilespmem:$0xE338];
	_ =	sdelay $0x4  }
0x23b: {  	[tilespmem:s2+$0xE468] =	vst.add.f32.msk @!p1 $0xffff, v1  }
0x23c: {  	v1 =	vld @!p1 [tilespmem:$0xE348];
	_ =	sdelay $0x4  }
0x23d: {  	[tilespmem:s2+$0xE478] =	vst.add.f32.msk @!p1 $0xffff, v1  }
0x23e: {  	v1 =	vld @!p1 [tilespmem:$0xE358];
	_ =	sdelay $0x4  }
0x23f: {  	[tilespmem:s2+$0xE488] =	vst.add.f32.msk @!p1 $0xffff, v1  }
0x240: {  	v1 =	vld @!p1 [tilespmem:$0xE368];
	_ =	sdelay $0x4  }
0x241: {  	[tilespmem:s2+$0xE498] =	vst.add.f32.msk @!p1 $0xffff, v1  }
0x242: {  	v1 =	vld @!p1 [tilespmem:$0xE378];
	_ =	sdelay $0x4  }
0x243: {  	[tilespmem:s2+$0xE4A8] =	vst.add.f32.msk @!p1 $0xffff, v1  }
0x244: {  	v1 =	vld @!p1 [tilespmem:$0xE388];
	_ =	sdelay $0x4  }
0x245: {  	[tilespmem:s2+$0xE4B8] =	vst.add.f32.msk @!p1 $0xffff, v1  }
0x246: {  	v1 =	vld @!p1 [tilespmem:$0xE398];
	_ =	sdelay $0x4  }
0x247: {  	[tilespmem:s2+$0xE4C8] =	vst.add.f32.msk @!p1 $0xffff, v1  }
0x248: {  	v1 =	vld @!p1 [tilespmem:$0xE3A8];
	_ =	sdelay $0x4  }
0x249: {  	[tilespmem:s2+$0xE4D8] =	vst.add.f32.msk @!p1 $0xffff, v1  }
0x24a: {  	v1 =	vld @!p1 [tilespmem:$0xE3B8];
	_ =	sdelay $0x4  }
0x24b: {  	[tilespmem:s2+$0xE4E8] =	vst.add.f32.msk @!p1 $0xffff, v1  }
0x24c: {  	v1 =	vld @!p1 [tilespmem:$0xE3C8];
	_ =	sdelay $0x4  }
0x24d: {  	[tilespmem:s2+$0xE4F8] =	vst.add.f32.msk @!p1 $0xffff, v1  }
0x24e: {  	v1 =	vld @!p1 [tilespmem:$0xE3D8];
	_ =	sdelay $0x4  }
0x24f: {  	[tilespmem:s2+$0xE508] =	vst.add.f32.msk @!p1 $0xffff, v1  }
0x250: {  	v1 =	vld @!p1 [tilespmem:$0xE3E8];
	_ =	sdelay $0x4  }
0x251: {  	[tilespmem:s2+$0xE518] =	vst.add.f32.msk @!p1 $0xffff, v1  }
0x252: {  	v1 =	vld @!p1 [tilespmem:$0xE3F8];
	_ =	sdelay $0x4  }
0x253: {  	[tilespmem:s2+$0xE528] =	vst.add.f32.msk @!p1 $0xffff, v1  }
0x254: {  	s0 =	sshrl.u32 s0, $0x2;
	[tilespmem:s6+$0xE418] =	vst.msk $0x1, v0  }
0x255: {  	v0 =	vld [tilespmem:s0+$0xE438];
	_ =	sdelay $0x2  }
0x256: {  	s31 =	sshll.u32 s6, $0xA  }
0x257: {  	s2 =	sshra.s32 s31, $0x2  }
0x258: {  	[tilespmem:s2+$0xE438] =	vst v0  }
0x259: {  	v0 =	vld [tilespmem:s0+$0xE448];
	_ =	sdelay $0x4  }
0x25a: {  	[tilespmem:s2+$0xE448] =	vst v0  }
0x25b: {  	v0 =	vld [tilespmem:s0+$0xE458];
	_ =	sdelay $0x4  }
0x25c: {  	[tilespmem:s2+$0xE458] =	vst v0  }
0x25d: {  	v0 =	vld [tilespmem:s0+$0xE468];
	_ =	sdelay $0x4  }
0x25e: {  	[tilespmem:s2+$0xE468] =	vst v0  }
0x25f: {  	v0 =	vld [tilespmem:s0+$0xE478];
	_ =	sdelay $0x4  }
0x260: {  	[tilespmem:s2+$0xE478] =	vst v0  }
0x261: {  	v0 =	vld [tilespmem:s0+$0xE488];
	_ =	sdelay $0x4  }
0x262: {  	[tilespmem:s2+$0xE488] =	vst v0  }
0x263: {  	v0 =	vld [tilespmem:s0+$0xE498];
	_ =	sdelay $0x4  }
0x264: {  	[tilespmem:s2+$0xE498] =	vst v0  }
0x265: {  	v0 =	vld [tilespmem:s0+$0xE4A8];
	_ =	sdelay $0x4  }
0x266: {  	[tilespmem:s2+$0xE4A8] =	vst v0  }
0x267: {  	v0 =	vld [tilespmem:s0+$0xE4B8];
	_ =	sdelay $0x4  }
0x268: {  	[tilespmem:s2+$0xE4B8] =	vst v0  }
0x269: {  	v0 =	vld [tilespmem:s0+$0xE4C8];
	_ =	sdelay $0x4  }
0x26a: {  	[tilespmem:s2+$0xE4C8] =	vst v0  }
0x26b: {  	v0 =	vld [tilespmem:s0+$0xE4D8];
	_ =	sdelay $0x4  }
0x26c: {  	[tilespmem:s2+$0xE4D8] =	vst v0  }
0x26d: {  	v0 =	vld [tilespmem:s0+$0xE4E8];
	_ =	sdelay $0x4  }
0x26e: {  	[tilespmem:s2+$0xE4E8] =	vst v0  }
0x26f: {  	v0 =	vld [tilespmem:s0+$0xE4F8];
	_ =	sdelay $0x4  }
0x270: {  	[tilespmem:s2+$0xE4F8] =	vst v0  }
0x271: {  	v0 =	vld [tilespmem:s0+$0xE508];
	_ =	sdelay $0x4  }
0x272: {  	[tilespmem:s2+$0xE508] =	vst v0  }
0x273: {  	v0 =	vld [tilespmem:s0+$0xE518];
	_ =	sdelay $0x4  }
0x274: {  	[tilespmem:s2+$0xE518] =	vst v0  }
0x275: {  	v0 =	vld [tilespmem:s0+$0xE528];
	_ =	sdelay $0x4  }
0x276: {  	s6 =	sadd.s32 $0x1, s6;
	[tilespmem:s2+$0xE528] =	vst v0  }
.LBB3_39:
0x277: {  	s12 =	sadd.s32 $0x1, s12  }
0x278: {  	p1 =	sne.s32 s12, $0x20  }
.Ltmp31:
0x279: {  	_ = 	snop;
	(pc) =	sbr.rel @!p1 .LBB3_40-.Ltmp31, $1  }
0x27a: {  	_ =	sdelay $0x3  }
.LBB3_32:
0x27b: {  	v0 =	vld.msk [tilespmem:s12+$0xE418], $0x1;
	_ =	sdelay $0x4  }
0x27c: {  	(v2sf) =	vpush v0, $0x0;
	_ =	sdelay $0xe  }
0x27d: {  	s0 =	spop (v2sf)  }
0x27e: {  	p1 =	seq.s32 s0, $0xFFFFFFFF  }
.Ltmp32:
0x27f: {  	_ = 	snop;
	(pc) =	sbr.rel @p1 .LBB3_39-.Ltmp32, $1  }
0x280: {  	_ =	sdelay $0x3  }
0x281: {  	p1 =	slt.s32 s6, $0x1  }
.Ltmp33:
0x282: {  	_ = 	snop;
	(pc) =	sbr.rel @p1 .LBB3_38-.Ltmp33, $1  }
0x283: {  	_ =	sdelay $0x3  }
0x284: {  	s4 =	simm.s32 $0xE418;
	p1 =	por $0x0, $0x0  }
0x285: {  	v1 =	vld.msk @!p1 [tilespmem:s4+$0x0], $0x1;
	_ =	sdelay $0x4  }
0x286: {  	(v2sf) =	vpush @!p1 v1, $0x0;
	_ =	sdelay $0xd  }
0x287: {  	p3 =	sne.s32 s6, $0x1  }
.Ltmp34:
0x288: {  	s2 =	spop @!p1 (v2sf);
	(pc) =	sbr.rel @!p3 .LBB3_36-.Ltmp34, $4  }
0x289: {  	p2 =	seq.s32 @!p1 s0, s2  }
0x28a: {  	s5 =	simm.s32 $0x0;
	p2 =	por !p2, p1  }
0x28b: {  	s2 =	simm.s32 $0xFFFFFFFF;
	s5 =	simm.s32 @p2 $0xFFFFFFFF  }
0x28c: {  	s13 =	simm.s32 $0x1;
	s5 =	smov.u32 @p1 s2  }
.LBB3_35:
0x28d: {  	s2 =	smov.u32 s5;
	p1 =	sne.s32 s5, $0xFFFFFFFF  }
0x28e: {  	s4 =	sadd.s32 $0x1, s4;
	s5 =	smov.u32 s13;
	s13 =	sadd.s32 $0x1, s13  }
0x28f: {  	p2 =	sne.s32 s6, s13;
	v1 =	vld.msk @!p1 [tilespmem:s4+$0x0], $0x1;
	_ =	sdelay $0x4  }
0x290: {  	(v2sf) =	vpush @!p1 v1, $0x0;
	_ =	sdelay $0xe  }
.Ltmp35:
0x291: {  	s3 =	spop @!p1 (v2sf);
	(pc) =	sbr.rel @p2 .LBB3_35-.Ltmp35, $4  }
0x292: {  	p3 =	seq.s32 @!p1 s0, s3  }
0x293: {  	p3 =	por !p3, p1  }
0x294: {  	s5 =	simm.s32 @p3 $0xFFFFFFFF  }
0x295: {  	s5 =	smov.u32 @p1 s2  }
.LBB3_36:
0x296: {  	p1 =	seq.s32 s5, $0xFFFFFFFF  }
.Ltmp36:
0x297: {  	_ = 	snop;
	(pc) =	sbr.rel @p1 .LBB3_38-.Ltmp36, $1  }
0x298: {  	_ =	sdelay $0x3  }
0x299: {  	s0 =	sshll.u32 s12, $0x8  }
0x29a: {  	s0 =	sand.u32 $0x3FFFFF00, s0  }
0x29b: {  	v0 =	vld [tilespmem:s0+$0xE438];
	_ =	sdelay $0x2  }
0x29c: {  	s2 =	sshll.u32 s5, $0xA  }
0x29d: {  	s2 =	sshra.s32 s2, $0x2  }
0x29e: {  	[tilespmem:s2+$0xE438] =	vst.add.f32.msk $0xffff, v0  }
0x29f: {  	v0 =	vld [tilespmem:s0+$0xE448];
	_ =	sdelay $0x4  }
0x2a0: {  	[tilespmem:s2+$0xE448] =	vst.add.f32.msk $0xffff, v0  }
0x2a1: {  	v0 =	vld [tilespmem:s0+$0xE458];
	_ =	sdelay $0x4  }
0x2a2: {  	[tilespmem:s2+$0xE458] =	vst.add.f32.msk $0xffff, v0  }
0x2a3: {  	v0 =	vld [tilespmem:s0+$0xE468];
	_ =	sdelay $0x4  }
0x2a4: {  	[tilespmem:s2+$0xE468] =	vst.add.f32.msk $0xffff, v0  }
0x2a5: {  	v0 =	vld [tilespmem:s0+$0xE478];
	_ =	sdelay $0x4  }
0x2a6: {  	[tilespmem:s2+$0xE478] =	vst.add.f32.msk $0xffff, v0  }
0x2a7: {  	v0 =	vld [tilespmem:s0+$0xE488];
	_ =	sdelay $0x4  }
0x2a8: {  	[tilespmem:s2+$0xE488] =	vst.add.f32.msk $0xffff, v0  }
0x2a9: {  	v0 =	vld [tilespmem:s0+$0xE498];
	_ =	sdelay $0x4  }
0x2aa: {  	[tilespmem:s2+$0xE498] =	vst.add.f32.msk $0xffff, v0  }
0x2ab: {  	v0 =	vld [tilespmem:s0+$0xE4A8];
	_ =	sdelay $0x4  }
0x2ac: {  	[tilespmem:s2+$0xE4A8] =	vst.add.f32.msk $0xffff, v0  }
0x2ad: {  	v0 =	vld [tilespmem:s0+$0xE4B8];
	_ =	sdelay $0x4  }
0x2ae: {  	[tilespmem:s2+$0xE4B8] =	vst.add.f32.msk $0xffff, v0  }
0x2af: {  	v0 =	vld [tilespmem:s0+$0xE4C8];
	_ =	sdelay $0x4  }
0x2b0: {  	[tilespmem:s2+$0xE4C8] =	vst.add.f32.msk $0xffff, v0  }
0x2b1: {  	v0 =	vld [tilespmem:s0+$0xE4D8];
	_ =	sdelay $0x4  }
0x2b2: {  	[tilespmem:s2+$0xE4D8] =	vst.add.f32.msk $0xffff, v0  }
0x2b3: {  	v0 =	vld [tilespmem:s0+$0xE4E8];
	_ =	sdelay $0x4  }
0x2b4: {  	[tilespmem:s2+$0xE4E8] =	vst.add.f32.msk $0xffff, v0  }
0x2b5: {  	v0 =	vld [tilespmem:s0+$0xE4F8];
	_ =	sdelay $0x4  }
0x2b6: {  	[tilespmem:s2+$0xE4F8] =	vst.add.f32.msk $0xffff, v0  }
0x2b7: {  	v0 =	vld [tilespmem:s0+$0xE508];
	_ =	sdelay $0x4  }
0x2b8: {  	[tilespmem:s2+$0xE508] =	vst.add.f32.msk $0xffff, v0  }
0x2b9: {  	v0 =	vld [tilespmem:s0+$0xE518];
	_ =	sdelay $0x4  }
0x2ba: {  	[tilespmem:s2+$0xE518] =	vst.add.f32.msk $0xffff, v0  }
0x2bb: {  	v0 =	vld [tilespmem:s0+$0xE528]  }
.Ltmp37:
0x2bc: {  	_ = 	snop;
	(pc) =	sbr.rel .LBB3_39-.Ltmp37, $2  }
0x2bd: {  	_ =	sdelay $0x2  }
0x2be: {  	[tilespmem:s2+$0xE528] =	vst.add.f32.msk $0xffff, v0  }
.LBB3_40:
0x2bf: {  	s0 =	simm.s32 $0x6;
	p1 =	seq.s32 s6, $0x0  }
0x2c0: {  	[sflag:s0] =	ssyncpa.u1 $0x1;
	v0 =	vimm.s32 @p1 $0xFFFFFFFF  }
0x2c1: {  	s0 =	sadd.s32 $0xFFFFFFFF, s6;
	[tilespmem:$0x10438] =	vst @p1 v0  }
0x2c2: {  	v0 =	vld.msk @!p1 [tilespmem:s0+$0xE418], $0x1;
	_ =	sdelay $0x1  }
0x2c3: {  	v1 =	vld.msk @!p1 [tilespmem:$0xE418], $0x1;
	_ =	sdelay $0x2  }
0x2c4: {  	p2 =	seq.s32 @!p1 s0, $0x0;
	v0 =	vbroadcast @!p1 v0, $0x0  }
0x2c5: {  	vm0 =	vmmov @!p1 $0x1;
	p2 =	por !p2, p1  }
0x2c6: {  	v1 =	vnsel @!p1 vm0, $0xFFFFFFFF, v1;
	vm0 =	vcmask @!p1 $0x308;
	v0 =	vpsel !p2, $0xFFFFFFFF, v0  }
0x2c7: {  	p2 =	sne.s32 @!p1 s8, s7;
	v0 =	vsel @!p1 vm0, v1, v0  }
0x2c8: {  	s2 =	simm.s32 @!p1 $0xE438;
	s3 =	simm.s32 @!p1 $0x0;
	p3 =	por !p2, p1;
	[tilespmem:$0x10438] =	vst @!p1 v0  }
0x2c9: {  	[spmem:s3] =	stream.linear.scatter @!p1 [tilespmem:s2], [sflag:$0x1], $0x100, $0x38;
	[tilespmem:$0x1E678] =	vst v63  }
0x2ca: {  	s2 =	sshll.u32 @!p3 s0, $0xA  }
0x2cb: {  	s2 =	sshra.s32 @!p3 s2, $0x2  }
0x2cc: {  	s3 =	simm.s32 @!p3 $0x100;
	s2 =	sadd.s32 @!p3 $0xE438, s2  }
0x2cd: {  	[spmem:s3] =	stream.linear.scatter @!p3 [tilespmem:s2], [sflag:$0x1], $0x100, $0x38;
	[tilespmem:$0x1E678] =	vst v63  }
0x2ce: {  	s2 =	simm.s32 @!p3 $0x1  }
0x2cf: {  	_ =	swait.ge @!p3 [sflag:s2], $0x200  }
0x2d0: {  	p1 =	por p2, p1;
	[sflag:s2] =	ssyncset.done @!p3 $0x0  }
0x2d1: {  	[sflag:s2] =	ssyncadd.s32 @!p3 $0xFFFFFE00;
	s2 =	simm.s32 @!p1 $0x1  }
0x2d2: {  	_ =	swait.ge @!p1 [sflag:s2], $0x100  }
0x2d3: {  	s29 =	simm.s32 $0x10438;
	[sflag:s2] =	ssyncset.done @!p1 $0x0  }
0x2d4: {  	s30 =	simm.s32 $0x2000;
	s31 =	simm.s32 $0x1;
	[sflag:s2] =	ssyncadd.s32 @!p1 $0xFFFFFF00  }
0x2d5: {  	[spmem:s30] =	stream.linear.scatter [tilespmem:s29], [sflag:$0x1], $0x10, $0x38;
	[tilespmem:$0x1E678] =	vst v63  }
0x2d6: {  	_ =	swait.ge [sflag:s31], $0x10  }
0x2d7: {  	[sflag:s31] =	ssyncset.done $0x0  }
0x2d8: {  	p1 =	seq.s32 s14, $0x0;
	s9 =	rddreg [dreg:$0x1];
	[sflag:s31] =	ssyncadd.s32 $0xFFFFFFF0  }
0x2d9: {  	s3 =	sshll.u32 @p1 s9, $0xE;
	s8 =	rddreg [dreg:$0x2]  }
0x2da: {  	s2 =	sadd.s32 @p1 $0x15C3C, s3;
	s3 =	sshll.u32 @p1 s8, $0x11  }
0x2db: {  	_ =	sfence.stream.spmem;
	s2 =	sor.u32 @p1 s3, s2  }
0x2dc: {  	[sflag:s2] =	ssyncadd.remote.s32 @p1 $0x1;
	s2 =	simm.s32 @p1 $0x4  }
0x2dd: {  	s4 =	simm.s32 @!p1 $0x3C;
	s3 =	sand.u32 $0xFFFFFFFE, s9;
	_ =	swait.ge @p1 [sflag:s2], $0x42  }
0x2de: {  	s5 =	simm.s32 @!p1 $0x0;
	s3 =	sadd.s32 @!p1 $0x4, s3;
	[sflag:s2] =	ssyncset.done @p1 $0x0  }
0x2df: {  	s7 =	simm.s32 @!p1 $0x200;
	[sflag:s2] =	ssyncadd.s32 @p1 $0xFFFFFFBE;
	s2 =	sshll.u32 @!p1 s3, $0x1A  }
0x2e0: {  	s3 =	sshll.u32 @!p1 s3, $0xD;
	s2 =	sor.u32 @!p1 s2, s8;
	_ =	swait.eq @!p1 [sflag:s4], $0x1  }
0x2e1: {  	s3 =	sor.u32 @!p1 $0x1C04, s3;
	s4 =	simm.s32 @!p1 $0x1C03;
	s2 =	sor.u32 @!p1 $0x80004000, s2  }
0x2e2: {  	[spmem:s7], [sflag:s3] =	dma.general @!p1 [spmem:s5], [sflag:s4], length:$0x40, [dreg:$0x0], stride_count:$0x0, ici_dest:s2, dma_misc:DstOpCode:WRITE  }
0x2e3: {  	p2 =	slt.s32 s0, $0x2;
	s5 =	simm.s32 @!p1 $0x400;
	s7 =	simm.s32 @!p1 $0x402  }
0x2e4: {  	[spmem:s7], [sflag:s3] =	dma.general @!p1 [spmem:s5], [sflag:s4], length:$0x2, [dreg:$0x0], stride_count:$0x0, ici_dest:s2, dma_misc:DstOpCode:WRITE  }
.Ltmp38:
0x2e5: {  	s2 =	simm.s32 @!p1 $0x3;
	(pc) =	sbr.rel @p2 .LBB3_44-.Ltmp38, $4  }
0x2e6: {  	s3 =	sshll.u32 @!p1 s9, $0xE;
	_ =	swait.ge @!p1 [sflag:s2], $0x42  }
0x2e7: {  	s4 =	sshll.u32 @!p1 s8, $0x11;
	s3 =	sadd.s32 @!p1 $0x11C3C, s3;
	[sflag:s2] =	ssyncset.done @!p1 $0x0  }
0x2e8: {  	[sflag:s2] =	ssyncadd.s32 @!p1 $0xFFFFFFBE;
	s2 =	sor.u32 @!p1 s4, s3  }
0x2e9: {  	s0 =	simm.s32 $0x0;
	[sflag:s2] =	ssyncadd.remote.s32 @!p1 $0xFFFFFFFF  }
0x2ea: {  	s0 =	simm.s32 $0xE419  }
0x2eb: {  	v0 =	vld.msk [tilespmem:s0+$0x0], $0x1;
	_ =	sdelay $0x4  }
0x2ec: {  	(v2sf) =	vpush v0, $0x0;
	_ =	sdelay $0xd  }
0x2ed: {  	s31 =	sadd.s32 $0xFFFFFFFE, s6  }
0x2ee: {  	s6 =	simm.s32 $0x0;
	s0 =	sadd.s32 $0xFFFFFFFF, s31;
	s2 =	spop (v2sf)  }
0x2ef: {  	s3 =	simm.s32 $0xE538;
	p1 =	sne.s32 s0, $0x0;
	p2 =	sgt.u32 s2, $0x270F70  }
.Ltmp39:
0x2f0: {  	s4 =	simm.s32 $0xE638;
	s5 =	sand.u32 @!p2 $0x3FFFF8, s2;
	(pc) =	sbr.rel @!p1 .LBB3_43-.Ltmp39, $4  }
0x2f1: {  	s7 =	sadd.s32 @!p2 $0x80, s2;
	s2 =	sand.u32 @!p2 $0x7, s2;
	s6 =	simm.s32 @!p2 $0x400  }
0x2f2: {  	s5 =	sadd.s32 @!p2 s1, s5;
	s7 =	sand.u32 @!p2 $0x7FFFF8, s7;
	s6 =	sadd.s32 $0x0, s6  }
0x2f3: {  	[hbm4b:s5+s2] =	stream.linear.scatter @!p2 [tilespmem:s3], [sflag:$0x5], $0x80, $0x38;
	[tilespmem:$0x1E678] =	vst v63  }
0x2f4: {  	s5 =	simm.s32 $0xE41A;
	s3 =	simm.s32 @!p2 $0xE5B8;
	s7 =	sadd.s32 @!p2 s1, s7  }
.LBB3_42:
0x2f5: {  	[hbm4b:s7+s2] =	stream.linear.scatter @!p2 [tilespmem:s3], [sflag:$0x5], $0x80, $0x38;
	[tilespmem:$0x1E678] =	vst v63  }
0x2f6: {  	s0 =	sadd.s32 $0xFFFFFFFF, s0;
	s3 =	smov.u32 s4;
	v0 =	vld.msk [tilespmem:s5+$0x0], $0x1  }
0x2f7: {  	p1 =	sne.s32 s0, $0x0;
	_ =	sdelay $0x3  }
0x2f8: {  	(v2sf) =	vpush v0, $0x0;
	_ =	sdelay $0xe  }
0x2f9: {  	s4 =	sadd.s32 $0x100, s4;
	s8 =	simm.s32 $0x0;
	s2 =	spop (v2sf)  }
.Ltmp40:
0x2fa: {  	s5 =	sadd.s32 $0x1, s5;
	p2 =	sgt.u32 s2, $0x270F70;
	(pc) =	sbr.rel @p1 .LBB3_42-.Ltmp40, $4  }
0x2fb: {  	s8 =	simm.s32 @!p2 $0x400;
	s7 =	sand.u32 @!p2 $0x3FFFF8, s2;
	s9 =	sadd.s32 @!p2 $0x80, s2  }
0x2fc: {  	s2 =	sand.u32 @!p2 $0x7, s2;
	s7 =	sadd.s32 @!p2 s1, s7;
	s9 =	sand.u32 @!p2 $0x7FFFF8, s9  }
0x2fd: {  	[hbm4b:s7+s2] =	stream.linear.scatter @!p2 [tilespmem:s3], [sflag:$0x5], $0x80, $0x38;
	[tilespmem:$0x1E678] =	vst v63  }
0x2fe: {  	s6 =	sadd.s32 s6, s8;
	s3 =	sadd.s32 @!p2 $0x80, s3;
	s7 =	sadd.s32 @!p2 s1, s9  }
.LBB3_43:
0x2ff: {  	[hbm4b:s7+s2] =	stream.linear.scatter @!p2 [tilespmem:s3], [sflag:$0x5], $0x80, $0x38;
	[tilespmem:$0x1E678] =	vst v63  }
0x300: {  	s0 =	sshrl.u32 s6, $0x2  }
.LBB3_44:
0x301: {  	s2 =	simm.s32 $0x5  }
0x302: {  	_ =	swait.ge [sflag:s2], s0  }
0x303: {  	s31 =	ssub.s32 $0x0, s0;
	[sflag:s2] =	ssyncset.done $0x0  }
0x304: {  	[sflag:s2] =	ssyncadd.s32 s31  }
0x305: {  	[sflag:s2] =	ssyncpa.u1 $0x1  }
.LBB3_45:
0x306: {  	s0 =	sor.u32 s14, s15  }
0x307: {  	p1 =	sne.s32 s0, $0x0  }
.Ltmp41:
0x308: {  	_ = 	snop;
	(pc) =	sbr.rel @p1 .LBB3_60-.Ltmp41, $3  }
0x309: {  	_ =	sdelay $0x1  }
0x30a: {  	[bflag:$0x0] =	sbarrier.arrive $0xFFFF  }
0x30b: {  	_ =	sfence  }
0x30c: {  	s0 =	simm.s32 $0x7  }
0x30d: {  	s2 =	simm.s32 $0x2000;
	s3 =	simm.s32 $0xE418;
	[sflag:s0] =	ssyncpa.u1 $0x0  }
0x30e: {  	[tilespmem:s3], [sflag:$0x7] =	stream.linear.gather [spmem:s2], $0x20, $0x38;
	[tilespmem:$0x1E678] =	vst v63  }
0x30f: {  	s30 =	simm.s32 $0xE438;
	s2 =	simm.s32 $0x0  }
0x310: {  	[tilespmem:s30], [sflag:$0x7] =	stream.linear.gather [spmem:s2], $0x2000, $0x38;
	[tilespmem:$0x1E678] =	vst v63  }
.Ltmp42:
0x311: {  	_ = 	snop;
	(pc) =	sbr.rel .LBB3_47-.Ltmp42, $4  }
0x312: {  	_ =	swait.ge [sflag:s0], $0x2020  }
0x313: {  	[sflag:s0] =	ssyncset.done $0x0  }
0x314: {  	s31 =	simm.s32 $0x8;
	[sflag:s0] =	ssyncadd.s32 $0xFFFFDFE0  }
0x315: {  	s3 =	simm.s32 $0x0;
	[sflag:s31] =	ssyncpa.u1 $0x0  }
.LBB3_53:
0x316: {  	p1 =	slt.u32 s0, $0x270F71  }
0x317: {  	s4 =	sand.u32 @p1 $0x3FFFF8, s0;
	s5 =	sand.u32 @p1 $0x7, s0;
	s0 =	sadd.s32 @p1 $0x80, s0  }
0x318: {  	s6 =	simm.s32 @p1 $0xE308;
	s4 =	sadd.s32 @p1 s1, s4;
	s0 =	sand.u32 @p1 $0x7FFFF8, s0  }
0x319: {  	[tilespmem:s6], [sflag:$0x8] =	stream.linear.gather @p1 [hbm4b:s4+s5], $0x80, $0x38;
	[tilespmem:$0x1E678] =	vst v63  }
0x31a: {  	s0 =	sadd.s32 @p1 s1, s0;
	s4 =	simm.s32 @p1 $0xE388  }
0x31b: {  	[tilespmem:s4], [sflag:$0x8] =	stream.linear.gather @p1 [hbm4b:s0+s5], $0x80, $0x38;
	[tilespmem:$0x1E678] =	vst v63  }
0x31c: {  	s0 =	simm.s32 @p1 $0x8  }
0x31d: {  	_ =	swait.ge @p1 [sflag:s0], $0x100  }
0x31e: {  	[sflag:s0] =	ssyncset.done @p1 $0x0  }
0x31f: {  	[sflag:s0] =	ssyncadd.s32 @p1 $0xFFFFFF00  }
0x320: {  	v1 =	vld @p1 [tilespmem:$0xE308];
	_ =	sdelay $0x2  }
0x321: {  	s0 =	sshll.u32 @p1 s3, $0xA  }
0x322: {  	s4 =	sshrl.u32 @p1 s0, $0x2  }
0x323: {  	[tilespmem:s4+$0xE438] =	vst.add.f32.msk @p1 $0xffff, v1  }
0x324: {  	v1 =	vld @p1 [tilespmem:$0xE318];
	_ =	sdelay $0x4  }
0x325: {  	[tilespmem:s4+$0xE448] =	vst.add.f32.msk @p1 $0xffff, v1  }
0x326: {  	v1 =	vld @p1 [tilespmem:$0xE328];
	_ =	sdelay $0x4  }
0x327: {  	[tilespmem:s4+$0xE458] =	vst.add.f32.msk @p1 $0xffff, v1  }
0x328: {  	v1 =	vld @p1 [tilespmem:$0xE338];
	_ =	sdelay $0x4  }
0x329: {  	[tilespmem:s4+$0xE468] =	vst.add.f32.msk @p1 $0xffff, v1  }
0x32a: {  	v1 =	vld @p1 [tilespmem:$0xE348];
	_ =	sdelay $0x4  }
0x32b: {  	[tilespmem:s4+$0xE478] =	vst.add.f32.msk @p1 $0xffff, v1  }
0x32c: {  	v1 =	vld @p1 [tilespmem:$0xE358];
	_ =	sdelay $0x4  }
0x32d: {  	[tilespmem:s4+$0xE488] =	vst.add.f32.msk @p1 $0xffff, v1  }
0x32e: {  	v1 =	vld @p1 [tilespmem:$0xE368];
	_ =	sdelay $0x4  }
0x32f: {  	[tilespmem:s4+$0xE498] =	vst.add.f32.msk @p1 $0xffff, v1  }
0x330: {  	v1 =	vld @p1 [tilespmem:$0xE378];
	_ =	sdelay $0x4  }
0x331: {  	[tilespmem:s4+$0xE4A8] =	vst.add.f32.msk @p1 $0xffff, v1  }
0x332: {  	v1 =	vld @p1 [tilespmem:$0xE388];
	_ =	sdelay $0x4  }
0x333: {  	[tilespmem:s4+$0xE4B8] =	vst.add.f32.msk @p1 $0xffff, v1  }
0x334: {  	v1 =	vld @p1 [tilespmem:$0xE398];
	_ =	sdelay $0x4  }
0x335: {  	[tilespmem:s4+$0xE4C8] =	vst.add.f32.msk @p1 $0xffff, v1  }
0x336: {  	v1 =	vld @p1 [tilespmem:$0xE3A8];
	_ =	sdelay $0x4  }
0x337: {  	[tilespmem:s4+$0xE4D8] =	vst.add.f32.msk @p1 $0xffff, v1  }
0x338: {  	v1 =	vld @p1 [tilespmem:$0xE3B8];
	_ =	sdelay $0x4  }
0x339: {  	[tilespmem:s4+$0xE4E8] =	vst.add.f32.msk @p1 $0xffff, v1  }
0x33a: {  	v1 =	vld @p1 [tilespmem:$0xE3C8];
	_ =	sdelay $0x4  }
0x33b: {  	[tilespmem:s4+$0xE4F8] =	vst.add.f32.msk @p1 $0xffff, v1  }
0x33c: {  	v1 =	vld @p1 [tilespmem:$0xE3D8];
	_ =	sdelay $0x4  }
0x33d: {  	[tilespmem:s4+$0xE508] =	vst.add.f32.msk @p1 $0xffff, v1  }
0x33e: {  	v1 =	vld @p1 [tilespmem:$0xE3E8];
	_ =	sdelay $0x4  }
0x33f: {  	[tilespmem:s4+$0xE518] =	vst.add.f32.msk @p1 $0xffff, v1  }
0x340: {  	v1 =	vld @p1 [tilespmem:$0xE3F8];
	_ =	sdelay $0x3  }
0x341: {  	s5 =	sshll.u32 @!p1 s3, $0xA  }
0x342: {  	s5 =	smov.u32 @p1 s0;
	[tilespmem:s4+$0xE528] =	vst.add.f32.msk @p1 $0xffff, v1  }
0x343: {  	s0 =	sshrl.u32 s5, $0x2;
	[tilespmem:s2+$0xE418] =	vst.msk $0x1, v0  }
0x344: {  	v0 =	vld [tilespmem:s0+$0xE438];
	_ =	sdelay $0x2  }
0x345: {  	s31 =	sshll.u32 s2, $0xA  }
0x346: {  	s4 =	sshra.s32 s31, $0x2  }
0x347: {  	[tilespmem:s4+$0xE438] =	vst v0  }
0x348: {  	v0 =	vld [tilespmem:s0+$0xE448];
	_ =	sdelay $0x4  }
0x349: {  	[tilespmem:s4+$0xE448] =	vst v0  }
0x34a: {  	v0 =	vld [tilespmem:s0+$0xE458];
	_ =	sdelay $0x4  }
0x34b: {  	[tilespmem:s4+$0xE458] =	vst v0  }
0x34c: {  	v0 =	vld [tilespmem:s0+$0xE468];
	_ =	sdelay $0x4  }
0x34d: {  	[tilespmem:s4+$0xE468] =	vst v0  }
0x34e: {  	v0 =	vld [tilespmem:s0+$0xE478];
	_ =	sdelay $0x4  }
0x34f: {  	[tilespmem:s4+$0xE478] =	vst v0  }
0x350: {  	v0 =	vld [tilespmem:s0+$0xE488];
	_ =	sdelay $0x4  }
0x351: {  	[tilespmem:s4+$0xE488] =	vst v0  }
0x352: {  	v0 =	vld [tilespmem:s0+$0xE498];
	_ =	sdelay $0x4  }
0x353: {  	[tilespmem:s4+$0xE498] =	vst v0  }
0x354: {  	v0 =	vld [tilespmem:s0+$0xE4A8];
	_ =	sdelay $0x4  }
0x355: {  	[tilespmem:s4+$0xE4A8] =	vst v0  }
0x356: {  	v0 =	vld [tilespmem:s0+$0xE4B8];
	_ =	sdelay $0x4  }
0x357: {  	[tilespmem:s4+$0xE4B8] =	vst v0  }
0x358: {  	v0 =	vld [tilespmem:s0+$0xE4C8];
	_ =	sdelay $0x4  }
0x359: {  	[tilespmem:s4+$0xE4C8] =	vst v0  }
0x35a: {  	v0 =	vld [tilespmem:s0+$0xE4D8];
	_ =	sdelay $0x4  }
0x35b: {  	[tilespmem:s4+$0xE4D8] =	vst v0  }
0x35c: {  	v0 =	vld [tilespmem:s0+$0xE4E8];
	_ =	sdelay $0x4  }
0x35d: {  	[tilespmem:s4+$0xE4E8] =	vst v0  }
0x35e: {  	v0 =	vld [tilespmem:s0+$0xE4F8];
	_ =	sdelay $0x4  }
0x35f: {  	[tilespmem:s4+$0xE4F8] =	vst v0  }
0x360: {  	v0 =	vld [tilespmem:s0+$0xE508];
	_ =	sdelay $0x4  }
0x361: {  	[tilespmem:s4+$0xE508] =	vst v0  }
0x362: {  	v0 =	vld [tilespmem:s0+$0xE518];
	_ =	sdelay $0x4  }
0x363: {  	[tilespmem:s4+$0xE518] =	vst v0  }
0x364: {  	v0 =	vld [tilespmem:s0+$0xE528];
	_ =	sdelay $0x4  }
0x365: {  	s2 =	sadd.s32 $0x1, s2;
	[tilespmem:s4+$0xE528] =	vst v0  }
.LBB3_54:
0x366: {  	s3 =	sadd.s32 $0x1, s3  }
0x367: {  	p1 =	sne.s32 s3, $0x20  }
.Ltmp43:
0x368: {  	_ = 	snop;
	(pc) =	sbr.rel @!p1 .LBB3_55-.Ltmp43, $1  }
0x369: {  	_ =	sdelay $0x3  }
.LBB3_47:
0x36a: {  	v0 =	vld.msk [tilespmem:s3+$0xE418], $0x1;
	_ =	sdelay $0x4  }
0x36b: {  	(v2sf) =	vpush v0, $0x0;
	_ =	sdelay $0xe  }
0x36c: {  	s0 =	spop (v2sf)  }
0x36d: {  	p1 =	seq.s32 s0, $0xFFFFFFFF  }
.Ltmp44:
0x36e: {  	_ = 	snop;
	(pc) =	sbr.rel @p1 .LBB3_54-.Ltmp44, $1  }
0x36f: {  	_ =	sdelay $0x3  }
0x370: {  	p1 =	slt.s32 s2, $0x1  }
.Ltmp45:
0x371: {  	_ = 	snop;
	(pc) =	sbr.rel @p1 .LBB3_53-.Ltmp45, $1  }
0x372: {  	_ =	sdelay $0x3  }
0x373: {  	s4 =	simm.s32 $0xE418;
	p1 =	por $0x0, $0x0  }
0x374: {  	v1 =	vld.msk @!p1 [tilespmem:s4+$0x0], $0x1;
	_ =	sdelay $0x4  }
0x375: {  	(v2sf) =	vpush @!p1 v1, $0x0;
	_ =	sdelay $0xd  }
0x376: {  	p3 =	sne.s32 s2, $0x1  }
.Ltmp46:
0x377: {  	s5 =	spop @!p1 (v2sf);
	(pc) =	sbr.rel @!p3 .LBB3_51-.Ltmp46, $4  }
0x378: {  	p2 =	seq.s32 @!p1 s0, s5  }
0x379: {  	s5 =	simm.s32 $0x0;
	p2 =	por !p2, p1  }
0x37a: {  	s7 =	simm.s32 $0xFFFFFFFF;
	s5 =	simm.s32 @p2 $0xFFFFFFFF  }
0x37b: {  	s6 =	simm.s32 $0x1;
	s5 =	smov.u32 @p1 s7  }
.LBB3_50:
0x37c: {  	s7 =	smov.u32 s5;
	p1 =	sne.s32 s5, $0xFFFFFFFF  }
0x37d: {  	s4 =	sadd.s32 $0x1, s4;
	s5 =	smov.u32 s6;
	s6 =	sadd.s32 $0x1, s6  }
0x37e: {  	p2 =	sne.s32 s2, s6;
	v1 =	vld.msk @!p1 [tilespmem:s4+$0x0], $0x1;
	_ =	sdelay $0x4  }
0x37f: {  	(v2sf) =	vpush @!p1 v1, $0x0;
	_ =	sdelay $0xe  }
.Ltmp47:
0x380: {  	s8 =	spop @!p1 (v2sf);
	(pc) =	sbr.rel @p2 .LBB3_50-.Ltmp47, $4  }
0x381: {  	p3 =	seq.s32 @!p1 s0, s8  }
0x382: {  	p3 =	por !p3, p1  }
0x383: {  	s5 =	simm.s32 @p3 $0xFFFFFFFF  }
0x384: {  	s5 =	smov.u32 @p1 s7  }
.LBB3_51:
0x385: {  	p1 =	seq.s32 s5, $0xFFFFFFFF  }
.Ltmp48:
0x386: {  	_ = 	snop;
	(pc) =	sbr.rel @p1 .LBB3_53-.Ltmp48, $1  }
0x387: {  	_ =	sdelay $0x3  }
0x388: {  	s0 =	sshll.u32 s3, $0x8  }
0x389: {  	s0 =	sand.u32 $0x3FFFFF00, s0  }
0x38a: {  	v0 =	vld [tilespmem:s0+$0xE438];
	_ =	sdelay $0x2  }
0x38b: {  	s4 =	sshll.u32 s5, $0xA  }
0x38c: {  	s4 =	sshra.s32 s4, $0x2  }
0x38d: {  	[tilespmem:s4+$0xE438] =	vst.add.f32.msk $0xffff, v0  }
0x38e: {  	v0 =	vld [tilespmem:s0+$0xE448];
	_ =	sdelay $0x4  }
0x38f: {  	[tilespmem:s4+$0xE448] =	vst.add.f32.msk $0xffff, v0  }
0x390: {  	v0 =	vld [tilespmem:s0+$0xE458];
	_ =	sdelay $0x4  }
0x391: {  	[tilespmem:s4+$0xE458] =	vst.add.f32.msk $0xffff, v0  }
0x392: {  	v0 =	vld [tilespmem:s0+$0xE468];
	_ =	sdelay $0x4  }
0x393: {  	[tilespmem:s4+$0xE468] =	vst.add.f32.msk $0xffff, v0  }
0x394: {  	v0 =	vld [tilespmem:s0+$0xE478];
	_ =	sdelay $0x4  }
0x395: {  	[tilespmem:s4+$0xE478] =	vst.add.f32.msk $0xffff, v0  }
0x396: {  	v0 =	vld [tilespmem:s0+$0xE488];
	_ =	sdelay $0x4  }
0x397: {  	[tilespmem:s4+$0xE488] =	vst.add.f32.msk $0xffff, v0  }
0x398: {  	v0 =	vld [tilespmem:s0+$0xE498];
	_ =	sdelay $0x4  }
0x399: {  	[tilespmem:s4+$0xE498] =	vst.add.f32.msk $0xffff, v0  }
0x39a: {  	v0 =	vld [tilespmem:s0+$0xE4A8];
	_ =	sdelay $0x4  }
0x39b: {  	[tilespmem:s4+$0xE4A8] =	vst.add.f32.msk $0xffff, v0  }
0x39c: {  	v0 =	vld [tilespmem:s0+$0xE4B8];
	_ =	sdelay $0x4  }
0x39d: {  	[tilespmem:s4+$0xE4B8] =	vst.add.f32.msk $0xffff, v0  }
0x39e: {  	v0 =	vld [tilespmem:s0+$0xE4C8];
	_ =	sdelay $0x4  }
0x39f: {  	[tilespmem:s4+$0xE4C8] =	vst.add.f32.msk $0xffff, v0  }
0x3a0: {  	v0 =	vld [tilespmem:s0+$0xE4D8];
	_ =	sdelay $0x4  }
0x3a1: {  	[tilespmem:s4+$0xE4D8] =	vst.add.f32.msk $0xffff, v0  }
0x3a2: {  	v0 =	vld [tilespmem:s0+$0xE4E8];
	_ =	sdelay $0x4  }
0x3a3: {  	[tilespmem:s4+$0xE4E8] =	vst.add.f32.msk $0xffff, v0  }
0x3a4: {  	v0 =	vld [tilespmem:s0+$0xE4F8];
	_ =	sdelay $0x4  }
0x3a5: {  	[tilespmem:s4+$0xE4F8] =	vst.add.f32.msk $0xffff, v0  }
0x3a6: {  	v0 =	vld [tilespmem:s0+$0xE508];
	_ =	sdelay $0x4  }
0x3a7: {  	[tilespmem:s4+$0xE508] =	vst.add.f32.msk $0xffff, v0  }
0x3a8: {  	v0 =	vld [tilespmem:s0+$0xE518];
	_ =	sdelay $0x4  }
0x3a9: {  	[tilespmem:s4+$0xE518] =	vst.add.f32.msk $0xffff, v0  }
0x3aa: {  	v0 =	vld [tilespmem:s0+$0xE528]  }
.Ltmp49:
0x3ab: {  	_ = 	snop;
	(pc) =	sbr.rel .LBB3_54-.Ltmp49, $2  }
0x3ac: {  	_ =	sdelay $0x2  }
0x3ad: {  	[tilespmem:s4+$0xE528] =	vst.add.f32.msk $0xffff, v0  }
.LBB3_55:
0x3ae: {  	p1 =	slt.s32 s2, $0x1  }
.Ltmp50:
0x3af: {  	_ = 	snop;
	(pc) =	sbr.rel @p1 .LBB3_59-.Ltmp50, $3  }
0x3b0: {  	_ =	sdelay $0x1  }
0x3b1: {  	s0 =	simm.s32 $0x8  }
0x3b2: {  	s4 =	simm.s32 $0x0;
	[sflag:s0] =	ssyncpa.u1 $0x1  }
0x3b3: {  	s0 =	simm.s32 $0xE418  }
0x3b4: {  	v0 =	vld.msk [tilespmem:s0+$0x0], $0x1;
	_ =	sdelay $0x4  }
0x3b5: {  	(v2sf) =	vpush v0, $0x0;
	_ =	sdelay $0xe  }
0x3b6: {  	s0 =	sadd.s32 $0xFFFFFFFF, s2;
	s3 =	spop (v2sf)  }
0x3b7: {  	s6 =	simm.s32 $0xE438;
	p1 =	sne.s32 s0, $0x0;
	p2 =	sgt.u32 s3, $0x270F70  }
.Ltmp51:
0x3b8: {  	s2 =	simm.s32 $0xE538;
	s5 =	sand.u32 @!p2 $0x3FFFF8, s3;
	(pc) =	sbr.rel @!p1 .LBB3_58-.Ltmp51, $4  }
0x3b9: {  	s7 =	sadd.s32 @!p2 $0x80, s3;
	s4 =	simm.s32 @!p2 $0x400;
	s8 =	sadd.s32 @!p2 s1, s5  }
0x3ba: {  	s5 =	sand.u32 @!p2 $0x7, s3;
	s3 =	simm.s32 $0xE419;
	s7 =	sand.u32 @!p2 $0x7FFFF8, s7  }
0x3bb: {  	[hbm4b:s8+s5] =	stream.linear.scatter @!p2 [tilespmem:s6], [sflag:$0x7], $0x80, $0x38;
	[tilespmem:$0x1E678] =	vst v63  }
0x3bc: {  	s4 =	sadd.s32 $0x0, s4;
	s6 =	simm.s32 @!p2 $0xE4B8;
	s7 =	sadd.s32 @!p2 s1, s7  }
.LBB3_57:
0x3bd: {  	[hbm4b:s7+s5] =	stream.linear.scatter @!p2 [tilespmem:s6], [sflag:$0x7], $0x80, $0x38;
	[tilespmem:$0x1E678] =	vst v63  }
0x3be: {  	s0 =	sadd.s32 $0xFFFFFFFF, s0;
	s6 =	smov.u32 s2;
	v0 =	vld.msk [tilespmem:s3+$0x0], $0x1  }
0x3bf: {  	p1 =	sne.s32 s0, $0x0;
	_ =	sdelay $0x3  }
0x3c0: {  	(v2sf) =	vpush v0, $0x0;
	_ =	sdelay $0xe  }
0x3c1: {  	s2 =	sadd.s32 $0x100, s2;
	s8 =	simm.s32 $0x0;
	s5 =	spop (v2sf)  }
.Ltmp52:
0x3c2: {  	s3 =	sadd.s32 $0x1, s3;
	p2 =	sgt.u32 s5, $0x270F70;
	(pc) =	sbr.rel @p1 .LBB3_57-.Ltmp52, $4  }
0x3c3: {  	s8 =	simm.s32 @!p2 $0x400;
	s7 =	sand.u32 @!p2 $0x3FFFF8, s5;
	s9 =	sadd.s32 @!p2 $0x80, s5  }
0x3c4: {  	s5 =	sand.u32 @!p2 $0x7, s5;
	s7 =	sadd.s32 @!p2 s1, s7;
	s9 =	sand.u32 @!p2 $0x7FFFF8, s9  }
0x3c5: {  	[hbm4b:s7+s5] =	stream.linear.scatter @!p2 [tilespmem:s6], [sflag:$0x7], $0x80, $0x38;
	[tilespmem:$0x1E678] =	vst v63  }
0x3c6: {  	s4 =	sadd.s32 s4, s8;
	s6 =	sadd.s32 @!p2 $0x80, s6;
	s7 =	sadd.s32 @!p2 s1, s9  }
.LBB3_58:
0x3c7: {  	[hbm4b:s7+s5] =	stream.linear.scatter @!p2 [tilespmem:s6], [sflag:$0x7], $0x80, $0x38;
	[tilespmem:$0x1E678] =	vst v63  }
0x3c8: {  	s4 =	sshrl.u32 s4, $0x2  }
.LBB3_59:
0x3c9: {  	s0 =	simm.s32 $0x7  }
0x3ca: {  	_ =	swait.ge [sflag:s0], s4  }
0x3cb: {  	s1 =	ssub.s32 $0x0, s4;
	[sflag:s0] =	ssyncset.done $0x0  }
0x3cc: {  	[sflag:s0] =	ssyncadd.s32 s1  }
0x3cd: {  	[sflag:s0] =	ssyncpa.u1 $0x1  }
.LBB3_60:
0x3ce: {  	_ =	sfence;
	s0 =	simm.s32 $0x1  }
0x3cf: {  	[sflag:s0] =	ssyncpa.u1 $0x1  }
0x3d0: {  	_ =	strace $0x9000004D  }
0x3d1: {  	[bflag:$0x2] =	sbarrier.arrive $0xFFFF  }
0x3d2: {  	s0 =	rddreg [dreg:$0x3]  }
0x3d3: {  	s0 =	sadd.s32 @!p0 $0x100000, s0  }
0x3d4: {  	[sflag:s0] =	ssyncadd.tile.s32 @!p0 $0x1;
	_ =	shalt  }
.Lfunc_end3:
_tile_overlayer_lowered:
.L_overlay_start_3:
0x3d5: {  	(tag) =	ssettag $0x3  }
0x3d6: {  	s0 =	rddreg [dreg:$0x0];
	s2 =	stileid.u32  }
0x3d7: {  	s1 =	rddreg [dreg:$0x1];
	p0 =	sne.s32 s2, $0x0  }
0x3d8: {  	s3 =	rddreg [dreg:$0x2];
	[bflag:$0x3] =	sbarrier.arrive $0xFFFF;
	s2 =	simm.s32 @!p0 $0x1C01  }
0x3d9: {  	[timem:s3], [sflag:s2] =	dma.local @!p0 [hbm:s0], s1  }
0x3da: {  	s0 =	simm.s32 @!p0 $0x1  }
0x3db: {  	_ =	swait.ge @!p0 [sflag:s0], s1  }
0x3dc: {  	s1 =	ssub.s32 @!p0 $0x0, s1;
	[sflag:s0] =	ssyncset.done @!p0 $0x0  }
0x3dd: {  	[sflag:s0] =	ssyncadd.s32 @!p0 s1  }
0x3de: {  	[bflag:$0x3] =	sbarrier.arrive $0xFFFF  }
0x3df: {  	_ =	shalt  }

// kernel: scatter_offload_async_start.2
scs
__scs_entry_jumppad:
0x0: {  	(pc) =	sbr.rel $0x88, $3  }
0x1: {  	(tag) =	ssettag $0x0;
	lr =	simm.s32 $0x1  }
0x2: {  	[smem:$0x3F96] =	sst lr;
	_ =	strace $0xD0000000  }
0x3: {  	_ = 	snop  }
0x4: {  	_ = 	snop  }
0x5: {  	_ = 	snop  }
0x6: {  	_ = 	snop  }
0x7: {  	_ = 	snop  }
__scs_overlays_trampoline_lowered:
0x8: {  	[smem:$0x3FA5] =	sst s0  }
0x9: {  	[smem:$0x3FA6] =	sst s1  }
0xa: {  	[smem:$0x3FA7] =	sst s2  }
0xb: {  	[smem:$0x3FA8] =	sst s3  }
0xc: {  	[smem:$0x3FA9] =	sst s4  }
0xd: {  	[smem:$0x3FAA] =	sst s5  }
0xe: {  	[smem:$0x3FAB] =	sst s6  }
0xf: {  	[smem:$0x3FAC] =	sst s7  }
0x10: {  	[smem:$0x3FAD] =	sst s8  }
0x11: {  	[smem:$0x3FAE] =	sst s9;
	s0 =	simm.s32 @!p0 $0x0  }
0x12: {  	s1 =	sld [smem:$0x3F94];
	s0 =	simm.s32 @p0 $0x1  }
0x13: {  	[smem:$0x3FAF] =	sst s0;
	s0 =	simm.s32 @!p1 $0x0  }
0x14: {  	s2 =	sld [smem:$0x3F93];
	s0 =	simm.s32 @p1 $0x1  }
0x15: {  	[smem:$0x3FB0] =	sst s0;
	s0 =	simm.s32 @!p2 $0x0  }
0x16: {  	s3 =	sld [smem:$0x3FDB];
	s0 =	simm.s32 @p2 $0x1  }
0x17: {  	s4 =	simm.s32 $0x1BF5;
	[smem:$0x3FB2] =	sst s0  }
0x18: {  	s0 =	sld [smem:$0x3F95];
	_ =	swait.ge [sflag:s4], $0x0  }
0x19: {  	s7 =	sld [smem:$0x3F96]  }
0x1a: {  	s8 =	sadd.s32 $0xFFFFE003, lr  }
0x1b: {  	s9 =	sadd.s32 $0xFFFFFEF7, lr;
	s5 =	simm.s32 $0xFFFFFFFF;
	p2 =	slt.u32 s8, $0xFFFFF086  }
0x1c: {  	p1 =	slt.u32 s9, $0xF7A;
	s5 =	simm.s32 @!p2 $0x0  }
0x1d: {  	s5 =	simm.s32 @p1 $0x1;
	p0 =	seq.s32 s7, s2  }
0x1e: {  	s7 =	smul.u32 @!p0 $0xF7A, s2;
	p2 =	seq.s32 @!p0 s5, $0x0  }
0x1f: {  	s9 =	smul.u32 $0xF7A, s1;
	s8 =	simm.s32 @!p0 $0x1BF5;
	p2 =	por !p2, p0  }
0x20: {  	[sflag:s8] =	ssyncset.s32 @!p0 $0xFFFFF086;
	s6 =	sadd.s32 @!p0 s3, s7;
	s7 =	simm.s32 @!p0 $0x108  }
0x21: {  	s3 =	sadd.s32 s3, s9;
	s6 =	sadd.s32 @!p0 $0x88, s6;
	s7 =	simm.s32 @p2 $0x1082  }
0x22: {  	[simem:s7], [sflag:s8] =	dma.local @!p0 [hbm:s6], $0xF7A  }
0x23: {  	s9 =	sor.u32 $0xD0000000, s2;
	s6 =	simm.s32 $0x108;
	_ =	swait.ge @!p0 [sflag:s8], $0x0  }
0x24: {  	s3 =	sadd.s32 $0x88, s3;
	s6 =	simm.s32 @!p1 $0x1082;
	[sflag:s4] =	ssyncset.s32 $0xFFFFF086  }
0x25: {  	[simem:s6], [sflag:s4] =	dma.local [hbm:s3], $0xF7A  }
0x26: {  	[smem:$0x3F96] =	sst s1;
	(tag) =	ssettag s2;
	_ =	strace s9  }
0x27: {  	s1 =	sld [smem:$0x3FA6]  }
0x28: {  	s2 =	sld [smem:$0x3FA7]  }
0x29: {  	s4 =	sld [smem:$0x3FA9]  }
0x2a: {  	p0 =	seq.s32 s5, $0x0;
	s5 =	sld [smem:$0x3FAA]  }
0x2b: {  	s6 =	sld [smem:$0x3FAB]  }
0x2c: {  	s7 =	sld [smem:$0x3FAC]  }
0x2d: {  	s3 =	simm.s32 $0x108;
	s8 =	sld [smem:$0x3FAD]  }
0x2e: {  	s3 =	simm.s32 @!p0 $0x1082;
	s9 =	sld [smem:$0x3FAE]  }
0x2f: {  	lr =	sadd.s32 s0, s3;
	s0 =	sld [smem:$0x3FA5]  }
0x30: {  	s3 =	sld [smem:$0x3FA8]  }
0x31: {  	[smem:$0x3FB1] =	sst s10  }
0x32: {  	s10 =	sld [smem:$0x3FAF];
	_ =	sdelay $0x3  }
0x33: {  	p0 =	seq.s32 s10, $0x1;
	s10 =	sld [smem:$0x3FB1];
	_ =	sdelay $0x3  }
0x34: {  	[smem:$0x3FB1] =	sst s10  }
0x35: {  	s10 =	sld [smem:$0x3FB0];
	_ =	sdelay $0x3  }
0x36: {  	p1 =	seq.s32 s10, $0x1;
	s10 =	sld [smem:$0x3FB1];
	_ =	sdelay $0x3  }
0x37: {  	[smem:$0x3FB1] =	sst s10  }
0x38: {  	s10 =	sld [smem:$0x3FB2]  }
0x39: {  	_ = 	snop;
	(pc) =	sbr.ind lr, $3  }
0x3a: {  	_ = 	snop  }
0x3b: {  	_ = 	snop  }
0x3c: {  	p2 =	seq.s32 s10, $0x1;
	s10 =	sld [smem:$0x3FB1]  }
0x3d: {  	_ =	shalt  }
0x3e: {  	_ =	shalt  }
0x3f: {  	_ =	shalt  }
0x40: {  	_ =	shalt  }
0x41: {  	_ =	shalt  }
0x42: {  	_ =	shalt  }
0x43: {  	_ =	shalt  }
0x44: {  	_ =	shalt  }
0x45: {  	_ =	shalt  }
0x46: {  	_ =	shalt  }
0x47: {  	_ =	shalt  }
0x48: {  	_ =	shalt  }
0x49: {  	_ =	shalt  }
0x4a: {  	_ =	shalt  }
0x4b: {  	_ =	shalt  }
0x4c: {  	_ =	shalt  }
0x4d: {  	_ =	shalt  }
0x4e: {  	_ =	shalt  }
0x4f: {  	_ =	shalt  }
0x50: {  	_ =	shalt  }
0x51: {  	_ =	shalt  }
0x52: {  	_ =	shalt  }
0x53: {  	_ =	shalt  }
0x54: {  	_ =	shalt  }
0x55: {  	_ =	shalt  }
0x56: {  	_ =	shalt  }
0x57: {  	_ =	shalt  }
0x58: {  	_ =	shalt  }
0x59: {  	_ =	shalt  }
0x5a: {  	_ =	shalt  }
0x5b: {  	_ =	shalt  }
0x5c: {  	_ =	shalt  }
0x5d: {  	_ =	shalt  }
0x5e: {  	_ =	shalt  }
0x5f: {  	_ =	shalt  }
0x60: {  	_ =	shalt  }
0x61: {  	_ =	shalt  }
0x62: {  	_ =	shalt  }
0x63: {  	_ =	shalt  }
0x64: {  	_ =	shalt  }
0x65: {  	_ =	shalt  }
0x66: {  	_ =	shalt  }
0x67: {  	_ =	shalt  }
0x68: {  	_ =	shalt  }
0x69: {  	_ =	shalt  }
0x6a: {  	_ =	shalt  }
0x6b: {  	_ =	shalt  }
0x6c: {  	_ =	shalt  }
0x6d: {  	_ =	shalt  }
0x6e: {  	_ =	shalt  }
0x6f: {  	_ =	shalt  }
0x70: {  	_ =	shalt  }
0x71: {  	_ =	shalt  }
0x72: {  	_ =	shalt  }
0x73: {  	_ =	shalt  }
0x74: {  	_ =	shalt  }
0x75: {  	_ =	shalt  }
0x76: {  	_ =	shalt  }
0x77: {  	_ =	shalt  }
0x78: {  	_ =	shalt  }
0x79: {  	_ =	shalt  }
0x7a: {  	_ =	shalt  }
0x7b: {  	_ =	shalt  }
0x7c: {  	_ =	shalt  }
0x7d: {  	_ =	shalt  }
0x7e: {  	_ =	shalt  }
0x7f: {  	_ =	shalt  }
0x80: {  	_ =	shalt  }
0x81: {  	_ =	shalt  }
0x82: {  	_ =	shalt  }
0x83: {  	_ =	shalt  }
0x84: {  	_ =	shalt  }
0x85: {  	_ =	shalt  }
0x86: {  	_ =	shalt  }
0x87: {  	_ =	shalt  }
.Lfunc_end0:
.L_simem_size_0:
called_computation.2_lowered:
.L_overlay_start_0:
0x88: {  	s2 =	sld [smem:$0x3FD9]  }
0x89: {  	s3 =	sld [smem:$0x3FFE];
	_ =	sdelay $0x1  }
0x8a: {  	s1 =	srdreg.scid  }
0x8b: {  	s0 =	sand.u32 $0x1, s1  }
0x8c: {  	s15 =	sshll.u32 s0, $0xA;
	s2 =	sadd.s32 s3, s2  }
0x8d: {  	s2 =	sadd.s32 s2, s15  }
0x8e: {  	[smem:$0x3FBD] =	sst s2  }
0x8f: {  	_ = 	snop  }
0x90: {  	(tm) =	ssettm $0x1  }
0x91: {  	s16 =	sld [smem:$0x3FFB];
	_ =	sdelay $0x3  }
0x92: {  	_ =	strace s16  }
0x93: {  	s2 =	sld [smem:$0x3FFC];
	_ =	sdelay $0x3  }
0x94: {  	_ =	strace s2  }
0x95: {  	s2 =	sld [smem:$0x3FFD];
	_ =	sdelay $0x3  }
0x96: {  	_ =	strace s2  }
0x97: {  	_ =	strace $0x8FFFFFFF  }
0x98: {  	s17 =	sld [smem:$0x3FDB];
	_ =	sdelay $0x1  }
0x99: {  	s18 =	simm.s32 $_scs_section_size  }
0x9a: {  	s4 =	simm.s32 $_size__tile_overlayer_lowered;
	s5 =	simm.s32 $_tile_overlayer_lowered  }
0x9b: {  	s21 =	simm.s32 $0x1BFF;
	s20 =	sshll.u32 s5, $0x1;
	s2 =	sadd.s32 s18, s17  }
0x9c: {  	s6 =	simm.s32 $0x0;
	s19 =	sshll.u32 s4, $0x1;
	s4 =	sadd.s32 s20, s2  }
0x9d: {  	[timem:s6], [sflag:s21] =	dma.local [hbm:s4], s19  }
0x9e: {  	_ =	swait.ge [sflag:s21], s19  }
0x9f: {  	s3 =	ssub.s32 $0x0, s19;
	[sflag:s21] =	ssyncset.done $0x0  }
0xa0: {  	[sflag:s21] =	ssyncadd.s32 s3;
	_ =	sdelay $0x1  }
0xa1: {  	s22 =	simm.s32 $0x1B8B  }
0xa2: {  	_ =	swait.ge [sflag:s22], $0x1  }
0xa3: {  	[sflag:s22] =	ssyncset.done $0x0  }
0xa4: {  	s23 =	sld [smem:$0x3FFE];
	[sflag:s22] =	ssyncadd.s32 $0xFFFFFFFF  }
0xa5: {  	s25 =	simm.s32 $0x1B8E;
	s24 =	sld [smem:$0x0]  }
0xa6: {  	s26 =	simm.s32 $execute0_lowered;
	[smem:$0x3FD2] =	sst s25  }
0xa7: {  	s5 =	sshll.u32 s26, $0x1;
	_ =	strace $0x8000004F;
	[dreg:$0x1] =	wrdreg $0xFFFFFFFF  }
0xa8: {  	s28 =	simm.s32 $_size_execute0_lowered;
	s2 =	sadd.s32 s2, s5;
	[dreg:$0x0] =	wrdreg $0x0  }
0xa9: {  	s5 =	sshll.u32 s28, $0x1;
	[dreg:$0x2] =	wrdreg s2  }
0xaa: {  	[dreg:$0x3] =	wrdreg s5  }
0xab: {  	[dreg:$0x4] =	wrdreg $0xC0  }
0xac: {  	_ =	task [dreg:s6], $0x5FFFF  }
0xad: {  	[dreg:$0x1] =	wrdreg $0xFFFFFFFF  }
0xae: {  	[dreg:$0x0] =	wrdreg $0x60  }
0xaf: {  	[dreg:$0x2] =	wrdreg s23  }
0xb0: {  	[dreg:$0x3] =	wrdreg s1  }
0xb1: {  	[dreg:$0x4] =	wrdreg s24  }
0xb2: {  	[dreg:$0x5] =	wrdreg $0x9  }
0xb3: {  	_ =	task.clear_ibuf [dreg:s6], $0x6FFFF;
	_ =	strace $0x9000004F  }
0xb4: {  	s29 =	simm.s32 $0x9;
	_ =	strace $0x80000051  }
0xb5: {  	_ =	swait.ge [sflag:s29], $0x1  }
0xb6: {  	[sflag:s29] =	ssyncadd.s32 $0xFFFFFFFF  }
0xb7: {  	_ =	strace $0x90000051  }
0xb8: {  	_ =	sfence  }
0xb9: {  	s30 =	sld [smem:$0x0];
	_ =	sdelay $0x2  }
0xba: {  	s31 =	sshll.u32 s1, $0xD;
	s1 =	sshrl.u32 s1, $0x2  }
0xbb: {  	s3 =	sand.u32 $0x4000, s31;
	s1 =	sadd.s32 s1, s30  }
0xbc: {  	s0 =	sor.u32 s3, s0;
	s1 =	sshll.u32 s1, $0x11  }
0xbd: {  	s0 =	sor.u32 s1, s0  }
0xbe: {  	s0 =	sadd.s32 $0x8F2B, s0  }
0xbf: {  	[sflag:s0] =	ssyncadd.remote.s32 $0x1  }
0xc0: {  	_ =	sfence.sel $0xFFFF  }
0xc1: {  	[dreg:$0x0] =	wrdreg $0xFFFFFFFF;
	(pc) =	sbr.abs _section_cstart, $3  }
0xc2: {  	[dreg:$0x1] =	wrdreg $0xFFFFFFFF  }
0xc3: {  	_ =	task.clear_ibuf [dreg:s6], $0x2FFFF;
	_ =	strace $0x9FFFFFFF  }
0xc4: {  	(tm) =	ssettm $0x7FFFFFFF  }
0xc5: {  	_ =	shalt  }
tec
execute0_lowered:
.L_overlay_start_1:
0x0: {  	(tag) =	ssettag $0x1  }
0x1: {  	s2 =	rddreg [dreg:$0x0]  }
0x2: {  	s3 =	rddreg [dreg:$0x1];
	_ =	strace $0x80000050;
	s0 =	simm.s32 $0x1  }
0x3: {  	s5 =	simm.s32 $0x208;
	v0 =	vimm.s32 $0x0;
	[sflag:s0] =	ssyncpa.u1 $0x0  }
0x4: {  	[tilespmem:s5+$0x70] =	vst v0  }
0x5: {  	[tilespmem:s5+$0x60] =	vst v0  }
0x6: {  	[tilespmem:s5+$0x50] =	vst v0  }
0x7: {  	[tilespmem:s5+$0x40] =	vst v0  }
0x8: {  	[tilespmem:s5+$0x30] =	vst v0  }
0x9: {  	s1 =	sadd.s32 $0x4F8E00, s2;
	s0 =	sadd.s32 $0x5600, s2;
	s6 =	sadd.s32 $0xF600, s2;
	[tilespmem:s5+$0x20] =	vst v0  }
0xa: {  	s4 =	sadd.s32 $0xA600, s2;
	s10 =	sand.u32 $0x1, s3;
	s2 =	simm.s32 $0x40;
	[tilespmem:s5+$0x10] =	vst v0  }
.LBB2_1:
0xb: {  	s2 =	sadd.s32 $0x40, s2;
	[tilespmem:s5+$0x0] =	vst v0;
	s5 =	sadd.s32 $0x80, s5  }
0xc: {  	p0 =	slt.u32 s2, $0x3880;
	[tilespmem:s5+$0x70] =	vst v0  }
0xd: {  	[tilespmem:s5+$0x60] =	vst v0  }
.Ltmp0:
0xe: {  	[tilespmem:s5+$0x50] =	vst v0;
	(pc) =	sbr.rel @p0 .LBB2_1-.Ltmp0, $4  }
0xf: {  	[tilespmem:s5+$0x40] =	vst v0  }
0x10: {  	[tilespmem:s5+$0x30] =	vst v0  }
0x11: {  	[tilespmem:s5+$0x20] =	vst v0  }
0x12: {  	[tilespmem:s5+$0x10] =	vst v0  }
0x13: {  	s11 =	stileid.u32  }
0x14: {  	s2 =	smul.u32 $0x2C, s11  }
0x15: {  	s3 =	smin.u32 s11, $0xB  }
0x16: {  	s2 =	sadd.s32 s3, s2  }
0x17: {  	p0 =	slt.u32 s11, $0xB;
	s20 =	smul.u32 $0x70, s2;
	s2 =	simm.s32 $0x13B0  }
0x18: {  	s2 =	simm.s32 @!p0 $0x1340  }
0x19: {  	s2 =	sadd.s32 s2, s20  }
0x1a: {  	s8 =	smin.u32 s2, $0x13880  }
0x1b: {  	s26 =	simm.s32 $0x2;
	s2 =	ssub.s32 s8, s20  }
0x1c: {  	s9 =	simm.s32 $0x9;
	s29 =	simm.s32 $0xA;
	p0 =	sgt.s32 s2, $0x0  }
0x1d: {  	s30 =	simm.s32 $0xB;
	s31 =	smul.u32 $0x2710, s10;
	s2 =	simm.s32 @!p0 $0x0  }
0x1e: {  	[dreg:$0x4] =	wrdreg s10;
	s12 =	simm.s32 $0x1;
	s25 =	smulhi.u32 $0x92492493, s2  }
0x1f: {  	s24 =	simm.s32 $0x0;
	p1 =	por $0x0, $0x0;
	s18 =	simm.s32 $0x80  }
0x20: {  	s19 =	simm.s32 $0x400;
	s17 =	simm.s32 $0xC;
	s3 =	sshrl.u32 s25, $0x6  }
0x21: {  	s21 =	simm.s32 $0x0;
	s23 =	simm.s32 $0x0;
	s28 =	smul.u32 $0x70, s3  }
.Ltmp1:
0x22: {  	[tilespmem:s5+$0x0] =	vst v0;
	v0 =	vimm.s32 $0xFFFFFFFF;
	[sflag:s26] =	ssyncpa.u1 $0x0;
	s16 =	sshll.u32 s11, $0x9;
	(pc) =	sbr.rel .LBB2_3-.Ltmp1, $4  }
0x23: {  	[tilespmem:$0xE408] =	vst v0;
	[sflag:s9] =	ssyncpa.u1 $0x0;
	p0 =	sne.s32 s2, s28;
	s2 =	simm.s32 $0x1  }
0x24: {  	s14 =	sadd.s32 s31, s4;
	[sflag:s29] =	ssyncpa.u1 $0x0;
	s2 =	simm.s32 @!p0 $0x0  }
0x25: {  	s15 =	sadd.s32 s31, s0;
	[sflag:s30] =	ssyncpa.u1 $0x0;
	s13 =	sadd.s32 s2, s3  }
0x26: {  	v0 =	vlaneseq.u32;
	s22 =	smov.u32 s20;
	p0 =	por $0x1, $0x1;
	s11 =	sadd.s32 $0x1, s13  }
.LBB2_24:
0x27: {  	s2 =	sshrl.u32 s4, $0x2  }
.LBB2_26:
0x28: {  	_ =	swait.ge [sflag:s17], s2  }
0x29: {  	s31 =	ssub.s32 $0x0, s2;
	v1 =	vmov s26;
	vm0 =	veq.s32 v0, $0x0;
	[sflag:s17] =	ssyncset.done $0x0  }
0x2a: {  	vm15 =	veq.s32 v0, $0x2;
	v1 =	vsel vm0, s0, v1;
	[sflag:s17] =	ssyncadd.s32 s31  }
0x2b: {  	v1 =	vsel vm15, s24, v1;
	[sflag:s17] =	ssyncpa.u1 $0x1  }
0x2c: {  	[tilespmem:$0xE408] =	vst v1  }
.LBB2_27:
0x2d: {  	s0 =	sadd.s32 $0x70, s22  }
0x2e: {  	s2 =	smov.u32 s20;
	p2 =	slt.s32 s0, s8  }
0x2f: {  	s2 =	smov.u32 @p2 s0;
	p2 =	sne.s32 s23, s11  }
.Ltmp2:
0x30: {  	_ = 	snop;
	(pc) =	sbr.rel @!p2 .LBB2_28-.Ltmp2, $4  }
0x31: {  	_ = 	snop  }
0x32: {  	s24 =	smov.u32 s21  }
0x33: {  	s31 =	sadd.s32 $0x1, s23;
	s21 =	smov.u32 s22;
	p0 =	por !p0, !p0  }
0x34: {  	p1 =	por !p1, !p1;
	s23 =	smov.u32 s31;
	s22 =	smov.u32 s2  }
.LBB2_3:
0x35: {  	p2 =	sge.u32 s23, s13  }
0x36: {  	s0 =	smulhi.u32 @!p2 $0xAAAAAAAB, s23  }
0x37: {  	s2 =	smov.u32 s22;
	p3 =	sgt.s32 @!p2 s22, $0x13810  }
0x38: {  	s3 =	sshra.s32 @!p2 s22, $0x1F;
	p3 =	por !p3, p2;
	s0 =	sshrl.u32 @!p2 s0, $0x1  }
0x39: {  	s3 =	sand.u32 @!p2 s3, s22;
	s2 =	simm.s32 @p3 $0x13810;
	s0 =	smul.u32 @!p2 $0x3, s0  }
0x3a: {  	s2 =	ssub.s32 @!p2 s2, s3  }
0x3b: {  	s2 =	sadd.s32 @!p2 $0xFFFEC7F0, s2;
	s0 =	ssub.s32 @!p2 s23, s0  }
0x3c: {  	s3 =	sshll.u32 @!p2 s2, $0x2;
	p3 =	sgt.s32 @!p2 s2, $0x6F;
	s0 =	smul.u32 @!p2 $0x1C0, s0  }
0x3d: {  	s4 =	sand.u32 @!p2 $0x7, s22;
	s2 =	ssub.s32 @!p2 $0x1C0, s3;
	p3 =	por !p3, p2  }
0x3e: {  	s3 =	sshrl.u32 @!p2 s22, $0x3;
	s2 =	sshrl.u32 @!p2 s2, $0x2;
	s0 =	sshrl.u32 @!p2 s0, $0x2  }
0x3f: {  	s3 =	sadd.s32 @!p2 s3, s14;
	s2 =	simm.s32 @!p3 $0x0;
	s0 =	sadd.s32 @!p2 $0x10448, s0  }
0x40: {  	[tilespmem:s0], [sflag:$0xA] =	stream.linear.gather @!p2 [hbm4b:s3+s4], s2, $0x38;
	[tilespmem:$0x1E678] =	vst v63  }
0x41: {  	s2 =	sadd.s32 $0xFFFFFFFF, s23  }
0x42: {  	p2 =	sge.u32 s2, s13  }
0x43: {  	p3 =	sgt.s32 @!p2 s21, $0x13810  }
0x44: {  	s0 =	smov.u32 s21;
	s3 =	sshra.s32 @!p2 s21, $0x1F;
	p3 =	por !p3, p2  }
0x45: {  	s3 =	sand.u32 @!p2 s3, s21;
	s0 =	simm.s32 @p3 $0x13810  }
0x46: {  	s0 =	ssub.s32 @!p2 s0, s3  }
0x47: {  	s0 =	sadd.s32 @!p2 $0xFFFEC7F0, s0  }
0x48: {  	s3 =	sshll.u32 @!p2 s0, $0x2  }
0x49: {  	p3 =	sgt.s32 @!p2 s0, $0x6F;
	s0 =	ssub.s32 @!p2 $0x1C0, s3  }
0x4a: {  	p3 =	por !p3, p2;
	s0 =	sshrl.u32 @!p2 s0, $0x2  }
0x4b: {  	s4 =	simm.s32 @!p2 $0xA;
	s3 =	sand.u32 @!p2 $0x1, s2;
	s0 =	simm.s32 @!p3 $0x0  }
0x4c: {  	s3 =	smul.u32 @!p2 $0x1C0, s3;
	_ =	swait.ge @!p2 [sflag:s4], s0  }
0x4d: {  	s5 =	ssub.s32 @!p2 $0x0, s0;
	[sflag:s4] =	ssyncset.done @!p2 $0x0  }
0x4e: {  	s3 =	sshrl.u32 @!p2 s3, $0x2;
	[sflag:s4] =	ssyncadd.s32 @!p2 s5;
	s4 =	sshrl.u32 @!p2 s21, $0x3  }
0x4f: {  	s3 =	sadd.s32 @!p2 $0x10598, s3;
	s5 =	sand.u32 @!p2 $0x7, s21;
	s4 =	sadd.s32 @!p2 s4, s15  }
0x50: {  	[tilespmem:s3], [sflag:$0xB] =	stream.linear.gather @!p2 [hbm4b:s4+s5], s0, $0x38;
	[tilespmem:$0x1E678] =	vst v63  }
0x51: {  	s0 =	ssub.s32 @!p2 $0x13880, s21  }
0x52: {  	p3 =	slt.s32 @!p2 s0, $0x1  }
0x53: {  	p3 =	por p2, p3  }
.Ltmp3:
0x54: {  	_ = 	snop;
	(pc) =	sbr.rel @p3 .LBB2_9-.Ltmp3, $1  }
0x55: {  	_ =	sdelay $0x3  }
0x56: {  	s3 =	smulhi.u32 $0xAAAAAAAB, s2;
	_ =	sdelay $0x1  }
0x57: {  	s3 =	sshrl.u32 s3, $0x1  }
0x58: {  	s3 =	smul.u32 $0x3, s3;
	_ =	sdelay $0x1  }
0x59: {  	s30 =	ssub.s32 s2, s3  }
0x5a: {  	s4 =	simm.s32 $0x1;
	s2 =	smul.u32 $0x1C0, s30  }
.Ltmp4:
0x5b: {  	s4 =	simm.s32 @!p0 $0x0;
	(pc) =	sbr.rel .LBB2_6-.Ltmp4, $4  }
0x5c: {  	s31 =	smul.u32 $0x1C000, s4  }
0x5d: {  	p3 =	slt.s32 @!p2 s0, $0x70;
	s2 =	sshrl.u32 s2, $0x2  }
0x5e: {  	p2 =	por !p3, p2;
	s3 =	sshrl.u32 s31, $0x2;
	s5 =	sadd.s32 $0x10448, s2  }
0x5f: {  	s0 =	simm.s32 @p2 $0x70;
	s4 =	sor.u32 $0x10678, s3;
	s2 =	simm.s32 $0x0;
	v1 =	vmov s5  }
.LBB2_5:
0x60: {  	p2 =	sge.s32 s2, s0  }
.Ltmp5:
0x61: {  	_ = 	snop;
	(pc) =	sbr.rel @p2 .LBB2_9-.Ltmp5, $2  }
0x62: {  	_ =	sdelay $0x2  }
0x63: {  	s4 =	sadd.s32 $0x1000, s4  }
.LBB2_6:
0x64: {  	p2 =	sle.s32 s0, s2  }
.Ltmp6:
0x65: {  	_ = 	snop;
	(pc) =	sbr.rel @p2 .LBB2_5-.Ltmp6, $2  }
0x66: {  	_ =	sdelay $0x2  }
0x67: {  	s5 =	smov.u32 s2;
	s2 =	sadd.s32 $0x10, s2  }
0x68: {  	s3 =	ssub.s32 s0, s5  }
0x69: {  	p2 =	slt.s32 s3, $0x10  }
0x6a: {  	s3 =	simm.s32 @!p2 $0x10  }
0x6b: {  	v2 =	vmov s3  }
0x6c: {  	vm0 =	vgt.s32 v2, v0;
	_ =	sdelay $0x5  }
0x6d: {  	v2 =	vld.idx.msk [tilespmem:v1+s5+$0x0 ss:$0x1], vm0;
	_ =	sdelay $0x2  }
0x6e: {  	p2 =	slt.s32 s2, s0;
	s3 =	smov.u32 s0  }
0x6f: {  	s9 =	smov.u32 s4;
	s25 =	simm.s32 $0x0;
	s3 =	smov.u32 @p2 s2  }
.LBB2_8:
0x70: {  	(v2sf) =	vpush v2, s25;
	_ =	sdelay $0xe  }
0x71: {  	s25 =	sadd.s32 $0x1, s25;
	s10 =	spop (v2sf)  }
0x72: {  	s31 =	sadd.s32 s25, s5;
	s26 =	sshll.u32 s10, $0x8;
	s10 =	sshll.u32 s10, $0x7  }
0x73: {  	p2 =	slt.s32 s31, s3;
	s26 =	sand.u32 $0xFFFFF800, s26;
	s10 =	sand.u32 $0x380, s10  }
.Ltmp7:
0x74: {  	s10 =	sor.u32 s10, s26;
	(pc) =	sbr.rel @p2 .LBB2_8-.Ltmp7, $4  }
0x75: {  	s10 =	sshrl.u32 s10, $0x3  }
0x76: {  	s10 =	sadd.s32 s6, s10  }
0x77: {  	[tilespmem:s9], [sflag:$0x9] =	stream.strided.gather [hbm4b:s10+s18], $0x100, s19, s18, $0x38;
	[tilespmem:$0x1E678] =	vst v63  }
0x78: {  	s9 =	sadd.s32 $0x100, s9  }
.Ltmp8:
0x79: {  	_ = 	snop;
	(pc) =	sbr.rel .LBB2_5-.Ltmp8, $1  }
0x7a: {  	_ =	sdelay $0x3  }
.LBB2_9:
0x7b: {  	p2 =	slt.u32 s23, $0x2  }
.Ltmp9:
0x7c: {  	_ = 	snop;
	(pc) =	sbr.rel @p2 .LBB2_27-.Ltmp9, $1  }
0x7d: {  	_ =	sdelay $0x3  }
0x7e: {  	p2 =	sgt.s32 s24, $0x13810  }
0x7f: {  	s0 =	smov.u32 s24;
	s2 =	sshra.s32 s24, $0x1F;
	s3 =	ssub.s32 $0x13880, s24  }
0x80: {  	s0 =	simm.s32 @!p2 $0x13810;
	s2 =	sand.u32 s2, s24;
	p2 =	slt.s32 s3, $0x70  }
0x81: {  	s0 =	ssub.s32 s0, s2;
	s3 =	simm.s32 @!p2 $0x70  }
0x82: {  	s0 =	sadd.s32 $0xFFFEC7F0, s0;
	s9 =	sshll.u32 s3, $0x8  }
0x83: {  	s26 =	simm.s32 $0x9;
	s10 =	sshll.u32 s0, $0x2;
	s2 =	sand.u32 $0x3FFFFF00, s9  }
0x84: {  	p2 =	sgt.s32 s0, $0x6F;
	s25 =	ssub.s32 $0x1C0, s10;
	_ =	swait.ge [sflag:s26], s2  }
0x85: {  	s2 =	ssub.s32 $0x0, s2;
	[sflag:s26] =	ssyncset.done $0x0;
	s0 =	sshrl.u32 s25, $0x2  }
0x86: {  	s29 =	simm.s32 $0xB;
	[sflag:s26] =	ssyncadd.s32 s2;
	s0 =	simm.s32 @p2 $0x0  }
0x87: {  	_ =	swait.ge [sflag:s29], s0  }
0x88: {  	s0 =	ssub.s32 $0x0, s0;
	[sflag:s29] =	ssyncset.done $0x0  }
0x89: {  	[sflag:s29] =	ssyncadd.s32 s0  }
0x8a: {  	v1 =	vld [tilespmem:$0xE408];
	_ =	sdelay $0x4  }
0x8b: {  	(v2sf) =	vpush v1, $0x0  }
0x8c: {  	(v2sf) =	vpush v1, $0x1  }
0x8d: {  	(v2sf) =	vpush v1, $0x2;
	_ =	sdelay $0x3  }
0x8e: {  	s0 =	sadd.s32 $0x70, s24  }
0x8f: {  	s2 =	ssub.s32 $0x27100, s24;
	p2 =	slt.s32 s8, s0  }
0x90: {  	s0 =	smov.u32 @p2 s8;
	p2 =	sgt.s32 s2, $0x0  }
0x91: {  	s0 =	ssub.s32 s0, s24;
	s2 =	simm.s32 @!p2 $0x0  }
0x92: {  	p2 =	slt.s32 s2, s0  }
0x93: {  	s0 =	smov.u32 @p2 s2  }
0x94: {  	s4 =	simm.s32 $0x1;
	p2 =	slt.s32 s0, $0x1  }
.Ltmp10:
0x95: {  	s4 =	simm.s32 @!p1 $0x0;
	(pc) =	sbr.rel @p2 .LBB2_14-.Ltmp10, $4  }
0x96: {  	s30 =	smul.u32 $0x1C0, s4  }
0x97: {  	s5 =	spop (v2sf)  }
0x98: {  	s31 =	sshrl.u32 s30, $0x2;
	s28 =	spop (v2sf)  }
0x99: {  	s25 =	sadd.s32 $0x10598, s31;
	s24 =	spop (v2sf)  }
0x9a: {  	s2 =	smin.u32 s0, $0x10  }
0x9b: {  	v1 =	vmov s2  }
0x9c: {  	vm1 =	vgt.u32 v1, v0  }
0x9d: {  	p3 =	sgt.s32 s0, $0x10  }
.Ltmp11:
0x9e: {  	_ = 	snop;
	(pc) =	sbr.rel @!p3 .LBB2_13-.Ltmp11, $2  }
0x9f: {  	_ =	sdelay $0x2  }
0xa0: {  	s26 =	simm.s32 $0x10;
	s29 =	sadd.s32 $0xFFFFFFF0, s0;
	s2 =	smov.u32 s25;
	vm0 =	vmmov vm1;
	v1 =	vld.msk [tilespmem:s25+$0x0 ss:$0x1], vm1  }
.LBB2_12:
0xa1: {  	s3 =	smin.u32 s29, $0x10;
	s26 =	sadd.s32 $0x10, s26  }
0xa2: {  	v2 =	vmov s3;
	p3 =	slt.s32 s26, s0  }
0xa3: {  	vm1 =	vgt.u32 v2, v0;
	_ =	sdelay $0x1  }
0xa4: {  	v2 =	vshll.u32 v1, $0x5;
	v1 =	vshll.u32 v1, $0x4  }
.Ltmp12:
0xa5: {  	v2 =	vand.u32 $0xFFFFFF00, v2;
	v1 =	vand.u32 $0x70, v1;
	(pc) =	sbr.rel @p3 .LBB2_12-.Ltmp12, $4  }
0xa6: {  	v1 =	vor.u32 v1, v2  }
0xa7: {  	[tilespmem:s2+$0x0] =	vst.msk vm0, v1;
	s2 =	sadd.s32 $0x10, s2;
	vm0 =	vmmov vm1  }
0xa8: {  	v1 =	vld.msk [tilespmem:s2+$0x0 ss:$0x1], vm1  }
0xa9: {  	s29 =	sadd.s32 $0xFFFFFFF0, s29  }
.LBB2_13:
0xaa: {  	_ =	sdelay $0x3  }
0xab: {  	v2 =	vshll.u32 v1, $0x5;
	v1 =	vshll.u32 v1, $0x4  }
0xac: {  	v2 =	vand.u32 $0xFFFFFF00, v2;
	v1 =	vand.u32 $0x70, v1  }
0xad: {  	v1 =	vor.u32 v1, v2  }
0xae: {  	[tilespmem:s2+$0x0] =	vst.msk vm0, v1  }
.LBB2_14:
0xaf: {  	s2 =	sand.u32 $0x1, s23  }
0xb0: {  	s2 =	smul.u32 $0x70, s2  }
0xb1: {  	p3 =	sne.s32 s28, $0xFFFFFFFF  }
0xb2: {  	v1 =	vld.msk @!p3 [tilespmem:s2+$0x10598], $0x1;
	_ =	sdelay $0x4  }
0xb3: {  	(v2sf) =	vpush @!p3 v1, $0x0;
	_ =	sdelay $0xc  }
.Ltmp13:
0xb4: {  	_ = 	snop;
	(pc) =	sbr.rel @p2 .LBB2_25-.Ltmp13, $4  }
0xb5: {  	_ = 	snop  }
0xb6: {  	s31 =	spop @!p3 (v2sf)  }
0xb7: {  	s24 =	simm.s32 @!p3 $0x0;
	s26 =	smov.u32 s31  }
0xb8: {  	[sflag:s17] =	ssyncpa.u1 $0x0;
	s31 =	smov.u32 @p3 s5;
	s26 =	smov.u32 @p3 s28  }
0xb9: {  	v1 =	vld.msk [tilespmem:s25+$0x0], $0x1;
	_ =	sdelay $0x4  }
0xba: {  	(v2sf) =	vpush v1, $0x0;
	_ =	sdelay $0xe  }
0xbb: {  	s7 =	smov.u32 s11;
	s5 =	spop (v2sf)  }
0xbc: {  	s17 =	smov.u32 s15;
	s2 =	smul.u32 $0x1C000, s4;
	p2 =	seq.s32 s31, s5  }
0xbd: {  	s3 =	smov.u32 s31;
	s29 =	ssub.s32 $0x0, s0;
	p3 =	sgt.s32 @!p2 s31, $0x0  }
0xbe: {  	s30 =	simm.s32 $0x0;
	s2 =	sshrl.u32 s2, $0x2;
	p3 =	por !p3, p2  }
0xbf: {  	s0 =	sadd.s32 $0x1, s29;
	s28 =	sor.u32 $0x106F8, s2;
	s3 =	simm.s32 @p3 $0x0  }
0xc0: {  	s2 =	simm.s32 @!p2 $0x1;
	p3 =	seq.s32 s0, $0x0;
	s3 =	smin.u32 @!p2 s3, $0x270F70  }
.Ltmp14:
0xc1: {  	s4 =	simm.s32 @!p2 $0x7308;
	s9 =	sand.u32 @!p2 $0x3FFFF8, s3;
	(pc) =	sbr.rel @p3 .LBB2_17-.Ltmp14, $4  }
0xc2: {  	s10 =	sadd.s32 @!p2 $0x80, s3;
	s11 =	sadd.s32 @!p2 s1, s9;
	s9 =	sand.u32 @!p2 $0x7, s3  }
0xc3: {  	[tilespmem:s4], [sflag:$0x2] =	stream.linear.gather @!p2 [hbm4b:s11+s9], $0x80, $0x38;
	[tilespmem:$0x1E678] =	vst v63  }
0xc4: {  	s15 =	smov.u32 s14;
	s2 =	smov.u32 @p2 s30;
	s4 =	sand.u32 @!p2 $0x7FFFF8, s10  }
0xc5: {  	s3 =	simm.s32 @!p2 $0x7388;
	s10 =	sadd.s32 @!p2 s1, s4;
	s4 =	sadd.s32 $0x1, s25  }
.LBB2_16:
0xc6: {  	s11 =	smov.u32 s2  }
0xc7: {  	[tilespmem:s3], [sflag:$0x2] =	stream.linear.gather @!p2 [hbm4b:s10+s9], $0x80, $0x38;
	[tilespmem:$0x1E678] =	vst v63  }
0xc8: {  	s0 =	sadd.s32 $0x1, s0;
	s9 =	smov.u32 s5;
	v1 =	vld.msk [tilespmem:s4+$0x0], $0x1  }
0xc9: {  	p3 =	seq.s32 s0, $0x0;
	_ =	sdelay $0x3  }
0xca: {  	(v2sf) =	vpush v1, $0x0;
	_ =	sdelay $0xe  }
0xcb: {  	s5 =	spop (v2sf)  }
0xcc: {  	p2 =	seq.s32 s9, s5  }
0xcd: {  	p4 =	sgt.s32 @!p2 s9, $0x0;
	s3 =	sshll.u32 @!p2 s2, $0xA;
	s2 =	sadd.s32 @!p2 $0x1, s2  }
0xce: {  	p4 =	por !p4, p2;
	s3 =	sshra.s32 @!p2 s3, $0x2;
	s2 =	smov.u32 @p2 s11  }
0xcf: {  	s9 =	simm.s32 @p4 $0x0;
	s10 =	sadd.s32 @!p2 $0x7308, s3;
	s3 =	sadd.s32 @!p2 $0x7388, s3  }
.Ltmp15:
0xd0: {  	s9 =	smin.u32 @!p2 s9, $0x270F70;
	(pc) =	sbr.rel @!p3 .LBB2_16-.Ltmp15, $4  }
0xd1: {  	s11 =	sand.u32 @!p2 $0x3FFFF8, s9;
	s14 =	sadd.s32 @!p2 $0x80, s9  }
0xd2: {  	s9 =	sand.u32 @!p2 $0x7, s9;
	s11 =	sadd.s32 @!p2 s1, s11;
	s14 =	sand.u32 @!p2 $0x7FFFF8, s14  }
0xd3: {  	[tilespmem:s10], [sflag:$0x2] =	stream.linear.gather @!p2 [hbm4b:s11+s9], $0x80, $0x38;
	[tilespmem:$0x1E678] =	vst v63  }
0xd4: {  	s4 =	sadd.s32 $0x1, s4;
	s10 =	sadd.s32 @!p2 s1, s14  }
.LBB2_17:
0xd5: {  	[tilespmem:s3], [sflag:$0x2] =	stream.linear.gather @!p2 [hbm4b:s10+s9], $0x80, $0x38;
	[tilespmem:$0x1E678] =	vst v63  }
0xd6: {  	s0 =	sshll.u32 s2, $0x8  }
.Ltmp16:
0xd7: {  	s14 =	simm.s32 $0x2;
	s0 =	sand.u32 $0x3FFFFF00, s0;
	(pc) =	sbr.rel .LBB2_18-.Ltmp16, $4  }
0xd8: {  	_ =	swait.ge [sflag:s14], s0  }
0xd9: {  	s0 =	ssub.s32 $0x0, s0;
	[sflag:s14] =	ssyncset.done $0x0  }
0xda: {  	s4 =	simm.s32 $0x0;
	s11 =	smov.u32 s7;
	[sflag:s14] =	ssyncadd.s32 s0  }
0xdb: {  	s14 =	smov.u32 s15;
	s15 =	smov.u32 s17;
	s17 =	simm.s32 $0xC  }
.LBB2_19:
0xdc: {  	v1 =	vld [tilespmem:s28+$0xFFFFFF80];
	_ =	sdelay $0x4  }
0xdd: {  	[tilespmem:s5+$0x208] =	vst.add.f32.msk $0xffff, v1  }
0xde: {  	v1 =	vld [tilespmem:s28+$0xFFFFFF90];
	_ =	sdelay $0x4  }
0xdf: {  	[tilespmem:s5+$0x218] =	vst.add.f32.msk $0xffff, v1  }
0xe0: {  	v1 =	vld [tilespmem:s28+$0xFFFFFFA0];
	_ =	sdelay $0x4  }
0xe1: {  	[tilespmem:s5+$0x228] =	vst.add.f32.msk $0xffff, v1  }
0xe2: {  	v1 =	vld [tilespmem:s28+$0xFFFFFFB0];
	_ =	sdelay $0x4  }
0xe3: {  	[tilespmem:s5+$0x238] =	vst.add.f32.msk $0xffff, v1  }
0xe4: {  	v1 =	vld [tilespmem:s28+$0xFFFFFFC0];
	_ =	sdelay $0x4  }
0xe5: {  	[tilespmem:s5+$0x248] =	vst.add.f32.msk $0xffff, v1  }
0xe6: {  	v1 =	vld [tilespmem:s28+$0xFFFFFFD0];
	_ =	sdelay $0x4  }
0xe7: {  	[tilespmem:s5+$0x258] =	vst.add.f32.msk $0xffff, v1  }
0xe8: {  	v1 =	vld [tilespmem:s28+$0xFFFFFFE0];
	_ =	sdelay $0x4  }
0xe9: {  	[tilespmem:s5+$0x268] =	vst.add.f32.msk $0xffff, v1  }
0xea: {  	v1 =	vld [tilespmem:s28+$0xFFFFFFF0];
	_ =	sdelay $0x4  }
0xeb: {  	[tilespmem:s5+$0x278] =	vst.add.f32.msk $0xffff, v1  }
0xec: {  	v1 =	vld [tilespmem:s28+$0x0];
	_ =	sdelay $0x4  }
0xed: {  	[tilespmem:s5+$0x288] =	vst.add.f32.msk $0xffff, v1  }
0xee: {  	v1 =	vld [tilespmem:s28+$0x10];
	_ =	sdelay $0x4  }
0xef: {  	[tilespmem:s5+$0x298] =	vst.add.f32.msk $0xffff, v1  }
0xf0: {  	v1 =	vld [tilespmem:s28+$0x20];
	_ =	sdelay $0x4  }
0xf1: {  	[tilespmem:s5+$0x2A8] =	vst.add.f32.msk $0xffff, v1  }
0xf2: {  	v1 =	vld [tilespmem:s28+$0x30];
	_ =	sdelay $0x4  }
0xf3: {  	[tilespmem:s5+$0x2B8] =	vst.add.f32.msk $0xffff, v1  }
0xf4: {  	v1 =	vld [tilespmem:s28+$0x40];
	_ =	sdelay $0x4  }
0xf5: {  	[tilespmem:s5+$0x2C8] =	vst.add.f32.msk $0xffff, v1  }
0xf6: {  	v1 =	vld [tilespmem:s28+$0x50];
	_ =	sdelay $0x4  }
0xf7: {  	[tilespmem:s5+$0x2D8] =	vst.add.f32.msk $0xffff, v1  }
0xf8: {  	v1 =	vld [tilespmem:s28+$0x60];
	_ =	sdelay $0x4  }
0xf9: {  	[tilespmem:s5+$0x2E8] =	vst.add.f32.msk $0xffff, v1  }
0xfa: {  	v1 =	vld [tilespmem:s28+$0x70];
	_ =	sdelay $0x4  }
0xfb: {  	[tilespmem:s5+$0x2F8] =	vst.add.f32.msk $0xffff, v1  }
.LBB2_23:
0xfc: {  	s29 =	sadd.s32 $0x1, s29  }
0xfd: {  	p2 =	seq.s32 s29, $0x0  }
.Ltmp17:
0xfe: {  	_ = 	snop;
	(pc) =	sbr.rel @p2 .LBB2_24-.Ltmp17, $2  }
0xff: {  	_ =	sdelay $0x2  }
0x100: {  	s25 =	sadd.s32 $0x1, s25;
	s28 =	sadd.s32 $0x100, s28;
	s31 =	smov.u32 s0  }
.LBB2_18:
0x101: {  	v1 =	vld.msk [tilespmem:s25+$0x0], $0x1;
	_ =	sdelay $0x4  }
0x102: {  	(v2sf) =	vpush v1, $0x0;
	_ =	sdelay $0xe  }
0x103: {  	s0 =	spop (v2sf)  }
0x104: {  	p2 =	sne.s32 s31, s0  }
.Ltmp18:
0x105: {  	_ = 	snop;
	(pc) =	sbr.rel @!p2 .LBB2_19-.Ltmp18, $3  }
0x106: {  	_ =	sdelay $0x1  }
0x107: {  	s2 =	sshll.u32 s24, $0xA  }
0x108: {  	s5 =	sshra.s32 s2, $0x2  }
0x109: {  	p2 =	seq.s32 s31, s26  }
.Ltmp19:
0x10a: {  	_ = 	snop;
	(pc) =	sbr.rel @!p2 .LBB2_21-.Ltmp19, $1  }
0x10b: {  	_ =	sdelay $0x3  }
.Ltmp20:
0x10c: {  	s2 =	sadd.s32 $0x208, s5;
	(pc) =	sbr.rel .LBB2_22-.Ltmp20, $4  }
0x10d: {  	[spmem:s16] =	stream.linear.scatter [tilespmem:s2], [sflag:$0x1], $0x100, $0x38;
	[tilespmem:$0x1E678] =	vst v63  }
0x10e: {  	_ =	swait.ge [sflag:s12], $0x100  }
0x10f: {  	[sflag:s12] =	ssyncset.done $0x0  }
0x110: {  	[sflag:s12] =	ssyncadd.s32 $0xFFFFFF00  }
.LBB2_21:
0x111: {  	s2 =	sshll.u32 s30, $0xA  }
0x112: {  	s2 =	sshra.s32 s2, $0x2  }
0x113: {  	v1 =	vld [tilespmem:s2+$0x7308];
	_ =	sdelay $0x4  }
0x114: {  	[tilespmem:s5+$0x208] =	vst.add.f32.msk $0xffff, v1  }
0x115: {  	v1 =	vld [tilespmem:s2+$0x7318];
	_ =	sdelay $0x4  }
0x116: {  	[tilespmem:s5+$0x218] =	vst.add.f32.msk $0xffff, v1  }
0x117: {  	v1 =	vld [tilespmem:s2+$0x7328];
	_ =	sdelay $0x4  }
0x118: {  	[tilespmem:s5+$0x228] =	vst.add.f32.msk $0xffff, v1  }
0x119: {  	v1 =	vld [tilespmem:s2+$0x7338];
	_ =	sdelay $0x4  }
0x11a: {  	[tilespmem:s5+$0x238] =	vst.add.f32.msk $0xffff, v1  }
0x11b: {  	v1 =	vld [tilespmem:s2+$0x7348];
	_ =	sdelay $0x4  }
0x11c: {  	[tilespmem:s5+$0x248] =	vst.add.f32.msk $0xffff, v1  }
0x11d: {  	v1 =	vld [tilespmem:s2+$0x7358];
	_ =	sdelay $0x4  }
0x11e: {  	[tilespmem:s5+$0x258] =	vst.add.f32.msk $0xffff, v1  }
0x11f: {  	v1 =	vld [tilespmem:s2+$0x7368];
	_ =	sdelay $0x4  }
0x120: {  	[tilespmem:s5+$0x268] =	vst.add.f32.msk $0xffff, v1  }
0x121: {  	v1 =	vld [tilespmem:s2+$0x7378];
	_ =	sdelay $0x4  }
0x122: {  	[tilespmem:s5+$0x278] =	vst.add.f32.msk $0xffff, v1  }
0x123: {  	v1 =	vld [tilespmem:s2+$0x7388];
	_ =	sdelay $0x4  }
0x124: {  	[tilespmem:s5+$0x288] =	vst.add.f32.msk $0xffff, v1  }
0x125: {  	v1 =	vld [tilespmem:s2+$0x7398];
	_ =	sdelay $0x4  }
0x126: {  	[tilespmem:s5+$0x298] =	vst.add.f32.msk $0xffff, v1  }
0x127: {  	v1 =	vld [tilespmem:s2+$0x73A8];
	_ =	sdelay $0x4  }
0x128: {  	[tilespmem:s5+$0x2A8] =	vst.add.f32.msk $0xffff, v1  }
0x129: {  	v1 =	vld [tilespmem:s2+$0x73B8];
	_ =	sdelay $0x4  }
0x12a: {  	[tilespmem:s5+$0x2B8] =	vst.add.f32.msk $0xffff, v1  }
0x12b: {  	v1 =	vld [tilespmem:s2+$0x73C8];
	_ =	sdelay $0x4  }
0x12c: {  	[tilespmem:s5+$0x2C8] =	vst.add.f32.msk $0xffff, v1  }
0x12d: {  	v1 =	vld [tilespmem:s2+$0x73D8];
	_ =	sdelay $0x4  }
0x12e: {  	[tilespmem:s5+$0x2D8] =	vst.add.f32.msk $0xffff, v1  }
0x12f: {  	v1 =	vld [tilespmem:s2+$0x73E8];
	_ =	sdelay $0x4  }
0x130: {  	[tilespmem:s5+$0x2E8] =	vst.add.f32.msk $0xffff, v1  }
0x131: {  	v1 =	vld [tilespmem:s2+$0x73F8];
	_ =	sdelay $0x2  }
0x132: {  	p2 =	sgt.u32 s31, $0x270F70  }
0x133: {  	s2 =	sand.u32 @!p2 $0x3FFFF8, s31  }
0x134: {  	s3 =	sadd.s32 $0x208, s5;
	s9 =	sand.u32 @!p2 $0x7, s31;
	s2 =	sadd.s32 @!p2 s1, s2;
	[tilespmem:s5+$0x2F8] =	vst.add.f32.msk $0xffff, v1  }
0x135: {  	[hbm4b:s2+s9] =	stream.linear.scatter @!p2 [tilespmem:s3], [sflag:$0xC], $0x80, $0x38;
	[tilespmem:$0x1E678] =	vst v63  }
0x136: {  	s2 =	sadd.s32 @!p2 $0x80, s31  }
0x137: {  	s2 =	sand.u32 @!p2 $0x7FFFF8, s2  }
0x138: {  	s3 =	sadd.s32 $0x288, s5;
	s2 =	sadd.s32 @!p2 s1, s2  }
0x139: {  	[hbm4b:s2+s9] =	stream.linear.scatter @!p2 [tilespmem:s3], [sflag:$0xC], $0x80, $0x38;
	[tilespmem:$0x1E678] =	vst v63  }
0x13a: {  	s2 =	simm.s32 $0x0  }
0x13b: {  	s2 =	simm.s32 @!p2 $0x400  }
0x13c: {  	s4 =	sadd.s32 s2, s4  }
.LBB2_22:
0x13d: {  	s2 =	sadd.s32 $0x1, s24  }
0x13e: {  	s3 =	sshrl.u32 s2, $0x4  }
0x13f: {  	s3 =	smulhi.u32 $0x24924925, s3  }
0x140: {  	v1 =	vld [tilespmem:s28+$0xFFFFFF80]  }
0x141: {  	s3 =	smul.u32 $0x70, s3;
	_ =	sdelay $0x1  }
0x142: {  	s24 =	ssub.s32 s2, s3  }
0x143: {  	s2 =	sshll.u32 s24, $0x8  }
0x144: {  	[tilespmem:s2+$0x208] =	vst v1  }
0x145: {  	v1 =	vld [tilespmem:s28+$0xFFFFFF90];
	_ =	sdelay $0x4  }
0x146: {  	[tilespmem:s2+$0x218] =	vst v1  }
0x147: {  	v1 =	vld [tilespmem:s28+$0xFFFFFFA0];
	_ =	sdelay $0x4  }
0x148: {  	[tilespmem:s2+$0x228] =	vst v1  }
0x149: {  	v1 =	vld [tilespmem:s28+$0xFFFFFFB0];
	_ =	sdelay $0x4  }
0x14a: {  	[tilespmem:s2+$0x238] =	vst v1  }
0x14b: {  	v1 =	vld [tilespmem:s28+$0xFFFFFFC0];
	_ =	sdelay $0x4  }
0x14c: {  	[tilespmem:s2+$0x248] =	vst v1  }
0x14d: {  	v1 =	vld [tilespmem:s28+$0xFFFFFFD0];
	_ =	sdelay $0x4  }
0x14e: {  	[tilespmem:s2+$0x258] =	vst v1  }
0x14f: {  	v1 =	vld [tilespmem:s28+$0xFFFFFFE0];
	_ =	sdelay $0x4  }
0x150: {  	[tilespmem:s2+$0x268] =	vst v1  }
0x151: {  	v1 =	vld [tilespmem:s28+$0xFFFFFFF0];
	_ =	sdelay $0x4  }
0x152: {  	[tilespmem:s2+$0x278] =	vst v1  }
0x153: {  	v1 =	vld [tilespmem:s28+$0x0];
	_ =	sdelay $0x4  }
0x154: {  	[tilespmem:s2+$0x288] =	vst v1  }
0x155: {  	v1 =	vld [tilespmem:s28+$0x10];
	_ =	sdelay $0x4  }
0x156: {  	[tilespmem:s2+$0x298] =	vst v1  }
0x157: {  	v1 =	vld [tilespmem:s28+$0x20];
	_ =	sdelay $0x4  }
0x158: {  	[tilespmem:s2+$0x2A8] =	vst v1  }
0x159: {  	v1 =	vld [tilespmem:s28+$0x30];
	_ =	sdelay $0x4  }
0x15a: {  	[tilespmem:s2+$0x2B8] =	vst v1  }
0x15b: {  	v1 =	vld [tilespmem:s28+$0x40];
	_ =	sdelay $0x4  }
0x15c: {  	[tilespmem:s2+$0x2C8] =	vst v1  }
0x15d: {  	v1 =	vld [tilespmem:s28+$0x50];
	_ =	sdelay $0x4  }
0x15e: {  	[tilespmem:s2+$0x2D8] =	vst v1  }
0x15f: {  	v1 =	vld [tilespmem:s28+$0x60];
	_ =	sdelay $0x4  }
0x160: {  	[tilespmem:s2+$0x2E8] =	vst v1  }
0x161: {  	v1 =	vld [tilespmem:s28+$0x70]  }
.Ltmp21:
0x162: {  	_ = 	snop;
	(pc) =	sbr.rel .LBB2_23-.Ltmp21, $2  }
0x163: {  	_ =	sdelay $0x2  }
0x164: {  	s30 =	sadd.s32 $0x1, s30;
	[tilespmem:s2+$0x2F8] =	vst v1  }
.LBB2_25:
.Ltmp22:
0x165: {  	(pc) =	sbr.rel .LBB2_26-.Ltmp22, $4  }
0x166: {  	_ = 	snop  }
0x167: {  	s0 =	simm.s32 $0x2  }
0x168: {  	_ =	swait.ge [sflag:s0], $0x0  }
0x169: {  	s2 =	simm.s32 $0x0;
	[sflag:s0] =	ssyncset.done $0x0;
	s0 =	smov.u32 s31  }
.LBB2_28:
0x16a: {  	_ =	sfence.sel $0x180000  }
0x16b: {  	s0 =	simm.s32 $0x9;
	[bflag:$0x0] =	sbarrier.arrive $0xFFFF  }
0x16c: {  	s24 =	simm.s32 $0xA;
	[sflag:s0] =	ssyncpa.u1 $0x1  }
0x16d: {  	s25 =	simm.s32 $0xB;
	[sflag:s24] =	ssyncpa.u1 $0x1  }
0x16e: {  	s26 =	simm.s32 $0x2;
	[sflag:s25] =	ssyncpa.u1 $0x1  }
0x16f: {  	[sflag:s26] =	ssyncpa.u1 $0x1  }
0x170: {  	v0 =	vld [tilespmem:$0xE408];
	_ =	sdelay $0x4  }
0x171: {  	(v2sf) =	vpush v0, $0x0  }
0x172: {  	(v2sf) =	vpush v0, $0x1;
	_ =	sdelay $0x1  }
0x173: {  	(v2sf) =	vpush v0, $0x2;
	_ =	sdelay $0xb  }
0x174: {  	s0 =	spop (v2sf)  }
0x175: {  	s2 =	spop (v2sf)  }
0x176: {  	s3 =	smov.u32 s0;
	p0 =	sne.s32 s0, s2  }
0x177: {  	s4 =	spop (v2sf);
	s3 =	simm.s32 @!p0 $0xFFFFFFFF  }
0x178: {  	v2 =	vimm.s32 $0x1;
	v3 =	vlaneseq.u32;
	p0 =	seq.s32 s4, $0xFFFFFFFF;
	v1 =	vmov s3  }
0x179: {  	s15 =	stileid.u32;
	v0 =	vperm.xlane v0, v2;
	p1 =	sne.s32 @!p0 s0, s2;
	v1 =	vperm.xlane v1, v3  }
0x17a: {  	vm0 =	vcmask $0x3F04;
	s6 =	simm.s32 $0xE408;
	s0 =	simm.s32 @!p0 $0x1;
	p1 =	por !p1, p0  }
0x17b: {  	s3 =	sshll.u32 s15, $0x1;
	s2 =	sshll.u32 @!p0 s4, $0xA;
	s0 =	simm.s32 @p1 $0x0;
	v0 =	vsel vm0, v1, v0  }
0x17c: {  	s5 =	sor.u32 $0x2000, s3;
	s2 =	sshra.s32 @!p0 s2, $0x2;
	s0 =	sor.u32 @!p0 s0, s3;
	[tilespmem:$0xE408] =	vst v0  }
0x17d: {  	[spmem:s5] =	stream.linear.scatter [tilespmem:s6], [sflag:$0x1], $0x2, $0x38;
	[tilespmem:$0x1E678] =	vst v63  }
0x17e: {  	s2 =	sadd.s32 @!p0 $0x208, s2;
	s0 =	sshll.u32 @!p0 s0, $0x8  }
0x17f: {  	[spmem:s0] =	stream.linear.scatter @!p0 [tilespmem:s2], [sflag:$0x1], $0x100, $0x38;
	[tilespmem:$0x1E678] =	vst v63  }
0x180: {  	s0 =	simm.s32 @!p0 $0x102  }
0x181: {  	s28 =	simm.s32 $0x1;
	s0 =	simm.s32 @p0 $0x2  }
0x182: {  	_ =	swait.ge [sflag:s28], s0  }
0x183: {  	s0 =	ssub.s32 $0x0, s0;
	[sflag:s28] =	ssyncset.done $0x0  }
0x184: {  	p0 =	sne.s32 s15, $0x0;
	[sflag:s28] =	ssyncadd.s32 s0  }
.Ltmp23:
0x185: {  	_ =	sfence.stream.spmem;
	(pc) =	sbr.rel @p0 .LBB2_45-.Ltmp23, $4  }
0x186: {  	s29 =	simm.s32 $0x3;
	[bflag:$0x0] =	sbarrier.arrive $0xFFFF  }
0x187: {  	s30 =	simm.s32 $0x4;
	[sflag:s29] =	ssyncpa.u1 $0x1  }
0x188: {  	s31 =	simm.s32 $0x3C;
	[sflag:s30] =	ssyncpa.u1 $0x1  }
0x189: {  	s14 =	rddreg [dreg:$0x4];
	[sflag:s31] =	ssyncpa.u1 $0x1  }
0x18a: {  	_ =	sfence.stream.spmem;
	s0 =	simm.s32 $0x5  }
0x18b: {  	s2 =	simm.s32 $0x2000;
	s3 =	simm.s32 $0xE418;
	[sflag:s0] =	ssyncpa.u1 $0x0  }
0x18c: {  	[tilespmem:s3], [sflag:$0x5] =	stream.linear.gather [spmem:s2], $0x20, $0x38;
	[tilespmem:$0x1E678] =	vst v63  }
0x18d: {  	s26 =	simm.s32 $0x0;
	s28 =	simm.s32 $0xE438  }
0x18e: {  	[tilespmem:s28], [sflag:$0x5] =	stream.linear.gather [spmem:s26], $0x2000, $0x38;
	[tilespmem:$0x1E678] =	vst v63  }
0x18f: {  	_ =	swait.ge [sflag:s0], $0x2020  }
0x190: {  	[sflag:s0] =	ssyncset.done $0x0  }
0x191: {  	s29 =	simm.s32 $0x0;
	[sflag:s0] =	ssyncadd.s32 $0xFFFFDFE0  }
0x192: {  	v0 =	vld.msk [tilespmem:s29+$0xE418], $0x1;
	_ =	sdelay $0x1  }
0x193: {  	s30 =	simm.s32 $0x1  }
0x194: {  	v1 =	vld.msk [tilespmem:s30+$0xE418], $0x1;
	_ =	sdelay $0x1  }
0x195: {  	(v2sf) =	vpush v0, $0x0;
	_ =	sdelay $0x2  }
0x196: {  	(v2sf) =	vpush v1, $0x0;
	_ =	sdelay $0x2  }
0x197: {  	s31 =	simm.s32 $0x2  }
0x198: {  	v0 =	vld.msk [tilespmem:s31+$0xE418], $0x1;
	_ =	sdelay $0x2  }
0x199: {  	s2 =	simm.s32 $0xFFFFFFFF;
	s3 =	simm.s32 $0xFFFFFFFF;
	s0 =	simm.s32 $0xC  }
.LBB2_30:
0x19a: {  	s4 =	smov.u32 s3;
	s5 =	smov.u32 s2  }
0x19b: {  	s2 =	sshra.s32 s0, $0x2;
	p1 =	sne.s32 s0, $0x7C;
	s0 =	sadd.s32 $0x4, s0;
	(v2sf) =	vpush v0, $0x0  }
0x19c: {  	v0 =	vld.msk [tilespmem:s2+$0xE418], $0x1  }
.Ltmp24:
0x19d: {  	(pc) =	sbr.rel @p1 .LBB2_30-.Ltmp24, $4  }
0x19e: {  	s3 =	spop (v2sf)  }
0x19f: {  	p2 =	sne.s32 s5, $0xFFFFFFFF;
	s2 =	smov.u32 s3  }
0x1a0: {  	p3 =	seq.s32 s3, $0xFFFFFFFF;
	s2 =	smov.u32 @p2 s5  }
0x1a1: {  	s3 =	smov.u32 @p3 s4;
	s2 =	smov.u32 @p3 s5  }
0x1a2: {  	(v2sf) =	vpush v0, $0x0;
	_ =	sdelay $0x8  }
0x1a3: {  	s0 =	spop (v2sf)  }
0x1a4: {  	p1 =	sne.s32 s2, $0xFFFFFFFF;
	s9 =	simm.s32 $0x6;
	s4 =	smov.u32 s0  }
0x1a5: {  	s6 =	simm.s32 $0x0;
	p2 =	seq.s32 s0, $0xFFFFFFFF;
	s4 =	smov.u32 @p1 s2  }
0x1a6: {  	s10 =	simm.s32 $0xE308;
	s4 =	smov.u32 @p2 s2;
	s2 =	spop (v2sf)  }
0x1a7: {  	s0 =	smov.u32 @p2 s3;
	p1 =	sne.s32 s4, $0xFFFFFFFF;
	s5 =	smov.u32 s2  }
.Ltmp25:
0x1a8: {  	p2 =	seq.s32 s2, $0xFFFFFFFF;
	s5 =	smov.u32 @p1 s4;
	(pc) =	sbr.rel .LBB2_32-.Ltmp25, $4  }
0x1a9: {  	s11 =	simm.s32 $0xE388;
	s5 =	smov.u32 @p2 s4;
	s7 =	spop (v2sf)  }
0x1aa: {  	s12 =	simm.s32 $0x0;
	p1 =	sne.s32 s5, $0xFFFFFFFF;
	s8 =	smov.u32 s7  }
0x1ab: {  	s2 =	smov.u32 @p2 s0;
	p2 =	seq.s32 s7, $0xFFFFFFFF;
	s8 =	smov.u32 @p1 s5  }
0x1ac: {  	[sflag:s9] =	ssyncpa.u1 $0x0;
	s7 =	smov.u32 @p2 s2;
	s8 =	smov.u32 @p2 s5  }
.LBB2_38:
0x1ad: {  	p1 =	sgt.u32 s0, $0x270F70  }
0x1ae: {  	p2 =	seq.s32 @!p1 s0, s8  }
0x1af: {  	p1 =	por p1, p2  }
0x1b0: {  	p2 =	sne.s32 @!p1 s0, s7  }
0x1b1: {  	p1 =	por p1, !p2  }
0x1b2: {  	s0 =	sshll.u32 @p1 s12, $0xA  }
0x1b3: {  	s2 =	sand.u32 @!p1 $0x3FFFF8, s0;
	s3 =	sand.u32 @!p1 $0x7, s0;
	s0 =	sadd.s32 @!p1 $0x80, s0  }
0x1b4: {  	s2 =	sadd.s32 @!p1 s1, s2;
	s0 =	sand.u32 @!p1 $0x7FFFF8, s0  }
0x1b5: {  	[tilespmem:s10], [sflag:$0x6] =	stream.linear.gather @!p1 [hbm4b:s2+s3], $0x80, $0x38;
	[tilespmem:$0x1E678] =	vst v63  }
0x1b6: {  	s0 =	sadd.s32 @!p1 s1, s0  }
0x1b7: {  	[tilespmem:s11], [sflag:$0x6] =	stream.linear.gather @!p1 [hbm4b:s0+s3], $0x80, $0x38;
	[tilespmem:$0x1E678] =	vst v63  }
0x1b8: {  	_ =	swait.ge @!p1 [sflag:s9], $0x100  }
0x1b9: {  	[sflag:s9] =	ssyncset.done @!p1 $0x0  }
0x1ba: {  	[sflag:s9] =	ssyncadd.s32 @!p1 $0xFFFFFF00  }
0x1bb: {  	v1 =	vld @!p1 [tilespmem:$0xE308];
	_ =	sdelay $0x2  }
0x1bc: {  	s0 =	sshll.u32 @!p1 s12, $0xA  }
0x1bd: {  	s2 =	sshrl.u32 @!p1 s0, $0x2  }
0x1be: {  	[tilespmem:s2+$0xE438] =	vst.add.f32.msk @!p1 $0xffff, v1  }
0x1bf: {  	v1 =	vld @!p1 [tilespmem:$0xE318];
	_ =	sdelay $0x4  }
0x1c0: {  	[tilespmem:s2+$0xE448] =	vst.add.f32.msk @!p1 $0xffff, v1  }
0x1c1: {  	v1 =	vld @!p1 [tilespmem:$0xE328];
	_ =	sdelay $0x4  }
0x1c2: {  	[tilespmem:s2+$0xE458] =	vst.add.f32.msk @!p1 $0xffff, v1  }
0x1c3: {  	v1 =	vld @!p1 [tilespmem:$0xE338];
	_ =	sdelay $0x4  }
0x1c4: {  	[tilespmem:s2+$0xE468] =	vst.add.f32.msk @!p1 $0xffff, v1  }
0x1c5: {  	v1 =	vld @!p1 [tilespmem:$0xE348];
	_ =	sdelay $0x4  }
0x1c6: {  	[tilespmem:s2+$0xE478] =	vst.add.f32.msk @!p1 $0xffff, v1  }
0x1c7: {  	v1 =	vld @!p1 [tilespmem:$0xE358];
	_ =	sdelay $0x4  }
0x1c8: {  	[tilespmem:s2+$0xE488] =	vst.add.f32.msk @!p1 $0xffff, v1  }
0x1c9: {  	v1 =	vld @!p1 [tilespmem:$0xE368];
	_ =	sdelay $0x4  }
0x1ca: {  	[tilespmem:s2+$0xE498] =	vst.add.f32.msk @!p1 $0xffff, v1  }
0x1cb: {  	v1 =	vld @!p1 [tilespmem:$0xE378];
	_ =	sdelay $0x4  }
0x1cc: {  	[tilespmem:s2+$0xE4A8] =	vst.add.f32.msk @!p1 $0xffff, v1  }
0x1cd: {  	v1 =	vld @!p1 [tilespmem:$0xE388];
	_ =	sdelay $0x4  }
0x1ce: {  	[tilespmem:s2+$0xE4B8] =	vst.add.f32.msk @!p1 $0xffff, v1  }
0x1cf: {  	v1 =	vld @!p1 [tilespmem:$0xE398];
	_ =	sdelay $0x4  }
0x1d0: {  	[tilespmem:s2+$0xE4C8] =	vst.add.f32.msk @!p1 $0xffff, v1  }
0x1d1: {  	v1 =	vld @!p1 [tilespmem:$0xE3A8];
	_ =	sdelay $0x4  }
0x1d2: {  	[tilespmem:s2+$0xE4D8] =	vst.add.f32.msk @!p1 $0xffff, v1  }
0x1d3: {  	v1 =	vld @!p1 [tilespmem:$0xE3B8];
	_ =	sdelay $0x4  }
0x1d4: {  	[tilespmem:s2+$0xE4E8] =	vst.add.f32.msk @!p1 $0xffff, v1  }
0x1d5: {  	v1 =	vld @!p1 [tilespmem:$0xE3C8];
	_ =	sdelay $0x4  }
0x1d6: {  	[tilespmem:s2+$0xE4F8] =	vst.add.f32.msk @!p1 $0xffff, v1  }
0x1d7: {  	v1 =	vld @!p1 [tilespmem:$0xE3D8];
	_ =	sdelay $0x4  }
0x1d8: {  	[tilespmem:s2+$0xE508] =	vst.add.f32.msk @!p1 $0xffff, v1  }
0x1d9: {  	v1 =	vld @!p1 [tilespmem:$0xE3E8];
	_ =	sdelay $0x4  }
0x1da: {  	[tilespmem:s2+$0xE518] =	vst.add.f32.msk @!p1 $0xffff, v1  }
0x1db: {  	v1 =	vld @!p1 [tilespmem:$0xE3F8];
	_ =	sdelay $0x4  }
0x1dc: {  	[tilespmem:s2+$0xE528] =	vst.add.f32.msk @!p1 $0xffff, v1  }
0x1dd: {  	s0 =	sshrl.u32 s0, $0x2;
	[tilespmem:s6+$0xE418] =	vst.msk $0x1, v0  }
0x1de: {  	v0 =	vld [tilespmem:s0+$0xE438];
	_ =	sdelay $0x2  }
0x1df: {  	s31 =	sshll.u32 s6, $0xA  }
0x1e0: {  	s2 =	sshra.s32 s31, $0x2  }
0x1e1: {  	[tilespmem:s2+$0xE438] =	vst v0  }
0x1e2: {  	v0 =	vld [tilespmem:s0+$0xE448];
	_ =	sdelay $0x4  }
0x1e3: {  	[tilespmem:s2+$0xE448] =	vst v0  }
0x1e4: {  	v0 =	vld [tilespmem:s0+$0xE458];
	_ =	sdelay $0x4  }
0x1e5: {  	[tilespmem:s2+$0xE458] =	vst v0  }
0x1e6: {  	v0 =	vld [tilespmem:s0+$0xE468];
	_ =	sdelay $0x4  }
0x1e7: {  	[tilespmem:s2+$0xE468] =	vst v0  }
0x1e8: {  	v0 =	vld [tilespmem:s0+$0xE478];
	_ =	sdelay $0x4  }
0x1e9: {  	[tilespmem:s2+$0xE478] =	vst v0  }
0x1ea: {  	v0 =	vld [tilespmem:s0+$0xE488];
	_ =	sdelay $0x4  }
0x1eb: {  	[tilespmem:s2+$0xE488] =	vst v0  }
0x1ec: {  	v0 =	vld [tilespmem:s0+$0xE498];
	_ =	sdelay $0x4  }
0x1ed: {  	[tilespmem:s2+$0xE498] =	vst v0  }
0x1ee: {  	v0 =	vld [tilespmem:s0+$0xE4A8];
	_ =	sdelay $0x4  }
0x1ef: {  	[tilespmem:s2+$0xE4A8] =	vst v0  }
0x1f0: {  	v0 =	vld [tilespmem:s0+$0xE4B8];
	_ =	sdelay $0x4  }
0x1f1: {  	[tilespmem:s2+$0xE4B8] =	vst v0  }
0x1f2: {  	v0 =	vld [tilespmem:s0+$0xE4C8];
	_ =	sdelay $0x4  }
0x1f3: {  	[tilespmem:s2+$0xE4C8] =	vst v0  }
0x1f4: {  	v0 =	vld [tilespmem:s0+$0xE4D8];
	_ =	sdelay $0x4  }
0x1f5: {  	[tilespmem:s2+$0xE4D8] =	vst v0  }
0x1f6: {  	v0 =	vld [tilespmem:s0+$0xE4E8];
	_ =	sdelay $0x4  }
0x1f7: {  	[tilespmem:s2+$0xE4E8] =	vst v0  }
0x1f8: {  	v0 =	vld [tilespmem:s0+$0xE4F8];
	_ =	sdelay $0x4  }
0x1f9: {  	[tilespmem:s2+$0xE4F8] =	vst v0  }
0x1fa: {  	v0 =	vld [tilespmem:s0+$0xE508];
	_ =	sdelay $0x4  }
0x1fb: {  	[tilespmem:s2+$0xE508] =	vst v0  }
0x1fc: {  	v0 =	vld [tilespmem:s0+$0xE518];
	_ =	sdelay $0x4  }
0x1fd: {  	[tilespmem:s2+$0xE518] =	vst v0  }
0x1fe: {  	v0 =	vld [tilespmem:s0+$0xE528];
	_ =	sdelay $0x4  }
0x1ff: {  	s6 =	sadd.s32 $0x1, s6;
	[tilespmem:s2+$0xE528] =	vst v0  }
.LBB2_39:
0x200: {  	s12 =	sadd.s32 $0x1, s12  }
0x201: {  	p1 =	sne.s32 s12, $0x20  }
.Ltmp26:
0x202: {  	_ = 	snop;
	(pc) =	sbr.rel @!p1 .LBB2_40-.Ltmp26, $1  }
0x203: {  	_ =	sdelay $0x3  }
.LBB2_32:
0x204: {  	v0 =	vld.msk [tilespmem:s12+$0xE418], $0x1;
	_ =	sdelay $0x4  }
0x205: {  	(v2sf) =	vpush v0, $0x0;
	_ =	sdelay $0xe  }
0x206: {  	s0 =	spop (v2sf)  }
0x207: {  	p1 =	seq.s32 s0, $0xFFFFFFFF  }
.Ltmp27:
0x208: {  	_ = 	snop;
	(pc) =	sbr.rel @p1 .LBB2_39-.Ltmp27, $1  }
0x209: {  	_ =	sdelay $0x3  }
0x20a: {  	p1 =	slt.s32 s6, $0x1  }
.Ltmp28:
0x20b: {  	_ = 	snop;
	(pc) =	sbr.rel @p1 .LBB2_38-.Ltmp28, $1  }
0x20c: {  	_ =	sdelay $0x3  }
0x20d: {  	s4 =	simm.s32 $0xE418;
	p1 =	por $0x0, $0x0  }
0x20e: {  	v1 =	vld.msk @!p1 [tilespmem:s4+$0x0], $0x1;
	_ =	sdelay $0x4  }
0x20f: {  	(v2sf) =	vpush @!p1 v1, $0x0;
	_ =	sdelay $0xd  }
0x210: {  	p3 =	sne.s32 s6, $0x1  }
.Ltmp29:
0x211: {  	s2 =	spop @!p1 (v2sf);
	(pc) =	sbr.rel @!p3 .LBB2_36-.Ltmp29, $4  }
0x212: {  	p2 =	seq.s32 @!p1 s0, s2  }
0x213: {  	s5 =	simm.s32 $0x0;
	p2 =	por !p2, p1  }
0x214: {  	s2 =	simm.s32 $0xFFFFFFFF;
	s5 =	simm.s32 @p2 $0xFFFFFFFF  }
0x215: {  	s13 =	simm.s32 $0x1;
	s5 =	smov.u32 @p1 s2  }
.LBB2_35:
0x216: {  	s2 =	smov.u32 s5;
	p1 =	sne.s32 s5, $0xFFFFFFFF  }
0x217: {  	s4 =	sadd.s32 $0x1, s4;
	s5 =	smov.u32 s13;
	s13 =	sadd.s32 $0x1, s13  }
0x218: {  	p2 =	sne.s32 s6, s13;
	v1 =	vld.msk @!p1 [tilespmem:s4+$0x0], $0x1;
	_ =	sdelay $0x4  }
0x219: {  	(v2sf) =	vpush @!p1 v1, $0x0;
	_ =	sdelay $0xe  }
.Ltmp30:
0x21a: {  	s3 =	spop @!p1 (v2sf);
	(pc) =	sbr.rel @p2 .LBB2_35-.Ltmp30, $4  }
0x21b: {  	p3 =	seq.s32 @!p1 s0, s3  }
0x21c: {  	p3 =	por !p3, p1  }
0x21d: {  	s5 =	simm.s32 @p3 $0xFFFFFFFF  }
0x21e: {  	s5 =	smov.u32 @p1 s2  }
.LBB2_36:
0x21f: {  	p1 =	seq.s32 s5, $0xFFFFFFFF  }
.Ltmp31:
0x220: {  	_ = 	snop;
	(pc) =	sbr.rel @p1 .LBB2_38-.Ltmp31, $1  }
0x221: {  	_ =	sdelay $0x3  }
0x222: {  	s0 =	sshll.u32 s12, $0x8  }
0x223: {  	s0 =	sand.u32 $0x3FFFFF00, s0  }
0x224: {  	v0 =	vld [tilespmem:s0+$0xE438];
	_ =	sdelay $0x2  }
0x225: {  	s2 =	sshll.u32 s5, $0xA  }
0x226: {  	s2 =	sshra.s32 s2, $0x2  }
0x227: {  	[tilespmem:s2+$0xE438] =	vst.add.f32.msk $0xffff, v0  }
0x228: {  	v0 =	vld [tilespmem:s0+$0xE448];
	_ =	sdelay $0x4  }
0x229: {  	[tilespmem:s2+$0xE448] =	vst.add.f32.msk $0xffff, v0  }
0x22a: {  	v0 =	vld [tilespmem:s0+$0xE458];
	_ =	sdelay $0x4  }
0x22b: {  	[tilespmem:s2+$0xE458] =	vst.add.f32.msk $0xffff, v0  }
0x22c: {  	v0 =	vld [tilespmem:s0+$0xE468];
	_ =	sdelay $0x4  }
0x22d: {  	[tilespmem:s2+$0xE468] =	vst.add.f32.msk $0xffff, v0  }
0x22e: {  	v0 =	vld [tilespmem:s0+$0xE478];
	_ =	sdelay $0x4  }
0x22f: {  	[tilespmem:s2+$0xE478] =	vst.add.f32.msk $0xffff, v0  }
0x230: {  	v0 =	vld [tilespmem:s0+$0xE488];
	_ =	sdelay $0x4  }
0x231: {  	[tilespmem:s2+$0xE488] =	vst.add.f32.msk $0xffff, v0  }
0x232: {  	v0 =	vld [tilespmem:s0+$0xE498];
	_ =	sdelay $0x4  }
0x233: {  	[tilespmem:s2+$0xE498] =	vst.add.f32.msk $0xffff, v0  }
0x234: {  	v0 =	vld [tilespmem:s0+$0xE4A8];
	_ =	sdelay $0x4  }
0x235: {  	[tilespmem:s2+$0xE4A8] =	vst.add.f32.msk $0xffff, v0  }
0x236: {  	v0 =	vld [tilespmem:s0+$0xE4B8];
	_ =	sdelay $0x4  }
0x237: {  	[tilespmem:s2+$0xE4B8] =	vst.add.f32.msk $0xffff, v0  }
0x238: {  	v0 =	vld [tilespmem:s0+$0xE4C8];
	_ =	sdelay $0x4  }
0x239: {  	[tilespmem:s2+$0xE4C8] =	vst.add.f32.msk $0xffff, v0  }
0x23a: {  	v0 =	vld [tilespmem:s0+$0xE4D8];
	_ =	sdelay $0x4  }
0x23b: {  	[tilespmem:s2+$0xE4D8] =	vst.add.f32.msk $0xffff, v0  }
0x23c: {  	v0 =	vld [tilespmem:s0+$0xE4E8];
	_ =	sdelay $0x4  }
0x23d: {  	[tilespmem:s2+$0xE4E8] =	vst.add.f32.msk $0xffff, v0  }
0x23e: {  	v0 =	vld [tilespmem:s0+$0xE4F8];
	_ =	sdelay $0x4  }
0x23f: {  	[tilespmem:s2+$0xE4F8] =	vst.add.f32.msk $0xffff, v0  }
0x240: {  	v0 =	vld [tilespmem:s0+$0xE508];
	_ =	sdelay $0x4  }
0x241: {  	[tilespmem:s2+$0xE508] =	vst.add.f32.msk $0xffff, v0  }
0x242: {  	v0 =	vld [tilespmem:s0+$0xE518];
	_ =	sdelay $0x4  }
0x243: {  	[tilespmem:s2+$0xE518] =	vst.add.f32.msk $0xffff, v0  }
0x244: {  	v0 =	vld [tilespmem:s0+$0xE528]  }
.Ltmp32:
0x245: {  	_ = 	snop;
	(pc) =	sbr.rel .LBB2_39-.Ltmp32, $2  }
0x246: {  	_ =	sdelay $0x2  }
0x247: {  	[tilespmem:s2+$0xE528] =	vst.add.f32.msk $0xffff, v0  }
.LBB2_40:
0x248: {  	s0 =	simm.s32 $0x6;
	p1 =	seq.s32 s6, $0x0  }
0x249: {  	[sflag:s0] =	ssyncpa.u1 $0x1;
	v0 =	vimm.s32 @p1 $0xFFFFFFFF  }
0x24a: {  	s0 =	sadd.s32 $0xFFFFFFFF, s6;
	[tilespmem:$0x10438] =	vst @p1 v0  }
0x24b: {  	v0 =	vld.msk @!p1 [tilespmem:s0+$0xE418], $0x1;
	_ =	sdelay $0x1  }
0x24c: {  	v1 =	vld.msk @!p1 [tilespmem:$0xE418], $0x1;
	_ =	sdelay $0x2  }
0x24d: {  	p2 =	seq.s32 @!p1 s0, $0x0;
	v0 =	vbroadcast @!p1 v0, $0x0  }
0x24e: {  	vm0 =	vmmov @!p1 $0x1;
	p2 =	por !p2, p1  }
0x24f: {  	v1 =	vnsel @!p1 vm0, $0xFFFFFFFF, v1;
	vm0 =	vcmask @!p1 $0x308;
	v0 =	vpsel !p2, $0xFFFFFFFF, v0  }
0x250: {  	p2 =	sne.s32 @!p1 s8, s7;
	v0 =	vsel @!p1 vm0, v1, v0  }
0x251: {  	s2 =	simm.s32 @!p1 $0xE438;
	s3 =	simm.s32 @!p1 $0x0;
	p3 =	por !p2, p1;
	[tilespmem:$0x10438] =	vst @!p1 v0  }
0x252: {  	[spmem:s3] =	stream.linear.scatter @!p1 [tilespmem:s2], [sflag:$0x1], $0x100, $0x38;
	[tilespmem:$0x1E678] =	vst v63  }
0x253: {  	s2 =	sshll.u32 @!p3 s0, $0xA  }
0x254: {  	s2 =	sshra.s32 @!p3 s2, $0x2  }
0x255: {  	s3 =	simm.s32 @!p3 $0x100;
	s2 =	sadd.s32 @!p3 $0xE438, s2  }
0x256: {  	[spmem:s3] =	stream.linear.scatter @!p3 [tilespmem:s2], [sflag:$0x1], $0x100, $0x38;
	[tilespmem:$0x1E678] =	vst v63  }
0x257: {  	s2 =	simm.s32 @!p3 $0x1  }
0x258: {  	_ =	swait.ge @!p3 [sflag:s2], $0x200  }
0x259: {  	p1 =	por p2, p1;
	[sflag:s2] =	ssyncset.done @!p3 $0x0  }
0x25a: {  	[sflag:s2] =	ssyncadd.s32 @!p3 $0xFFFFFE00;
	s2 =	simm.s32 @!p1 $0x1  }
0x25b: {  	_ =	swait.ge @!p1 [sflag:s2], $0x100  }
0x25c: {  	s29 =	simm.s32 $0x10438;
	[sflag:s2] =	ssyncset.done @!p1 $0x0  }
0x25d: {  	s30 =	simm.s32 $0x2000;
	s31 =	simm.s32 $0x1;
	[sflag:s2] =	ssyncadd.s32 @!p1 $0xFFFFFF00  }
0x25e: {  	[spmem:s30] =	stream.linear.scatter [tilespmem:s29], [sflag:$0x1], $0x10, $0x38;
	[tilespmem:$0x1E678] =	vst v63  }
0x25f: {  	_ =	swait.ge [sflag:s31], $0x10  }
0x260: {  	[sflag:s31] =	ssyncset.done $0x0  }
0x261: {  	p1 =	seq.s32 s14, $0x0;
	s9 =	rddreg [dreg:$0x1];
	[sflag:s31] =	ssyncadd.s32 $0xFFFFFFF0  }
0x262: {  	s3 =	sshll.u32 @p1 s9, $0xE;
	s8 =	rddreg [dreg:$0x2]  }
0x263: {  	s2 =	sadd.s32 @p1 $0x15C3C, s3;
	s3 =	sshll.u32 @p1 s8, $0x11  }
0x264: {  	_ =	sfence.stream.spmem;
	s2 =	sor.u32 @p1 s3, s2  }
0x265: {  	[sflag:s2] =	ssyncadd.remote.s32 @p1 $0x1;
	s2 =	simm.s32 @p1 $0x4  }
0x266: {  	s4 =	simm.s32 @!p1 $0x3C;
	s3 =	sand.u32 $0xFFFFFFFE, s9;
	_ =	swait.ge @p1 [sflag:s2], $0x42  }
0x267: {  	s5 =	simm.s32 @!p1 $0x0;
	s3 =	sadd.s32 @!p1 $0x4, s3;
	[sflag:s2] =	ssyncset.done @p1 $0x0  }
0x268: {  	s7 =	simm.s32 @!p1 $0x200;
	[sflag:s2] =	ssyncadd.s32 @p1 $0xFFFFFFBE;
	s2 =	sshll.u32 @!p1 s3, $0x1A  }
0x269: {  	s3 =	sshll.u32 @!p1 s3, $0xD;
	s2 =	sor.u32 @!p1 s2, s8;
	_ =	swait.eq @!p1 [sflag:s4], $0x1  }
0x26a: {  	s3 =	sor.u32 @!p1 $0x1C04, s3;
	s4 =	simm.s32 @!p1 $0x1C03;
	s2 =	sor.u32 @!p1 $0x80004000, s2  }
0x26b: {  	[spmem:s7], [sflag:s3] =	dma.general @!p1 [spmem:s5], [sflag:s4], length:$0x40, [dreg:$0x0], stride_count:$0x0, ici_dest:s2, dma_misc:DstOpCode:WRITE  }
0x26c: {  	p2 =	slt.s32 s0, $0x2;
	s5 =	simm.s32 @!p1 $0x400;
	s7 =	simm.s32 @!p1 $0x402  }
0x26d: {  	[spmem:s7], [sflag:s3] =	dma.general @!p1 [spmem:s5], [sflag:s4], length:$0x2, [dreg:$0x0], stride_count:$0x0, ici_dest:s2, dma_misc:DstOpCode:WRITE  }
.Ltmp33:
0x26e: {  	s2 =	simm.s32 @!p1 $0x3;
	(pc) =	sbr.rel @p2 .LBB2_44-.Ltmp33, $4  }
0x26f: {  	s3 =	sshll.u32 @!p1 s9, $0xE;
	_ =	swait.ge @!p1 [sflag:s2], $0x42  }
0x270: {  	s4 =	sshll.u32 @!p1 s8, $0x11;
	s3 =	sadd.s32 @!p1 $0x11C3C, s3;
	[sflag:s2] =	ssyncset.done @!p1 $0x0  }
0x271: {  	[sflag:s2] =	ssyncadd.s32 @!p1 $0xFFFFFFBE;
	s2 =	sor.u32 @!p1 s4, s3  }
0x272: {  	s0 =	simm.s32 $0x0;
	[sflag:s2] =	ssyncadd.remote.s32 @!p1 $0xFFFFFFFF  }
0x273: {  	s0 =	simm.s32 $0xE419  }
0x274: {  	v0 =	vld.msk [tilespmem:s0+$0x0], $0x1;
	_ =	sdelay $0x4  }
0x275: {  	(v2sf) =	vpush v0, $0x0;
	_ =	sdelay $0xd  }
0x276: {  	s31 =	sadd.s32 $0xFFFFFFFE, s6  }
0x277: {  	s6 =	simm.s32 $0x0;
	s0 =	sadd.s32 $0xFFFFFFFF, s31;
	s2 =	spop (v2sf)  }
0x278: {  	s3 =	simm.s32 $0xE538;
	p1 =	sne.s32 s0, $0x0;
	p2 =	sgt.u32 s2, $0x270F70  }
.Ltmp34:
0x279: {  	s4 =	simm.s32 $0xE638;
	s5 =	sand.u32 @!p2 $0x3FFFF8, s2;
	(pc) =	sbr.rel @!p1 .LBB2_43-.Ltmp34, $4  }
0x27a: {  	s7 =	sadd.s32 @!p2 $0x80, s2;
	s2 =	sand.u32 @!p2 $0x7, s2;
	s6 =	simm.s32 @!p2 $0x400  }
0x27b: {  	s5 =	sadd.s32 @!p2 s1, s5;
	s7 =	sand.u32 @!p2 $0x7FFFF8, s7;
	s6 =	sadd.s32 $0x0, s6  }
0x27c: {  	[hbm4b:s5+s2] =	stream.linear.scatter @!p2 [tilespmem:s3], [sflag:$0x5], $0x80, $0x38;
	[tilespmem:$0x1E678] =	vst v63  }
0x27d: {  	s5 =	simm.s32 $0xE41A;
	s3 =	simm.s32 @!p2 $0xE5B8;
	s7 =	sadd.s32 @!p2 s1, s7  }
.LBB2_42:
0x27e: {  	[hbm4b:s7+s2] =	stream.linear.scatter @!p2 [tilespmem:s3], [sflag:$0x5], $0x80, $0x38;
	[tilespmem:$0x1E678] =	vst v63  }
0x27f: {  	s0 =	sadd.s32 $0xFFFFFFFF, s0;
	s3 =	smov.u32 s4;
	v0 =	vld.msk [tilespmem:s5+$0x0], $0x1  }
0x280: {  	p1 =	sne.s32 s0, $0x0;
	_ =	sdelay $0x3  }
0x281: {  	(v2sf) =	vpush v0, $0x0;
	_ =	sdelay $0xe  }
0x282: {  	s4 =	sadd.s32 $0x100, s4;
	s8 =	simm.s32 $0x0;
	s2 =	spop (v2sf)  }
.Ltmp35:
0x283: {  	s5 =	sadd.s32 $0x1, s5;
	p2 =	sgt.u32 s2, $0x270F70;
	(pc) =	sbr.rel @p1 .LBB2_42-.Ltmp35, $4  }
0x284: {  	s8 =	simm.s32 @!p2 $0x400;
	s7 =	sand.u32 @!p2 $0x3FFFF8, s2;
	s9 =	sadd.s32 @!p2 $0x80, s2  }
0x285: {  	s2 =	sand.u32 @!p2 $0x7, s2;
	s7 =	sadd.s32 @!p2 s1, s7;
	s9 =	sand.u32 @!p2 $0x7FFFF8, s9  }
0x286: {  	[hbm4b:s7+s2] =	stream.linear.scatter @!p2 [tilespmem:s3], [sflag:$0x5], $0x80, $0x38;
	[tilespmem:$0x1E678] =	vst v63  }
0x287: {  	s6 =	sadd.s32 s6, s8;
	s3 =	sadd.s32 @!p2 $0x80, s3;
	s7 =	sadd.s32 @!p2 s1, s9  }
.LBB2_43:
0x288: {  	[hbm4b:s7+s2] =	stream.linear.scatter @!p2 [tilespmem:s3], [sflag:$0x5], $0x80, $0x38;
	[tilespmem:$0x1E678] =	vst v63  }
0x289: {  	s0 =	sshrl.u32 s6, $0x2  }
.LBB2_44:
0x28a: {  	s2 =	simm.s32 $0x5  }
0x28b: {  	_ =	swait.ge [sflag:s2], s0  }
0x28c: {  	s31 =	ssub.s32 $0x0, s0;
	[sflag:s2] =	ssyncset.done $0x0  }
0x28d: {  	[sflag:s2] =	ssyncadd.s32 s31  }
0x28e: {  	[sflag:s2] =	ssyncpa.u1 $0x1  }
.LBB2_45:
0x28f: {  	s0 =	sor.u32 s14, s15  }
0x290: {  	p1 =	sne.s32 s0, $0x0  }
.Ltmp36:
0x291: {  	_ = 	snop;
	(pc) =	sbr.rel @p1 .LBB2_60-.Ltmp36, $3  }
0x292: {  	_ =	sdelay $0x1  }
0x293: {  	[bflag:$0x0] =	sbarrier.arrive $0xFFFF  }
0x294: {  	_ =	sfence  }
0x295: {  	s0 =	simm.s32 $0x7  }
0x296: {  	s2 =	simm.s32 $0x2000;
	s3 =	simm.s32 $0xE418;
	[sflag:s0] =	ssyncpa.u1 $0x0  }
0x297: {  	[tilespmem:s3], [sflag:$0x7] =	stream.linear.gather [spmem:s2], $0x20, $0x38;
	[tilespmem:$0x1E678] =	vst v63  }
0x298: {  	s30 =	simm.s32 $0xE438;
	s2 =	simm.s32 $0x0  }
0x299: {  	[tilespmem:s30], [sflag:$0x7] =	stream.linear.gather [spmem:s2], $0x2000, $0x38;
	[tilespmem:$0x1E678] =	vst v63  }
.Ltmp37:
0x29a: {  	_ = 	snop;
	(pc) =	sbr.rel .LBB2_47-.Ltmp37, $4  }
0x29b: {  	_ =	swait.ge [sflag:s0], $0x2020  }
0x29c: {  	[sflag:s0] =	ssyncset.done $0x0  }
0x29d: {  	s31 =	simm.s32 $0x8;
	[sflag:s0] =	ssyncadd.s32 $0xFFFFDFE0  }
0x29e: {  	s3 =	simm.s32 $0x0;
	[sflag:s31] =	ssyncpa.u1 $0x0  }
.LBB2_53:
0x29f: {  	p1 =	slt.u32 s0, $0x270F71  }
0x2a0: {  	s4 =	sand.u32 @p1 $0x3FFFF8, s0;
	s5 =	sand.u32 @p1 $0x7, s0;
	s0 =	sadd.s32 @p1 $0x80, s0  }
0x2a1: {  	s6 =	simm.s32 @p1 $0xE308;
	s4 =	sadd.s32 @p1 s1, s4;
	s0 =	sand.u32 @p1 $0x7FFFF8, s0  }
0x2a2: {  	[tilespmem:s6], [sflag:$0x8] =	stream.linear.gather @p1 [hbm4b:s4+s5], $0x80, $0x38;
	[tilespmem:$0x1E678] =	vst v63  }
0x2a3: {  	s0 =	sadd.s32 @p1 s1, s0;
	s4 =	simm.s32 @p1 $0xE388  }
0x2a4: {  	[tilespmem:s4], [sflag:$0x8] =	stream.linear.gather @p1 [hbm4b:s0+s5], $0x80, $0x38;
	[tilespmem:$0x1E678] =	vst v63  }
0x2a5: {  	s0 =	simm.s32 @p1 $0x8  }
0x2a6: {  	_ =	swait.ge @p1 [sflag:s0], $0x100  }
0x2a7: {  	[sflag:s0] =	ssyncset.done @p1 $0x0  }
0x2a8: {  	[sflag:s0] =	ssyncadd.s32 @p1 $0xFFFFFF00  }
0x2a9: {  	v1 =	vld @p1 [tilespmem:$0xE308];
	_ =	sdelay $0x2  }
0x2aa: {  	s0 =	sshll.u32 @p1 s3, $0xA  }
0x2ab: {  	s4 =	sshrl.u32 @p1 s0, $0x2  }
0x2ac: {  	[tilespmem:s4+$0xE438] =	vst.add.f32.msk @p1 $0xffff, v1  }
0x2ad: {  	v1 =	vld @p1 [tilespmem:$0xE318];
	_ =	sdelay $0x4  }
0x2ae: {  	[tilespmem:s4+$0xE448] =	vst.add.f32.msk @p1 $0xffff, v1  }
0x2af: {  	v1 =	vld @p1 [tilespmem:$0xE328];
	_ =	sdelay $0x4  }
0x2b0: {  	[tilespmem:s4+$0xE458] =	vst.add.f32.msk @p1 $0xffff, v1  }
0x2b1: {  	v1 =	vld @p1 [tilespmem:$0xE338];
	_ =	sdelay $0x4  }
0x2b2: {  	[tilespmem:s4+$0xE468] =	vst.add.f32.msk @p1 $0xffff, v1  }
0x2b3: {  	v1 =	vld @p1 [tilespmem:$0xE348];
	_ =	sdelay $0x4  }
0x2b4: {  	[tilespmem:s4+$0xE478] =	vst.add.f32.msk @p1 $0xffff, v1  }
0x2b5: {  	v1 =	vld @p1 [tilespmem:$0xE358];
	_ =	sdelay $0x4  }
0x2b6: {  	[tilespmem:s4+$0xE488] =	vst.add.f32.msk @p1 $0xffff, v1  }
0x2b7: {  	v1 =	vld @p1 [tilespmem:$0xE368];
	_ =	sdelay $0x4  }
0x2b8: {  	[tilespmem:s4+$0xE498] =	vst.add.f32.msk @p1 $0xffff, v1  }
0x2b9: {  	v1 =	vld @p1 [tilespmem:$0xE378];
	_ =	sdelay $0x4  }
0x2ba: {  	[tilespmem:s4+$0xE4A8] =	vst.add.f32.msk @p1 $0xffff, v1  }
0x2bb: {  	v1 =	vld @p1 [tilespmem:$0xE388];
	_ =	sdelay $0x4  }
0x2bc: {  	[tilespmem:s4+$0xE4B8] =	vst.add.f32.msk @p1 $0xffff, v1  }
0x2bd: {  	v1 =	vld @p1 [tilespmem:$0xE398];
	_ =	sdelay $0x4  }
0x2be: {  	[tilespmem:s4+$0xE4C8] =	vst.add.f32.msk @p1 $0xffff, v1  }
0x2bf: {  	v1 =	vld @p1 [tilespmem:$0xE3A8];
	_ =	sdelay $0x4  }
0x2c0: {  	[tilespmem:s4+$0xE4D8] =	vst.add.f32.msk @p1 $0xffff, v1  }
0x2c1: {  	v1 =	vld @p1 [tilespmem:$0xE3B8];
	_ =	sdelay $0x4  }
0x2c2: {  	[tilespmem:s4+$0xE4E8] =	vst.add.f32.msk @p1 $0xffff, v1  }
0x2c3: {  	v1 =	vld @p1 [tilespmem:$0xE3C8];
	_ =	sdelay $0x4  }
0x2c4: {  	[tilespmem:s4+$0xE4F8] =	vst.add.f32.msk @p1 $0xffff, v1  }
0x2c5: {  	v1 =	vld @p1 [tilespmem:$0xE3D8];
	_ =	sdelay $0x4  }
0x2c6: {  	[tilespmem:s4+$0xE508] =	vst.add.f32.msk @p1 $0xffff, v1  }
0x2c7: {  	v1 =	vld @p1 [tilespmem:$0xE3E8];
	_ =	sdelay $0x4  }
0x2c8: {  	[tilespmem:s4+$0xE518] =	vst.add.f32.msk @p1 $0xffff, v1  }
0x2c9: {  	v1 =	vld @p1 [tilespmem:$0xE3F8];
	_ =	sdelay $0x3  }
0x2ca: {  	s5 =	sshll.u32 @!p1 s3, $0xA  }
0x2cb: {  	s5 =	smov.u32 @p1 s0;
	[tilespmem:s4+$0xE528] =	vst.add.f32.msk @p1 $0xffff, v1  }
0x2cc: {  	s0 =	sshrl.u32 s5, $0x2;
	[tilespmem:s2+$0xE418] =	vst.msk $0x1, v0  }
0x2cd: {  	v0 =	vld [tilespmem:s0+$0xE438];
	_ =	sdelay $0x2  }
0x2ce: {  	s31 =	sshll.u32 s2, $0xA  }
0x2cf: {  	s4 =	sshra.s32 s31, $0x2  }
0x2d0: {  	[tilespmem:s4+$0xE438] =	vst v0  }
0x2d1: {  	v0 =	vld [tilespmem:s0+$0xE448];
	_ =	sdelay $0x4  }
0x2d2: {  	[tilespmem:s4+$0xE448] =	vst v0  }
0x2d3: {  	v0 =	vld [tilespmem:s0+$0xE458];
	_ =	sdelay $0x4  }
0x2d4: {  	[tilespmem:s4+$0xE458] =	vst v0  }
0x2d5: {  	v0 =	vld [tilespmem:s0+$0xE468];
	_ =	sdelay $0x4  }
0x2d6: {  	[tilespmem:s4+$0xE468] =	vst v0  }
0x2d7: {  	v0 =	vld [tilespmem:s0+$0xE478];
	_ =	sdelay $0x4  }
0x2d8: {  	[tilespmem:s4+$0xE478] =	vst v0  }
0x2d9: {  	v0 =	vld [tilespmem:s0+$0xE488];
	_ =	sdelay $0x4  }
0x2da: {  	[tilespmem:s4+$0xE488] =	vst v0  }
0x2db: {  	v0 =	vld [tilespmem:s0+$0xE498];
	_ =	sdelay $0x4  }
0x2dc: {  	[tilespmem:s4+$0xE498] =	vst v0  }
0x2dd: {  	v0 =	vld [tilespmem:s0+$0xE4A8];
	_ =	sdelay $0x4  }
0x2de: {  	[tilespmem:s4+$0xE4A8] =	vst v0  }
0x2df: {  	v0 =	vld [tilespmem:s0+$0xE4B8];
	_ =	sdelay $0x4  }
0x2e0: {  	[tilespmem:s4+$0xE4B8] =	vst v0  }
0x2e1: {  	v0 =	vld [tilespmem:s0+$0xE4C8];
	_ =	sdelay $0x4  }
0x2e2: {  	[tilespmem:s4+$0xE4C8] =	vst v0  }
0x2e3: {  	v0 =	vld [tilespmem:s0+$0xE4D8];
	_ =	sdelay $0x4  }
0x2e4: {  	[tilespmem:s4+$0xE4D8] =	vst v0  }
0x2e5: {  	v0 =	vld [tilespmem:s0+$0xE4E8];
	_ =	sdelay $0x4  }
0x2e6: {  	[tilespmem:s4+$0xE4E8] =	vst v0  }
0x2e7: {  	v0 =	vld [tilespmem:s0+$0xE4F8];
	_ =	sdelay $0x4  }
0x2e8: {  	[tilespmem:s4+$0xE4F8] =	vst v0  }
0x2e9: {  	v0 =	vld [tilespmem:s0+$0xE508];
	_ =	sdelay $0x4  }
0x2ea: {  	[tilespmem:s4+$0xE508] =	vst v0  }
0x2eb: {  	v0 =	vld [tilespmem:s0+$0xE518];
	_ =	sdelay $0x4  }
0x2ec: {  	[tilespmem:s4+$0xE518] =	vst v0  }
0x2ed: {  	v0 =	vld [tilespmem:s0+$0xE528];
	_ =	sdelay $0x4  }
0x2ee: {  	s2 =	sadd.s32 $0x1, s2;
	[tilespmem:s4+$0xE528] =	vst v0  }
.LBB2_54:
0x2ef: {  	s3 =	sadd.s32 $0x1, s3  }
0x2f0: {  	p1 =	sne.s32 s3, $0x20  }
.Ltmp38:
0x2f1: {  	_ = 	snop;
	(pc) =	sbr.rel @!p1 .LBB2_55-.Ltmp38, $1  }
0x2f2: {  	_ =	sdelay $0x3  }
.LBB2_47:
0x2f3: {  	v0 =	vld.msk [tilespmem:s3+$0xE418], $0x1;
	_ =	sdelay $0x4  }
0x2f4: {  	(v2sf) =	vpush v0, $0x0;
	_ =	sdelay $0xe  }
0x2f5: {  	s0 =	spop (v2sf)  }
0x2f6: {  	p1 =	seq.s32 s0, $0xFFFFFFFF  }
.Ltmp39:
0x2f7: {  	_ = 	snop;
	(pc) =	sbr.rel @p1 .LBB2_54-.Ltmp39, $1  }
0x2f8: {  	_ =	sdelay $0x3  }
0x2f9: {  	p1 =	slt.s32 s2, $0x1  }
.Ltmp40:
0x2fa: {  	_ = 	snop;
	(pc) =	sbr.rel @p1 .LBB2_53-.Ltmp40, $1  }
0x2fb: {  	_ =	sdelay $0x3  }
0x2fc: {  	s4 =	simm.s32 $0xE418;
	p1 =	por $0x0, $0x0  }
0x2fd: {  	v1 =	vld.msk @!p1 [tilespmem:s4+$0x0], $0x1;
	_ =	sdelay $0x4  }
0x2fe: {  	(v2sf) =	vpush @!p1 v1, $0x0;
	_ =	sdelay $0xd  }
0x2ff: {  	p3 =	sne.s32 s2, $0x1  }
.Ltmp41:
0x300: {  	s5 =	spop @!p1 (v2sf);
	(pc) =	sbr.rel @!p3 .LBB2_51-.Ltmp41, $4  }
0x301: {  	p2 =	seq.s32 @!p1 s0, s5  }
0x302: {  	s5 =	simm.s32 $0x0;
	p2 =	por !p2, p1  }
0x303: {  	s7 =	simm.s32 $0xFFFFFFFF;
	s5 =	simm.s32 @p2 $0xFFFFFFFF  }
0x304: {  	s6 =	simm.s32 $0x1;
	s5 =	smov.u32 @p1 s7  }
.LBB2_50:
0x305: {  	s7 =	smov.u32 s5;
	p1 =	sne.s32 s5, $0xFFFFFFFF  }
0x306: {  	s4 =	sadd.s32 $0x1, s4;
	s5 =	smov.u32 s6;
	s6 =	sadd.s32 $0x1, s6  }
0x307: {  	p2 =	sne.s32 s2, s6;
	v1 =	vld.msk @!p1 [tilespmem:s4+$0x0], $0x1;
	_ =	sdelay $0x4  }
0x308: {  	(v2sf) =	vpush @!p1 v1, $0x0;
	_ =	sdelay $0xe  }
.Ltmp42:
0x309: {  	s8 =	spop @!p1 (v2sf);
	(pc) =	sbr.rel @p2 .LBB2_50-.Ltmp42, $4  }
0x30a: {  	p3 =	seq.s32 @!p1 s0, s8  }
0x30b: {  	p3 =	por !p3, p1  }
0x30c: {  	s5 =	simm.s32 @p3 $0xFFFFFFFF  }
0x30d: {  	s5 =	smov.u32 @p1 s7  }
.LBB2_51:
0x30e: {  	p1 =	seq.s32 s5, $0xFFFFFFFF  }
.Ltmp43:
0x30f: {  	_ = 	snop;
	(pc) =	sbr.rel @p1 .LBB2_53-.Ltmp43, $1  }
0x310: {  	_ =	sdelay $0x3  }
0x311: {  	s0 =	sshll.u32 s3, $0x8  }
0x312: {  	s0 =	sand.u32 $0x3FFFFF00, s0  }
0x313: {  	v0 =	vld [tilespmem:s0+$0xE438];
	_ =	sdelay $0x2  }
0x314: {  	s4 =	sshll.u32 s5, $0xA  }
0x315: {  	s4 =	sshra.s32 s4, $0x2  }
0x316: {  	[tilespmem:s4+$0xE438] =	vst.add.f32.msk $0xffff, v0  }
0x317: {  	v0 =	vld [tilespmem:s0+$0xE448];
	_ =	sdelay $0x4  }
0x318: {  	[tilespmem:s4+$0xE448] =	vst.add.f32.msk $0xffff, v0  }
0x319: {  	v0 =	vld [tilespmem:s0+$0xE458];
	_ =	sdelay $0x4  }
0x31a: {  	[tilespmem:s4+$0xE458] =	vst.add.f32.msk $0xffff, v0  }
0x31b: {  	v0 =	vld [tilespmem:s0+$0xE468];
	_ =	sdelay $0x4  }
0x31c: {  	[tilespmem:s4+$0xE468] =	vst.add.f32.msk $0xffff, v0  }
0x31d: {  	v0 =	vld [tilespmem:s0+$0xE478];
	_ =	sdelay $0x4  }
0x31e: {  	[tilespmem:s4+$0xE478] =	vst.add.f32.msk $0xffff, v0  }
0x31f: {  	v0 =	vld [tilespmem:s0+$0xE488];
	_ =	sdelay $0x4  }
0x320: {  	[tilespmem:s4+$0xE488] =	vst.add.f32.msk $0xffff, v0  }
0x321: {  	v0 =	vld [tilespmem:s0+$0xE498];
	_ =	sdelay $0x4  }
0x322: {  	[tilespmem:s4+$0xE498] =	vst.add.f32.msk $0xffff, v0  }
0x323: {  	v0 =	vld [tilespmem:s0+$0xE4A8];
	_ =	sdelay $0x4  }
0x324: {  	[tilespmem:s4+$0xE4A8] =	vst.add.f32.msk $0xffff, v0  }
0x325: {  	v0 =	vld [tilespmem:s0+$0xE4B8];
	_ =	sdelay $0x4  }
0x326: {  	[tilespmem:s4+$0xE4B8] =	vst.add.f32.msk $0xffff, v0  }
0x327: {  	v0 =	vld [tilespmem:s0+$0xE4C8];
	_ =	sdelay $0x4  }
0x328: {  	[tilespmem:s4+$0xE4C8] =	vst.add.f32.msk $0xffff, v0  }
0x329: {  	v0 =	vld [tilespmem:s0+$0xE4D8];
	_ =	sdelay $0x4  }
0x32a: {  	[tilespmem:s4+$0xE4D8] =	vst.add.f32.msk $0xffff, v0  }
0x32b: {  	v0 =	vld [tilespmem:s0+$0xE4E8];
	_ =	sdelay $0x4  }
0x32c: {  	[tilespmem:s4+$0xE4E8] =	vst.add.f32.msk $0xffff, v0  }
0x32d: {  	v0 =	vld [tilespmem:s0+$0xE4F8];
	_ =	sdelay $0x4  }
0x32e: {  	[tilespmem:s4+$0xE4F8] =	vst.add.f32.msk $0xffff, v0  }
0x32f: {  	v0 =	vld [tilespmem:s0+$0xE508];
	_ =	sdelay $0x4  }
0x330: {  	[tilespmem:s4+$0xE508] =	vst.add.f32.msk $0xffff, v0  }
0x331: {  	v0 =	vld [tilespmem:s0+$0xE518];
	_ =	sdelay $0x4  }
0x332: {  	[tilespmem:s4+$0xE518] =	vst.add.f32.msk $0xffff, v0  }
0x333: {  	v0 =	vld [tilespmem:s0+$0xE528]  }
.Ltmp44:
0x334: {  	_ = 	snop;
	(pc) =	sbr.rel .LBB2_54-.Ltmp44, $2  }
0x335: {  	_ =	sdelay $0x2  }
0x336: {  	[tilespmem:s4+$0xE528] =	vst.add.f32.msk $0xffff, v0  }
.LBB2_55:
0x337: {  	p1 =	slt.s32 s2, $0x1  }
.Ltmp45:
0x338: {  	_ = 	snop;
	(pc) =	sbr.rel @p1 .LBB2_59-.Ltmp45, $3  }
0x339: {  	_ =	sdelay $0x1  }
0x33a: {  	s0 =	simm.s32 $0x8  }
0x33b: {  	s4 =	simm.s32 $0x0;
	[sflag:s0] =	ssyncpa.u1 $0x1  }
0x33c: {  	s0 =	simm.s32 $0xE418  }
0x33d: {  	v0 =	vld.msk [tilespmem:s0+$0x0], $0x1;
	_ =	sdelay $0x4  }
0x33e: {  	(v2sf) =	vpush v0, $0x0;
	_ =	sdelay $0xe  }
0x33f: {  	s0 =	sadd.s32 $0xFFFFFFFF, s2;
	s3 =	spop (v2sf)  }
0x340: {  	s6 =	simm.s32 $0xE438;
	p1 =	sne.s32 s0, $0x0;
	p2 =	sgt.u32 s3, $0x270F70  }
.Ltmp46:
0x341: {  	s2 =	simm.s32 $0xE538;
	s5 =	sand.u32 @!p2 $0x3FFFF8, s3;
	(pc) =	sbr.rel @!p1 .LBB2_58-.Ltmp46, $4  }
0x342: {  	s7 =	sadd.s32 @!p2 $0x80, s3;
	s4 =	simm.s32 @!p2 $0x400;
	s8 =	sadd.s32 @!p2 s1, s5  }
0x343: {  	s5 =	sand.u32 @!p2 $0x7, s3;
	s3 =	simm.s32 $0xE419;
	s7 =	sand.u32 @!p2 $0x7FFFF8, s7  }
0x344: {  	[hbm4b:s8+s5] =	stream.linear.scatter @!p2 [tilespmem:s6], [sflag:$0x7], $0x80, $0x38;
	[tilespmem:$0x1E678] =	vst v63  }
0x345: {  	s4 =	sadd.s32 $0x0, s4;
	s6 =	simm.s32 @!p2 $0xE4B8;
	s7 =	sadd.s32 @!p2 s1, s7  }
.LBB2_57:
0x346: {  	[hbm4b:s7+s5] =	stream.linear.scatter @!p2 [tilespmem:s6], [sflag:$0x7], $0x80, $0x38;
	[tilespmem:$0x1E678] =	vst v63  }
0x347: {  	s0 =	sadd.s32 $0xFFFFFFFF, s0;
	s6 =	smov.u32 s2;
	v0 =	vld.msk [tilespmem:s3+$0x0], $0x1  }
0x348: {  	p1 =	sne.s32 s0, $0x0;
	_ =	sdelay $0x3  }
0x349: {  	(v2sf) =	vpush v0, $0x0;
	_ =	sdelay $0xe  }
0x34a: {  	s2 =	sadd.s32 $0x100, s2;
	s8 =	simm.s32 $0x0;
	s5 =	spop (v2sf)  }
.Ltmp47:
0x34b: {  	s3 =	sadd.s32 $0x1, s3;
	p2 =	sgt.u32 s5, $0x270F70;
	(pc) =	sbr.rel @p1 .LBB2_57-.Ltmp47, $4  }
0x34c: {  	s8 =	simm.s32 @!p2 $0x400;
	s7 =	sand.u32 @!p2 $0x3FFFF8, s5;
	s9 =	sadd.s32 @!p2 $0x80, s5  }
0x34d: {  	s5 =	sand.u32 @!p2 $0x7, s5;
	s7 =	sadd.s32 @!p2 s1, s7;
	s9 =	sand.u32 @!p2 $0x7FFFF8, s9  }
0x34e: {  	[hbm4b:s7+s5] =	stream.linear.scatter @!p2 [tilespmem:s6], [sflag:$0x7], $0x80, $0x38;
	[tilespmem:$0x1E678] =	vst v63  }
0x34f: {  	s4 =	sadd.s32 s4, s8;
	s6 =	sadd.s32 @!p2 $0x80, s6;
	s7 =	sadd.s32 @!p2 s1, s9  }
.LBB2_58:
0x350: {  	[hbm4b:s7+s5] =	stream.linear.scatter @!p2 [tilespmem:s6], [sflag:$0x7], $0x80, $0x38;
	[tilespmem:$0x1E678] =	vst v63  }
0x351: {  	s4 =	sshrl.u32 s4, $0x2  }
.LBB2_59:
0x352: {  	s0 =	simm.s32 $0x7  }
0x353: {  	_ =	swait.ge [sflag:s0], s4  }
0x354: {  	s1 =	ssub.s32 $0x0, s4;
	[sflag:s0] =	ssyncset.done $0x0  }
0x355: {  	[sflag:s0] =	ssyncadd.s32 s1  }
0x356: {  	[sflag:s0] =	ssyncpa.u1 $0x1  }
.LBB2_60:
0x357: {  	_ =	sfence;
	s0 =	simm.s32 $0x1  }
0x358: {  	[sflag:s0] =	ssyncpa.u1 $0x1  }
0x359: {  	_ =	strace $0x90000050  }
0x35a: {  	[bflag:$0x2] =	sbarrier.arrive $0xFFFF  }
0x35b: {  	s0 =	rddreg [dreg:$0x3]  }
0x35c: {  	s0 =	sadd.s32 @!p0 $0x100000, s0  }
0x35d: {  	[sflag:s0] =	ssyncadd.tile.s32 @!p0 $0x1;
	_ =	shalt  }
.Lfunc_end2:
_tile_overlayer_lowered:
.L_overlay_start_2:
0x35e: {  	(tag) =	ssettag $0x2  }
0x35f: {  	s0 =	rddreg [dreg:$0x0];
	s2 =	stileid.u32  }
0x360: {  	s1 =	rddreg [dreg:$0x1];
	p0 =	sne.s32 s2, $0x0  }
0x361: {  	s3 =	rddreg [dreg:$0x2];
	[bflag:$0x3] =	sbarrier.arrive $0xFFFF;
	s2 =	simm.s32 @!p0 $0x1C01  }
0x362: {  	[timem:s3], [sflag:s2] =	dma.local @!p0 [hbm:s0], s1  }
0x363: {  	s0 =	simm.s32 @!p0 $0x1  }
0x364: {  	_ =	swait.ge @!p0 [sflag:s0], s1  }
0x365: {  	s1 =	ssub.s32 @!p0 $0x0, s1;
	[sflag:s0] =	ssyncset.done @!p0 $0x0  }
0x366: {  	[sflag:s0] =	ssyncadd.s32 @!p0 s1  }
0x367: {  	[bflag:$0x3] =	sbarrier.arrive $0xFFFF  }
0x368: {  	_ =	shalt  }

// kernel: scatter_offload_async_start
scs
__scs_entry_jumppad:
0x0: {  	(pc) =	sbr.rel $0x88, $3  }
0x1: {  	(tag) =	ssettag $0x0;
	lr =	simm.s32 $0x1  }
0x2: {  	[smem:$0x3F96] =	sst lr;
	_ =	strace $0xD0000000  }
0x3: {  	_ = 	snop  }
0x4: {  	_ = 	snop  }
0x5: {  	_ = 	snop  }
0x6: {  	_ = 	snop  }
0x7: {  	_ = 	snop  }
__scs_overlays_trampoline_lowered:
0x8: {  	[smem:$0x3FA5] =	sst s0  }
0x9: {  	[smem:$0x3FA6] =	sst s1  }
0xa: {  	[smem:$0x3FA7] =	sst s2  }
0xb: {  	[smem:$0x3FA8] =	sst s3  }
0xc: {  	[smem:$0x3FA9] =	sst s4  }
0xd: {  	[smem:$0x3FAA] =	sst s5  }
0xe: {  	[smem:$0x3FAB] =	sst s6  }
0xf: {  	[smem:$0x3FAC] =	sst s7  }
0x10: {  	[smem:$0x3FAD] =	sst s8  }
0x11: {  	[smem:$0x3FAE] =	sst s9;
	s0 =	simm.s32 @!p0 $0x0  }
0x12: {  	s1 =	sld [smem:$0x3F94];
	s0 =	simm.s32 @p0 $0x1  }
0x13: {  	[smem:$0x3FAF] =	sst s0;
	s0 =	simm.s32 @!p1 $0x0  }
0x14: {  	s2 =	sld [smem:$0x3F93];
	s0 =	simm.s32 @p1 $0x1  }
0x15: {  	[smem:$0x3FB0] =	sst s0;
	s0 =	simm.s32 @!p2 $0x0  }
0x16: {  	s3 =	sld [smem:$0x3FDB];
	s0 =	simm.s32 @p2 $0x1  }
0x17: {  	s4 =	simm.s32 $0x1BF5;
	[smem:$0x3FB2] =	sst s0  }
0x18: {  	s0 =	sld [smem:$0x3F95];
	_ =	swait.ge [sflag:s4], $0x0  }
0x19: {  	s7 =	sld [smem:$0x3F96]  }
0x1a: {  	s8 =	sadd.s32 $0xFFFFE003, lr  }
0x1b: {  	s9 =	sadd.s32 $0xFFFFFEF7, lr;
	s5 =	simm.s32 $0xFFFFFFFF;
	p2 =	slt.u32 s8, $0xFFFFF086  }
0x1c: {  	p1 =	slt.u32 s9, $0xF7A;
	s5 =	simm.s32 @!p2 $0x0  }
0x1d: {  	s5 =	simm.s32 @p1 $0x1;
	p0 =	seq.s32 s7, s2  }
0x1e: {  	s7 =	smul.u32 @!p0 $0xF7A, s2;
	p2 =	seq.s32 @!p0 s5, $0x0  }
0x1f: {  	s9 =	smul.u32 $0xF7A, s1;
	s8 =	simm.s32 @!p0 $0x1BF5;
	p2 =	por !p2, p0  }
0x20: {  	[sflag:s8] =	ssyncset.s32 @!p0 $0xFFFFF086;
	s6 =	sadd.s32 @!p0 s3, s7;
	s7 =	simm.s32 @!p0 $0x108  }
0x21: {  	s3 =	sadd.s32 s3, s9;
	s6 =	sadd.s32 @!p0 $0x88, s6;
	s7 =	simm.s32 @p2 $0x1082  }
0x22: {  	[simem:s7], [sflag:s8] =	dma.local @!p0 [hbm:s6], $0xF7A  }
0x23: {  	s9 =	sor.u32 $0xD0000000, s2;
	s6 =	simm.s32 $0x108;
	_ =	swait.ge @!p0 [sflag:s8], $0x0  }
0x24: {  	s3 =	sadd.s32 $0x88, s3;
	s6 =	simm.s32 @!p1 $0x1082;
	[sflag:s4] =	ssyncset.s32 $0xFFFFF086  }
0x25: {  	[simem:s6], [sflag:s4] =	dma.local [hbm:s3], $0xF7A  }
0x26: {  	[smem:$0x3F96] =	sst s1;
	(tag) =	ssettag s2;
	_ =	strace s9  }
0x27: {  	s1 =	sld [smem:$0x3FA6]  }
0x28: {  	s2 =	sld [smem:$0x3FA7]  }
0x29: {  	s4 =	sld [smem:$0x3FA9]  }
0x2a: {  	p0 =	seq.s32 s5, $0x0;
	s5 =	sld [smem:$0x3FAA]  }
0x2b: {  	s6 =	sld [smem:$0x3FAB]  }
0x2c: {  	s7 =	sld [smem:$0x3FAC]  }
0x2d: {  	s3 =	simm.s32 $0x108;
	s8 =	sld [smem:$0x3FAD]  }
0x2e: {  	s3 =	simm.s32 @!p0 $0x1082;
	s9 =	sld [smem:$0x3FAE]  }
0x2f: {  	lr =	sadd.s32 s0, s3;
	s0 =	sld [smem:$0x3FA5]  }
0x30: {  	s3 =	sld [smem:$0x3FA8]  }
0x31: {  	[smem:$0x3FB1] =	sst s10  }
0x32: {  	s10 =	sld [smem:$0x3FAF];
	_ =	sdelay $0x3  }
0x33: {  	p0 =	seq.s32 s10, $0x1;
	s10 =	sld [smem:$0x3FB1];
	_ =	sdelay $0x3  }
0x34: {  	[smem:$0x3FB1] =	sst s10  }
0x35: {  	s10 =	sld [smem:$0x3FB0];
	_ =	sdelay $0x3  }
0x36: {  	p1 =	seq.s32 s10, $0x1;
	s10 =	sld [smem:$0x3FB1];
	_ =	sdelay $0x3  }
0x37: {  	[smem:$0x3FB1] =	sst s10  }
0x38: {  	s10 =	sld [smem:$0x3FB2]  }
0x39: {  	_ = 	snop;
	(pc) =	sbr.ind lr, $3  }
0x3a: {  	_ = 	snop  }
0x3b: {  	_ = 	snop  }
0x3c: {  	p2 =	seq.s32 s10, $0x1;
	s10 =	sld [smem:$0x3FB1]  }
0x3d: {  	_ =	shalt  }
0x3e: {  	_ =	shalt  }
0x3f: {  	_ =	shalt  }
0x40: {  	_ =	shalt  }
0x41: {  	_ =	shalt  }
0x42: {  	_ =	shalt  }
0x43: {  	_ =	shalt  }
0x44: {  	_ =	shalt  }
0x45: {  	_ =	shalt  }
0x46: {  	_ =	shalt  }
0x47: {  	_ =	shalt  }
0x48: {  	_ =	shalt  }
0x49: {  	_ =	shalt  }
0x4a: {  	_ =	shalt  }
0x4b: {  	_ =	shalt  }
0x4c: {  	_ =	shalt  }
0x4d: {  	_ =	shalt  }
0x4e: {  	_ =	shalt  }
0x4f: {  	_ =	shalt  }
0x50: {  	_ =	shalt  }
0x51: {  	_ =	shalt  }
0x52: {  	_ =	shalt  }
0x53: {  	_ =	shalt  }
0x54: {  	_ =	shalt  }
0x55: {  	_ =	shalt  }
0x56: {  	_ =	shalt  }
0x57: {  	_ =	shalt  }
0x58: {  	_ =	shalt  }
0x59: {  	_ =	shalt  }
0x5a: {  	_ =	shalt  }
0x5b: {  	_ =	shalt  }
0x5c: {  	_ =	shalt  }
0x5d: {  	_ =	shalt  }
0x5e: {  	_ =	shalt  }
0x5f: {  	_ =	shalt  }
0x60: {  	_ =	shalt  }
0x61: {  	_ =	shalt  }
0x62: {  	_ =	shalt  }
0x63: {  	_ =	shalt  }
0x64: {  	_ =	shalt  }
0x65: {  	_ =	shalt  }
0x66: {  	_ =	shalt  }
0x67: {  	_ =	shalt  }
0x68: {  	_ =	shalt  }
0x69: {  	_ =	shalt  }
0x6a: {  	_ =	shalt  }
0x6b: {  	_ =	shalt  }
0x6c: {  	_ =	shalt  }
0x6d: {  	_ =	shalt  }
0x6e: {  	_ =	shalt  }
0x6f: {  	_ =	shalt  }
0x70: {  	_ =	shalt  }
0x71: {  	_ =	shalt  }
0x72: {  	_ =	shalt  }
0x73: {  	_ =	shalt  }
0x74: {  	_ =	shalt  }
0x75: {  	_ =	shalt  }
0x76: {  	_ =	shalt  }
0x77: {  	_ =	shalt  }
0x78: {  	_ =	shalt  }
0x79: {  	_ =	shalt  }
0x7a: {  	_ =	shalt  }
0x7b: {  	_ =	shalt  }
0x7c: {  	_ =	shalt  }
0x7d: {  	_ =	shalt  }
0x7e: {  	_ =	shalt  }
0x7f: {  	_ =	shalt  }
0x80: {  	_ =	shalt  }
0x81: {  	_ =	shalt  }
0x82: {  	_ =	shalt  }
0x83: {  	_ =	shalt  }
0x84: {  	_ =	shalt  }
0x85: {  	_ =	shalt  }
0x86: {  	_ =	shalt  }
0x87: {  	_ =	shalt  }
.Lfunc_end0:
.L_simem_size_0:
called_computation_lowered:
.L_overlay_start_0:
0x88: {  	s0 =	sld [smem:$0x3FD9]  }
0x89: {  	s1 =	sld [smem:$0x3FFE];
	_ =	sdelay $0x3  }
0x8a: {  	s0 =	sadd.s32 s1, s0  }
0x8b: {  	[smem:$0x3FBD] =	sst s0  }
0x8c: {  	_ = 	snop  }
0x8d: {  	s0 =	sld [smem:$0x3FD0];
	(tm) =	ssettm $0x1  }
0x8e: {  	s16 =	sld [smem:$0x3FFB];
	_ =	sdelay $0x3  }
0x8f: {  	_ =	strace s16  }
0x90: {  	s1 =	sld [smem:$0x3FFC];
	_ =	sdelay $0x3  }
0x91: {  	_ =	strace s1  }
0x92: {  	s1 =	sld [smem:$0x3FFD];
	_ =	sdelay $0x3  }
0x93: {  	_ =	strace s1  }
0x94: {  	_ =	strace $0x8FFFFFFF  }
0x95: {  	s17 =	sld [smem:$0x3FDB];
	_ =	sdelay $0x1  }
0x96: {  	s2 =	simm.s32 $_scs_section_size  }
0x97: {  	s3 =	simm.s32 $_size__tile_overlayer_lowered;
	s4 =	simm.s32 $_tile_overlayer_lowered  }
0x98: {  	s20 =	simm.s32 $0x1BFF;
	s19 =	sshll.u32 s4, $0x1;
	s1 =	sadd.s32 s2, s17  }
0x99: {  	s5 =	simm.s32 $0x0;
	s18 =	sshll.u32 s3, $0x1;
	s3 =	sadd.s32 s19, s1  }
0x9a: {  	[timem:s5], [sflag:s20] =	dma.local [hbm:s3], s18  }
0x9b: {  	_ =	swait.ge [sflag:s20], s18  }
0x9c: {  	s2 =	ssub.s32 $0x0, s18;
	[sflag:s20] =	ssyncset.done $0x0  }
0x9d: {  	[sflag:s20] =	ssyncadd.s32 s2;
	_ =	sdelay $0x1  }
0x9e: {  	s21 =	simm.s32 $0x1B8B  }
0x9f: {  	_ =	swait.ge [sflag:s21], $0x1  }
0xa0: {  	[sflag:s21] =	ssyncset.done $0x0  }
0xa1: {  	s23 =	simm.s32 $0x1B8E;
	s22 =	sld [smem:$0x3FFE];
	[sflag:s21] =	ssyncadd.s32 $0xFFFFFFFF  }
0xa2: {  	s24 =	simm.s32 $execute0_lowered;
	[smem:$0x3FD2] =	sst s23  }
0xa3: {  	s3 =	sshll.u32 s24, $0x1;
	_ =	strace $0x80000046;
	[dreg:$0x1] =	wrdreg $0xFFFFFFFF  }
0xa4: {  	s25 =	simm.s32 $_size_execute0_lowered;
	s1 =	sadd.s32 s1, s3;
	[dreg:$0x0] =	wrdreg $0x0  }
0xa5: {  	s3 =	sshll.u32 s25, $0x1;
	[dreg:$0x2] =	wrdreg s1  }
0xa6: {  	[dreg:$0x3] =	wrdreg s3  }
0xa7: {  	[dreg:$0x4] =	wrdreg $0xC0  }
0xa8: {  	_ =	task [dreg:s5], $0x5FFFF  }
0xa9: {  	[dreg:$0x1] =	wrdreg $0xFFFFFFFF  }
0xaa: {  	[dreg:$0x0] =	wrdreg $0x60  }
0xab: {  	[dreg:$0x2] =	wrdreg s22  }
0xac: {  	[dreg:$0x3] =	wrdreg s0  }
0xad: {  	[dreg:$0x4] =	wrdreg $0x9  }
0xae: {  	_ =	task.clear_ibuf [dreg:s5], $0x5FFFF;
	_ =	strace $0x90000046  }
0xaf: {  	s26 =	simm.s32 $0x9;
	_ =	strace $0x80000048  }
0xb0: {  	_ =	swait.ge [sflag:s26], $0x1  }
0xb1: {  	[sflag:s26] =	ssyncadd.s32 $0xFFFFFFFF  }
0xb2: {  	_ =	strace $0x90000048  }
0xb3: {  	_ =	sfence  }
0xb4: {  	s28 =	sld [smem:$0x0];
	_ =	sdelay $0x1  }
0xb5: {  	s29 =	srdreg.scid  }
0xb6: {  	s30 =	sshll.u32 s29, $0xD;
	s31 =	sshrl.u32 s29, $0x2  }
0xb7: {  	s2 =	sand.u32 $0x4000, s30;
	s1 =	sand.u32 $0x1, s29;
	s0 =	sadd.s32 s31, s28  }
0xb8: {  	s1 =	sor.u32 s2, s1;
	s0 =	sshll.u32 s0, $0x11  }
0xb9: {  	s0 =	sor.u32 s0, s1  }
0xba: {  	s0 =	sadd.s32 $0x8F2B, s0  }
0xbb: {  	[sflag:s0] =	ssyncadd.remote.s32 $0x1  }
0xbc: {  	_ =	sfence.sel $0xFFFF  }
0xbd: {  	[dreg:$0x0] =	wrdreg $0xFFFFFFFF;
	(pc) =	sbr.abs _section_cstart, $3  }
0xbe: {  	[dreg:$0x1] =	wrdreg $0xFFFFFFFF  }
0xbf: {  	_ =	task.clear_ibuf [dreg:s5], $0x2FFFF;
	_ =	strace $0x9FFFFFFF  }
0xc0: {  	(tm) =	ssettm $0x7FFFFFFF  }
0xc1: {  	_ =	shalt  }
tec
execute0_lowered:
.L_overlay_start_1:
0x0: {  	(tag) =	ssettag $0x1  }
0x1: {  	s0 =	rddreg [dreg:$0x0]  }
0x2: {  	s3 =	rddreg [dreg:$0x1];
	s14 =	stileid.u32  }
0x3: {  	_ =	strace $0x80000047;
	s2 =	simm.s32 $0x1;
	s1 =	smin.u32 s14, $0x4  }
0x4: {  	v1 =	vimm.s32 $0xFFFFFFFF;
	[sflag:s2] =	ssyncpa.u1 $0x0;
	s1 =	sadd.s32 s14, s1  }
0x5: {  	p0 =	slt.u32 s14, $0x4;
	[tilespmem:$0x10] =	vst v1;
	s4 =	smul.u32 $0x1F40, s1;
	s1 =	simm.s32 $0x3E80  }
0x6: {  	v0 =	vimm.f32 $0.0e+00;
	[tilespmem:$0x20] =	vst v1;
	s1 =	simm.s32 @!p0 $0x1F40  }
0x7: {  	[tilespmem:$0x30] =	vst v0;
	s1 =	sadd.s32 s1, s4  }
0x8: {  	[tilespmem:$0x40] =	vst v0;
	s5 =	smin.u32 s1, $0x27100  }
0x9: {  	[tilespmem:$0x50] =	vst v0;
	s9 =	ssub.s32 s5, s4  }
0xa: {  	s7 =	simm.s32 $0x2;
	[tilespmem:$0x60] =	vst v1;
	p0 =	sgt.s32 s9, $0x0  }
0xb: {  	s8 =	simm.s32 $0x8;
	s31 =	simm.s32 $0x9;
	[tilespmem:$0x70] =	vst v1;
	s9 =	simm.s32 @!p0 $0x0  }
0xc: {  	s16 =	simm.s32 $0x0;
	s17 =	simm.s32 $0xF0;
	[tilespmem:$0x80] =	vst v1;
	s30 =	smulhi.u32 $0x10624DD3, s9  }
0xd: {  	s18 =	simm.s32 $0xFFFFFFFF;
	s19 =	simm.s32 $0xFFFFC280;
	s20 =	simm.s32 $0xFFFFFFFE;
	v1 =	vimm.s32 $0x0;
	[tilespmem:$0xB0] =	vst v0  }
0xe: {  	s21 =	simm.s32 $0xF;
	s25 =	simm.s32 $0x0;
	[tilespmem:$0x90] =	vst v1;
	s10 =	sshrl.u32 s30, $0x9  }
0xf: {  	[tilespmem:$0xA0] =	vst v1;
	[sflag:s7] =	ssyncpa.u1 $0x0;
	s7 =	simm.s32 $0x7;
	s11 =	smul.u32 $0x1F40, s10  }
0x10: {  	s24 =	simm.s32 $0x0;
	s6 =	sadd.s32 $0xF600, s0;
	[sflag:s7] =	ssyncpa.u1 $0x0  }
.Ltmp0:
0x11: {  	[sflag:s8] =	ssyncpa.u1 $0x0;
	p0 =	sne.s32 s9, s11;
	(pc) =	sbr.rel .LBB2_1-.Ltmp0, $4  }
0x12: {  	s23 =	smov.u32 s4;
	s1 =	sadd.s32 $0x4F6600, s0;
	s2 =	simm.s32 @!p0 $0x0  }
0x13: {  	[sflag:s31] =	ssyncpa.u1 $0x0;
	p0 =	por $0x0, $0x0;
	s9 =	sadd.s32 s2, s10  }
0x14: {  	vm0 =	vmmov $0xffff;
	v2 =	vlaneseq.u32;
	s10 =	sshll.u32 s14, $0x1;
	s14 =	sshllo.u32 s14, $0x1;
	s11 =	sadd.s32 $0x1, s9  }
0x15: {  	vm1 =	vmxor vm1, vm1;
	vm2 =	vmmov $0x1;
	vm3 =	vcmask $0x3F3C;
	s12 =	sadd.s32 $0x2, s9;
	s13 =	sor.u32 $0x81, s10;
	s15 =	sor.u32 $0x80, s10  }
.LBB2_9:
0x16: {  	p1 =	slt.u32 s24, $0x3  }
0x17: {  	s0 =	simm.s32 @!p1 $0x2  }
0x18: {  	_ =	swait.ge @!p1 [sflag:s0], $0x1F40  }
0x19: {  	[sflag:s0] =	ssyncset.done @!p1 $0x0  }
0x1a: {  	[sflag:s0] =	ssyncadd.s32 @!p1 $0xFFFFE0C0;
	s0 =	simm.s32 @!p1 $0x9  }
0x1b: {  	_ =	swait.ge @!p1 [sflag:s0], $0x10  }
0x1c: {  	[sflag:s0] =	ssyncset.done @!p1 $0x0  }
0x1d: {  	[sflag:s0] =	ssyncadd.s32 @!p1 $0xFFFFFFF0;
	p1 =	sne.s32 s24, s12  }
.Ltmp1:
0x1e: {  	s2 =	sadd.s32 $0x1F40, s23;
	(pc) =	sbr.rel @!p1 .LBB2_10-.Ltmp1, $4  }
0x1f: {  	s22 =	smov.u32 s4;
	s31 =	sadd.s32 $0x1, s24;
	s17 =	sadd.s32 $0x1F40, s17  }
0x20: {  	s18 =	sadd.s32 $0x1, s18;
	s25 =	smov.u32 s23;
	p2 =	slt.s32 s2, s5  }
0x21: {  	p0 =	por !p0, !p0;
	s19 =	sadd.s32 $0x1F40, s19;
	s22 =	smov.u32 @p2 s2  }
0x22: {  	s20 =	sadd.s32 $0x1, s20;
	s23 =	smov.u32 s22;
	s24 =	smov.u32 s31  }
.LBB2_1:
0x23: {  	p1 =	sge.u32 s24, s9  }
0x24: {  	s0 =	smulhi.u32 @!p1 $0xAAAAAAAB, s24;
	_ =	sdelay $0x1  }
0x25: {  	s0 =	sshrl.u32 @!p1 s0, $0x1  }
0x26: {  	s0 =	smul.u32 @!p1 $0x3, s0;
	_ =	sdelay $0x1  }
0x27: {  	s0 =	ssub.s32 @!p1 s24, s0  }
0x28: {  	s0 =	smul.u32 @!p1 $0x7D00, s0;
	_ =	sdelay $0x1  }
0x29: {  	s2 =	sshrl.u32 @!p1 s23, $0x3;
	s0 =	sshrl.u32 @!p1 s0, $0x2  }
0x2a: {  	s22 =	sand.u32 @!p1 $0x7, s23;
	s2 =	sadd.s32 @!p1 s3, s2;
	s0 =	sadd.s32 @!p1 $0x100, s0  }
0x2b: {  	[tilespmem:s0], [sflag:$0x7] =	stream.linear.gather @!p1 [hbm4b:s2+s22], $0x1F40, $0x38;
	[tilespmem:$0x11A60] =	vst v63  }
0x2c: {  	s0 =	sadd.s32 $0xFFFFFFFF, s24  }
0x2d: {  	p1 =	sge.u32 s0, s9  }
.Ltmp2:
0x2e: {  	_ = 	snop;
	(pc) =	sbr.rel @p1 .LBB2_5-.Ltmp2, $1  }
0x2f: {  	_ =	sdelay $0x3  }
0x30: {  	s2 =	smulhi.u32 $0xAAAAAAAB, s0;
	_ =	sdelay $0x1  }
0x31: {  	s2 =	sshrl.u32 s2, $0x1  }
0x32: {  	s2 =	smul.u32 $0x3, s2;
	_ =	sdelay $0x1  }
0x33: {  	s2 =	ssub.s32 s0, s2  }
0x34: {  	s2 =	smul.u32 $0x7D00, s2  }
0x35: {  	_ =	swait.ge [sflag:s7], $0x1F40  }
0x36: {  	[sflag:s7] =	ssyncset.done $0x0;
	s2 =	sshrl.u32 s2, $0x2  }
0x37: {  	[sflag:s7] =	ssyncadd.s32 $0xFFFFE0C0;
	(ifvalue) =	ssetifvalue $0xFFFFFFFF;
	v3 =	vld.msk [tilespmem:s2+$0x100 ss:$0x1], $0xffff;
	_ =	sdelay $0x2  }
0x38: {  	s30 =	smulhi.u32 $0xAAAAAAAB, s18;
	p1 =	sne.s32 s24, $0x1  }
0x39: {  	v4 =	vimm.s32 @!p1 $0x0  }
0x3a: {  	s2 =	sshrl.u32 s30, $0x1;
	v4 =	vperm.xlane @!p1 v3, v4  }
0x3b: {  	s22 =	sshll.u32 s24, $0x4;
	s2 =	smul.u32 $0xFFFE8900, s2;
	vm4 =	vlt.u32 v3, $0x13C00  }
0x3c: {  	s22 =	sand.u32 $0x10, s22;
	v3 =	vnsel vm4, $0xFFFFFFFE, v3;
	vm4 =	vlt.u32 @!p1 v4, $0x13C00  }
0x3d: {  	s2 =	sshra.s32 s2, $0x2;
	[tilespmem:s22+$0x60] =	vst v3;
	v3 =	vnsel @!p1 vm4, $0xFFFFFFFE, v4  }
0x3e: {  	s28 =	sadd.s32 s2, s17;
	[tilespmem:$0x80] =	vst @!p1 v3  }
0x3f: {  	v3 =	vld.msk [tilespmem:s28+$0x0 ss:$0x1], $0xffff;
	_ =	sdelay $0x4  }
0x40: {  	(xrf1) =	vunique.msk.u32 $0xffff, v3;
	_ =	sdelay $0xd  }
0x41: {  	v4 =	vimm.s32 $0xFFFFFFFF;
	v5, _, _ =	vpop (xrf1)  }
0x42: {  	vm5 =	vne.s32 v3, v4;
	vm4 =	veq.s32 v5, v2  }
0x43: {  	vm6 =	vlt.u32 v3, $0x13C00;
	vm4 =	vmand vm5, vm4  }
0x44: {  	vm4 =	vmand vm6, vm4  }
0x45: {  	v4 =	vnsel vm4, $0xFFFFFFFF, v3  }
0x46: {  	s31 =	sand.u32 $0x1, s0  }
0x47: {  	s0 =	simm.s32 $0x1F40;
	p1 =	seq.s32 s31, $0x1  }
0x48: {  	s0 =	simm.s32 @!p1 $0x0  }
0x49: {  	s26 =	sadd.s32 $0x7DF0, s0;
	(ifvalue) =	ssetifvalue $0xFFFFFFFF  }
0x4a: {  	v3 =	vperm.xlane v3, v1;
	[tilespmem:s26], [sflag:$0x8] =	stream.indirect_vreg.gather [hbm4b:s1+s16], $0x1, v4, vm0, $0x4038;
	v4 =	vnsel vm6, $0xFFFFFFFE, v4;
	[tilespmem:$0x11A60] =	vst v63  }
0x4b: {  	s2 =	simm.s32 $0x0;
	s22 =	sadd.s32 $0xFFFFFFF0, s28;
	[tilespmem:s28+$0x0] =	vst v4  }
.LBB2_3:
0x4c: {  	v4 =	vld.msk [tilespmem:s22+$0x0 ss:$0x1], $0xffff;
	s2 =	sadd.s32 $0x10, s2;
	v5 =	vmov v3;
	s28 =	smov.u32 s22  }
0x4d: {  	p1 =	slt.u32 s2, $0x1F30;
	_ =	sdelay $0x4  }
0x4e: {  	v3 =	vperm.xlane v4, v1;
	(xrf1) =	vunique.msk.u32 $0xffff, v4;
	_ =	sdelay $0xd  }
0x4f: {  	v6, _, _ =	vpop (xrf1)  }
0x50: {  	vm5 =	vne.s32 v4, v5;
	vm4 =	veq.s32 v6, v2  }
0x51: {  	vm6 =	vlt.u32 v4, $0x13C00;
	vm4 =	vmand vm5, vm4  }
0x52: {  	vm4 =	vmand vm6, vm4  }
0x53: {  	v4 =	vnsel vm4, $0xFFFFFFFF, v4  }
.Ltmp3:
0x54: {  	v5 =	vnsel vm6, $0xFFFFFFFE, v4;
	(pc) =	sbr.rel @p1 .LBB2_3-.Ltmp3, $3  }
0x55: {  	_ =	sdelay $0x1  }
0x56: {  	s22 =	sadd.s32 $0xFFFFFFF0, s22;
	s26 =	sadd.s32 $0xFFFFFFF0, s26;
	(ifvalue) =	ssetifvalue $0xFFFFFFFF  }
0x57: {  	[tilespmem:s26], [sflag:$0x8] =	stream.indirect_vreg.gather [hbm4b:s1+s16], $0x1, v4, vm0, $0x4038;
	[tilespmem:s28+$0x0] =	vst v5  }
0x58: {  	s2 =	sshrl.u32 s25, $0x3  }
0x59: {  	s0 =	sadd.s32 $0x9D40, s0;
	s2 =	sadd.s32 s6, s2  }
0x5a: {  	[tilespmem:s0], [sflag:$0x8] =	stream.linear.gather [hbm:s2], $0x1F40, $0x38;
	[tilespmem:$0x11A60] =	vst v63  }
.LBB2_5:
0x5b: {  	p1 =	slt.u32 s24, $0x2  }
0x5c: {  	p2 =	sge.u32 @!p1 s24, s12  }
0x5d: {  	p1 =	por p1, p2  }
.Ltmp4:
0x5e: {  	_ = 	snop;
	(pc) =	sbr.rel @p1 .LBB2_9-.Ltmp4, $1  }
0x5f: {  	_ =	sdelay $0x3  }
0x60: {  	s0 =	sadd.s32 $0xFFFFFFFE, s24  }
0x61: {  	s2 =	smulhi.u32 $0xAAAAAAAB, s0;
	_ =	sdelay $0x1  }
0x62: {  	s2 =	sshrl.u32 s2, $0x1  }
0x63: {  	s2 =	smul.u32 $0x3, s2;
	_ =	sdelay $0x1  }
0x64: {  	s0 =	ssub.s32 s0, s2  }
0x65: {  	_ =	swait.ge [sflag:s8], $0x3E80;
	s0 =	smul.u32 $0x1F40, s0  }
0x66: {  	p1 =	sne.s32 s24, s11;
	[sflag:s8] =	ssyncset.done $0x0  }
0x67: {  	[sflag:s8] =	ssyncadd.s32 $0xFFFFC180;
	s2 =	sadd.s32 @!p1 $0x203F, s0  }
0x68: {  	[spmem:s13] =	stream.linear.scatter @!p1 [tilespmem:s2], [sflag:$0x1], $0x1, $0x38;
	[tilespmem:$0x11A60] =	vst v63  }
0x69: {  	s2 =	simm.s32 @!p1 $0x1  }
0x6a: {  	_ =	swait.ge @!p1 [sflag:s2], $0x1  }
0x6b: {  	s22 =	sshll.u32 s24, $0x4;
	[sflag:s2] =	ssyncset.done @!p1 $0x0  }
0x6c: {  	s25 =	sand.u32 $0x10, s22;
	[sflag:s2] =	ssyncadd.s32 @!p1 $0xFFFFFFFF  }
0x6d: {  	s2 =	sxor.u32 $0x10, s25;
	v4 =	vld [tilespmem:s25+$0x10]  }
0x6e: {  	v5 =	vld [tilespmem:s2+$0x60]  }
0x6f: {  	v3 =	vld [tilespmem:$0x80];
	_ =	sdelay $0x2  }
0x70: {  	(v2sf) =	vpush v4, $0x0  }
0x71: {  	(v2sf) =	vpush v5, $0x0  }
0x72: {  	(v2sf) =	vpush v3, $0x0;
	_ =	sdelay $0xc  }
0x73: {  	s22 =	spop (v2sf)  }
0x74: {  	s26 =	spop (v2sf)  }
0x75: {  	s28 =	spop (v2sf)  }
0x76: {  	p2 =	seq.s32 s22, s26;
	p3 =	seq.s32 s28, s22  }
0x77: {  	p3 =	por p2, p3  }
0x78: {  	s26 =	sand.u32 $0x1, s24;
	v4 =	vpsel p3, $0xFFFFFFFF, v4  }
0x79: {  	s29 =	smul.u32 $0x1F40, s26;
	[tilespmem:s25+$0x10] =	vst.msk $0x1, v4  }
0x7a: {  	v4 =	vld [tilespmem:$0x30]  }
0x7b: {  	v5 =	vld [tilespmem:s29+$0x9D40]  }
0x7c: {  	v6 =	vld [tilespmem:s25+$0x40];
	_ =	sdelay $0x3  }
0x7d: {  	vm4 =	vmmov vm1;
	v5 =	vadd.f32 v5, v4  }
0x7e: {  	vm5 =	vmmov vm2;
	vm4 =	vmmov @p2 vm2;
	s22 =	sshll.u32 s26, $0x4;
	v4 =	vadd.f32 v6, v4  }
0x7f: {  	s26 =	sor.u32 $0x11A40, s22;
	vm5 =	vmmov @p3 vm1;
	[tilespmem:s29+$0x9D40] =	vst.msk vm4, v5  }
0x80: {  	[tilespmem:s26+$0x0] =	vst.msk vm5, v4  }
0x81: {  	v4 =	vld [tilespmem:s29+$0x7DF0];
	_ =	sdelay $0x3  }
0x82: {  	v5 =	vimm.f32 $0.0e+00  }
0x83: {  	v4 =	vshift.insert v4, v5, s21  }
0x84: {  	s22 =	sor.u32 $0x40, s2  }
0x85: {  	[tilespmem:s22+$0x0] =	vst.msk $0x1, v4  }
0x86: {  	[tilespmem:s29+$0x7DFF] =	vst.msk $0x1, v5  }
0x87: {  	v4 =	vld [tilespmem:s0+$0x2030];
	_ =	sdelay $0x1  }
0x88: {  	s22 =	smulhi.u32 $0xAAAAAAAB, s20;
	s0 =	simm.s32 $0x1  }
0x89: {  	s0 =	simm.s32 @!p0 $0x0  }
0x8a: {  	s22 =	sshrl.u32 s22, $0x1;
	s0 =	smul.u32 $0x7D00, s0  }
0x8b: {  	s22 =	smul.u32 $0xFFFE8900, s22;
	v4 =	vshift.insert v4, v1, s21  }
0x8c: {  	s0 =	sshrl.u32 s0, $0x2  }
0x8d: {  	s22 =	sshra.s32 s22, $0x2;
	s30 =	sadd.s32 $0x9D40, s0;
	[tilespmem:s2+$0x10] =	vst.msk $0x1, v4  }
0x8e: {  	s22 =	sadd.s32 s22, s19;
	v6 =	vld [tilespmem:s30+$0x0]  }
0x8f: {  	v7 =	vld [tilespmem:s22+$0x0];
	_ =	sdelay $0x3  }
0x90: {  	v5 =	vadd.f32 v6, v5  }
0x91: {  	vm4 =	vne.s32 v7, $0xFFFFFFFF  }
0x92: {  	(xrf2) =	vadd.seg.scan.f32 vm4, v5;
	_ =	sdelay $0x3  }
0x93: {  	s31 =	sadd.s32 $0x5EC0, s0;
	v5 =	vperm.xlane v4, v1  }
0x94: {  	v6 =	vld [tilespmem:s31+$0x0]  }
0x95: {  	vm5 =	veq.s32 v7, v3;
	vm6 =	veq.s32 v7, v5  }
0x96: {  	vm7 =	vgt.u32 v7, $0xFFFFFFFD;
	vm6 =	vmor vm6, vm5  }
0x97: {  	vm6 =	vmor vm6, vm7  }
0x98: {  	v9 =	vld [tilespmem:$0xA0];
	v7 =	vsel vm6, $0xFFFFFFFF, v7  }
0x99: {  	v10 =	vld [tilespmem:$0x90];
	v6 =	vsel vm5, $0x0, v6;
	v8, _, _ =	vpop (xrf2)  }
0x9a: {  	v6 =	vadd.f32 v8, v6  }
0x9b: {  	s0 =	sadd.s32 $0xDBC0, s0  }
0x9c: {  	vm4 =	vmand vm4, vm3;
	[tilespmem:s0+$0x0] =	vst v6;
	(ifvalue) =	ssetifvalue $0xFFFFFFFF  }
0x9d: {  	vm6 =	veq.s32 v9, $0x1;
	[hbm4b:s1+s16] =	stream.indirect_vreg.scatter [tilespmem:s0], [sflag:$0x2], $0x1, v7, vm0, $0x4038;
	v7 =	vsel vm4, $0x0, v8;
	[tilespmem:$0x11A60] =	vst v63  }
0x9e: {  	s2 =	simm.s32 $0x0;
	s22 =	sadd.s32 $0x10, s22;
	vm4 =	vmor vm6, vm5;
	v6 =	vsel vm5, v8, v10;
	v7 =	vshift.insert v7, v0, s21  }
.LBB2_7:
0x9f: {  	v8 =	vld [tilespmem:s22+$0x0];
	s30 =	sadd.s32 $0x10, s30  }
0xa0: {  	s31 =	sadd.s32 $0x10, s31;
	v9 =	vld [tilespmem:s30+$0x0]  }
0xa1: {  	s2 =	sadd.s32 $0x10, s2;
	v10 =	vld [tilespmem:s31+$0x0]  }
0xa2: {  	p2 =	slt.u32 s2, $0x1F30;
	_ =	sdelay $0x2  }
0xa3: {  	v7 =	vadd.f32 v9, v7  }
0xa4: {  	vm5 =	vne.s32 v8, $0xFFFFFFFF  }
0xa5: {  	vm6 =	vmand vm5, vm3;
	(xrf2) =	vadd.seg.scan.f32 vm5, v7;
	_ =	sdelay $0x5  }
0xa6: {  	vm7 =	veq.s32 v8, v5;
	vm5 =	veq.s32 v8, v3  }
0xa7: {  	vm8 =	vgt.u32 v8, $0xFFFFFFFD;
	vm4 =	vmor vm4, vm5;
	vm7 =	vmor vm7, vm5  }
0xa8: {  	vm7 =	vmor vm7, vm8  }
0xa9: {  	v8 =	vsel vm7, $0xFFFFFFFF, v8  }
.Ltmp5:
0xaa: {  	v7 =	vsel vm5, $0x0, v10;
	v9, _, _ =	vpop (xrf2);
	(pc) =	sbr.rel @p2 .LBB2_7-.Ltmp5, $4  }
0xab: {  	v6 =	vsel vm5, v9, v6;
	v10 =	vadd.f32 v9, v7;
	v7 =	vsel vm6, $0x0, v9  }
0xac: {  	s0 =	sadd.s32 $0x10, s0;
	v7 =	vshift.insert v7, v0, s21  }
0xad: {  	s22 =	sadd.s32 $0x10, s22;
	[tilespmem:s0+$0x0] =	vst v10;
	(ifvalue) =	ssetifvalue $0xFFFFFFFF  }
0xae: {  	[hbm4b:s1+s16] =	stream.indirect_vreg.scatter [tilespmem:s0], [sflag:$0x2], $0x1, v8, vm0, $0x4038;
	[tilespmem:$0x11A60] =	vst v63  }
0xaf: {  	v3 =	vld [tilespmem:s29+$0xFAF0];
	_ =	sdelay $0x4  }
0xb0: {  	v3 =	vshift.insert v3, v0, s21  }
0xb1: {  	s0 =	simm.s32 $0x30  }
0xb2: {  	[tilespmem:s0+$0x0] =	vst.msk $0x1, v3  }
0xb3: {  	v3 =	vsel vm4, $0x1, v1;
	[tilespmem:$0x90] =	vst v6  }
0xb4: {  	s0 =	sadd.s32 @!p1 $0xFAFF, s29;
	[tilespmem:$0xA0] =	vst v3  }
0xb5: {  	[spmem:s14] =	stream.linear.scatter @!p1 [tilespmem:s0], [sflag:$0x1], $0x1, $0x38;
	[tilespmem:$0x11A60] =	vst v63  }
0xb6: {  	s0 =	simm.s32 @!p1 $0x1  }
0xb7: {  	v3 =	vmctz.xlane @!p1 vm4;
	_ =	swait.ge @!p1 [sflag:s0], $0x1  }
0xb8: {  	(v2sf) =	vpush @!p1 v4, $0x0  }
0xb9: {  	(v2sf) =	vpush @!p1 v3, $0x0;
	_ =	sdelay $0xd  }
0xba: {  	s2 =	spop @!p1 (v2sf)  }
0xbb: {  	s22 =	spop @!p1 (v2sf)  }
0xbc: {  	p2 =	sne.s32 @!p1 s28, s2;
	p3 =	slt.s32 @!p1 s22, $0xF  }
0xbd: {  	[sflag:s0] =	ssyncset.done @!p1 $0x0;
	p2 =	por p2, p1;
	p3 =	por !p3, p1  }
0xbe: {  	[sflag:s0] =	ssyncadd.s32 @!p1 $0xFFFFFFFF;
	v3 =	vimm.s32 @!p2 $0xFFFFFFFF;
	s22 =	simm.s32 @p3 $0xF  }
0xbf: {  	[tilespmem:$0x80] =	vst @!p2 v3;
	s2 =	sadd.s32 @!p1 $0x90, s22  }
0xc0: {  	[spmem:s10] =	stream.linear.scatter @!p1 [tilespmem:s2], [sflag:$0x1], $0x1, $0x38;
	[tilespmem:$0x11A60] =	vst v63  }
0xc1: {  	_ =	swait.ge @!p1 [sflag:s0], $0x1  }
0xc2: {  	[sflag:s0] =	ssyncset.done @!p1 $0x0  }
0xc3: {  	s2 =	simm.s32 @!p1 $0x80;
	[sflag:s0] =	ssyncadd.s32 @!p1 $0xFFFFFFFF  }
0xc4: {  	[spmem:s15] =	stream.linear.scatter @!p1 [tilespmem:s2], [sflag:$0x1], $0x1, $0x38;
	[tilespmem:$0x11A60] =	vst v63  }
0xc5: {  	_ =	swait.ge @!p1 [sflag:s0], $0x1  }
0xc6: {  	[sflag:s0] =	ssyncset.done @!p1 $0x0  }
0xc7: {  	[sflag:s0] =	ssyncadd.s32 @!p1 $0xFFFFFFFF;
	(ifvalue) =	ssetifvalue $0xFFFFFFFF;
	v3 =	vld [tilespmem:s25+$0x10];
	_ =	sdelay $0x3  }
.Ltmp6:
0xc8: {  	_ = 	snop;
	(pc) =	sbr.rel .LBB2_9-.Ltmp6, $3  }
0xc9: {  	_ =	sdelay $0x1  }
0xca: {  	(ifvalue) =	ssetifvalue $0xFFFFFFFF  }
0xcb: {  	[hbm4b:s1+s16] =	stream.indirect_vreg.scatter [tilespmem:s26], [sflag:$0x9], $0x1, v3, vm0, $0x4038;
	[tilespmem:$0x11A60] =	vst v63  }
.LBB2_10:
0xcc: {  	_ =	sfence.sel $0x180000  }
0xcd: {  	s0 =	simm.s32 $0x7;
	[bflag:$0x0] =	sbarrier.arrive $0xFFFF  }
0xce: {  	s26 =	simm.s32 $0x8;
	[sflag:s0] =	ssyncpa.u1 $0x1  }
0xcf: {  	s28 =	simm.s32 $0x9;
	[sflag:s26] =	ssyncpa.u1 $0x1  }
0xd0: {  	[sflag:s28] =	ssyncpa.u1 $0x1  }
0xd1: {  	_ =	sfence.stream.spmem  }
0xd2: {  	s29 =	simm.s32 $0x3;
	[bflag:$0x0] =	sbarrier.arrive $0xFFFF  }
0xd3: {  	s30 =	simm.s32 $0x4;
	[sflag:s29] =	ssyncpa.u1 $0x1  }
0xd4: {  	s31 =	simm.s32 $0x3C;
	s2 =	stileid.u32;
	[sflag:s30] =	ssyncpa.u1 $0x1  }
0xd5: {  	p0 =	sne.s32 s2, $0x0;
	[sflag:s31] =	ssyncpa.u1 $0x1  }
0xd6: {  	s0 =	simm.s32 @p0 $0x1;
	_ =	sfence @p0  }
0xd7: {  	[sflag:s0] =	ssyncpa.u1 @p0 $0x1;
	s0 =	simm.s32 @p0 $0x2  }
0xd8: {  	[sflag:s0] =	ssyncpa.u1 @p0 $0x1  }
0xd9: {  	_ =	strace @p0 $0x90000047  }
0xda: {  	[bflag:$0x2] =	sbarrier.arrive @p0 $0xFFFF  }
0xdb: {  	_ =	shalt @p0  }
.LBB2_11:
0xdc: {  	_ =	sfence.stream.spmem;
	s0 =	simm.s32 $0x5  }
0xdd: {  	s2 =	simm.s32 $0x80;
	s3 =	simm.s32 $0xC0;
	[sflag:s0] =	ssyncpa.u1 $0x0  }
0xde: {  	[tilespmem:s3], [sflag:$0x5] =	stream.linear.gather [spmem:s2], $0x20, $0x38;
	[tilespmem:$0x11A60] =	vst v63  }
0xdf: {  	s2 =	simm.s32 $0x0;
	s3 =	simm.s32 $0xE0  }
0xe0: {  	[tilespmem:s3], [sflag:$0x5] =	stream.linear.gather [spmem:s2], $0x20, $0x38;
	[tilespmem:$0x11A60] =	vst v63  }
.Ltmp7:
0xe1: {  	_ = 	snop;
	(pc) =	sbr.rel .LBB2_12-.Ltmp7, $4  }
0xe2: {  	_ =	swait.ge [sflag:s0], $0x40  }
0xe3: {  	[sflag:s0] =	ssyncset.done $0x0  }
0xe4: {  	s31 =	simm.s32 $0x6;
	[sflag:s0] =	ssyncadd.s32 $0xFFFFFFC0  }
0xe5: {  	s4 =	simm.s32 $0x0;
	[sflag:s31] =	ssyncpa.u1 $0x0  }
.LBB2_17:
0xe6: {  	p0 =	sgt.u32 s5, $0x13BFF  }
0xe7: {  	s0 =	sshrl.u32 @!p0 s5, $0x3  }
0xe8: {  	s5 =	sand.u32 @!p0 $0x7, s5;
	s6 =	simm.s32 @!p0 $0xB0;
	s0 =	sadd.s32 @!p0 s1, s0  }
0xe9: {  	[tilespmem:s6], [sflag:$0x6] =	stream.linear.gather @!p0 [hbm4b:s0+s5], $0x1, $0x38;
	[tilespmem:$0x11A60] =	vst v63  }
0xea: {  	s0 =	simm.s32 @!p0 $0x6  }
0xeb: {  	_ =	swait.ge @!p0 [sflag:s0], $0x1  }
0xec: {  	[sflag:s0] =	ssyncset.done @!p0 $0x0  }
0xed: {  	[sflag:s0] =	ssyncadd.s32 @!p0 $0xFFFFFFFF  }
0xee: {  	v2 =	vmov @!p0 s4;
	v1 =	vld.msk @!p0 [tilespmem:$0xB0], $0x1;
	_ =	sdelay $0x3  }
0xef: {  	s0 =	simm.s32 @!p0 $0xE0  }
0xf0: {  	[tilespmem:v2+s0+$0x0], v1 =	vst.idx.ret.add.f32.msk @!p0 $0x1, v1  }
0xf1: {  	[tilespmem:s2+$0xC0] =	vst.msk $0x1, v0  }
0xf2: {  	v0 =	vld.msk [tilespmem:s4+$0xE0], $0x1;
	_ =	sdelay $0x4  }
0xf3: {  	[tilespmem:s2+$0xE0] =	vst.msk $0x1, v0;
	s2 =	sadd.s32 $0x1, s2  }
.LBB2_19:
0xf4: {  	s4 =	sadd.s32 $0x1, s4  }
0xf5: {  	p0 =	sne.s32 s4, $0x20  }
.Ltmp8:
0xf6: {  	_ = 	snop;
	(pc) =	sbr.rel @!p0 .LBB2_20-.Ltmp8, $1  }
0xf7: {  	_ =	sdelay $0x3  }
.LBB2_12:
0xf8: {  	v0 =	vld.msk [tilespmem:s4+$0xC0], $0x1;
	_ =	sdelay $0x4  }
0xf9: {  	(v2sf) =	vpush v0, $0x0;
	_ =	sdelay $0xe  }
0xfa: {  	s5 =	spop (v2sf)  }
0xfb: {  	p0 =	seq.s32 s5, $0xFFFFFFFF  }
.Ltmp9:
0xfc: {  	_ = 	snop;
	(pc) =	sbr.rel @p0 .LBB2_19-.Ltmp9, $1  }
0xfd: {  	_ =	sdelay $0x3  }
0xfe: {  	p0 =	slt.s32 s2, $0x1  }
.Ltmp10:
0xff: {  	_ = 	snop;
	(pc) =	sbr.rel @p0 .LBB2_17-.Ltmp10, $1  }
0x100: {  	_ =	sdelay $0x3  }
0x101: {  	s0 =	simm.s32 $0xC0;
	p0 =	por $0x0, $0x0  }
0x102: {  	v1 =	vld.msk @!p0 [tilespmem:s0+$0x0], $0x1;
	_ =	sdelay $0x4  }
0x103: {  	(v2sf) =	vpush @!p0 v1, $0x0;
	_ =	sdelay $0xd  }
0x104: {  	p2 =	sne.s32 s2, $0x1  }
.Ltmp11:
0x105: {  	s6 =	spop @!p0 (v2sf);
	(pc) =	sbr.rel @!p2 .LBB2_16-.Ltmp11, $4  }
0x106: {  	p1 =	seq.s32 @!p0 s5, s6  }
0x107: {  	s6 =	simm.s32 $0x0;
	p1 =	por !p1, p0  }
0x108: {  	s8 =	simm.s32 $0xFFFFFFFF;
	s6 =	simm.s32 @p1 $0xFFFFFFFF  }
0x109: {  	s7 =	simm.s32 $0x1;
	s6 =	smov.u32 @p0 s8  }
.LBB2_15:
0x10a: {  	s8 =	smov.u32 s6;
	p0 =	sne.s32 s6, $0xFFFFFFFF  }
0x10b: {  	s0 =	sadd.s32 $0x1, s0;
	s6 =	smov.u32 s7;
	s7 =	sadd.s32 $0x1, s7  }
0x10c: {  	p1 =	sne.s32 s2, s7;
	v1 =	vld.msk @!p0 [tilespmem:s0+$0x0], $0x1;
	_ =	sdelay $0x4  }
0x10d: {  	(v2sf) =	vpush @!p0 v1, $0x0;
	_ =	sdelay $0xe  }
.Ltmp12:
0x10e: {  	s9 =	spop @!p0 (v2sf);
	(pc) =	sbr.rel @p1 .LBB2_15-.Ltmp12, $4  }
0x10f: {  	p2 =	seq.s32 @!p0 s5, s9  }
0x110: {  	p2 =	por !p2, p0  }
0x111: {  	s6 =	simm.s32 @p2 $0xFFFFFFFF  }
0x112: {  	s6 =	smov.u32 @p0 s8  }
.LBB2_16:
0x113: {  	p0 =	sne.s32 s6, $0xFFFFFFFF  }
.Ltmp13:
0x114: {  	_ = 	snop;
	(pc) =	sbr.rel @!p0 .LBB2_17-.Ltmp13, $1  }
0x115: {  	_ =	sdelay $0x3  }
0x116: {  	v0 =	vld.msk [tilespmem:s4+$0xE0], $0x1;
	v1 =	vmov s6  }
.Ltmp14:
0x117: {  	_ = 	snop;
	(pc) =	sbr.rel .LBB2_19-.Ltmp14, $2  }
0x118: {  	_ =	sdelay $0x2  }
0x119: {  	[tilespmem:v1+s3+$0x0], v0 =	vst.idx.ret.add.f32.msk $0x1, v0  }
.LBB2_20:
0x11a: {  	p0 =	slt.s32 s2, $0x1  }
.Ltmp15:
0x11b: {  	_ = 	snop;
	(pc) =	sbr.rel @p0 .LBB2_24-.Ltmp15, $3  }
0x11c: {  	_ =	sdelay $0x1  }
0x11d: {  	s0 =	simm.s32 $0x6  }
0x11e: {  	s3 =	simm.s32 $0x0;
	[sflag:s0] =	ssyncpa.u1 $0x1  }
0x11f: {  	s0 =	simm.s32 $0xC0  }
0x120: {  	v0 =	vld.msk [tilespmem:s0+$0x0], $0x1;
	_ =	sdelay $0x4  }
0x121: {  	(v2sf) =	vpush v0, $0x0;
	_ =	sdelay $0xe  }
0x122: {  	s2 =	sadd.s32 $0xFFFFFFFF, s2;
	s4 =	spop (v2sf)  }
0x123: {  	p1 =	sne.s32 s2, $0x0;
	p0 =	sgt.u32 s4, $0x13BFF  }
.Ltmp16:
0x124: {  	s5 =	sshrl.u32 @!p0 s4, $0x3;
	(pc) =	sbr.rel @!p1 .LBB2_23-.Ltmp16, $4  }
0x125: {  	s0 =	simm.s32 $0xE0;
	s4 =	sand.u32 @!p0 $0x7, s4;
	s5 =	sadd.s32 @!p0 s1, s5  }
0x126: {  	[hbm4b:s5+s4] =	stream.linear.scatter @!p0 [tilespmem:s0], [sflag:$0x5], $0x1, $0x38;
	[tilespmem:$0x11A60] =	vst v63  }
0x127: {  	s5 =	simm.s32 $0x0  }
0x128: {  	s4 =	simm.s32 $0xC1;
	s5 =	simm.s32 @!p0 $0x4  }
.LBB2_22:
0x129: {  	v0 =	vld.msk [tilespmem:s4+$0x0], $0x1;
	s2 =	sadd.s32 $0xFFFFFFFF, s2;
	s3 =	sadd.s32 s3, s5  }
0x12a: {  	p0 =	sne.s32 s2, $0x0;
	_ =	sdelay $0x3  }
0x12b: {  	(v2sf) =	vpush v0, $0x0;
	_ =	sdelay $0xe  }
.Ltmp17:
0x12c: {  	s6 =	spop (v2sf);
	(pc) =	sbr.rel @p0 .LBB2_22-.Ltmp17, $4  }
0x12d: {  	s5 =	simm.s32 $0x0;
	p1 =	sgt.u32 s6, $0x13BFF  }
0x12e: {  	s0 =	sadd.s32 $0x1, s0;
	s5 =	simm.s32 @!p1 $0x4;
	s7 =	sshrl.u32 @!p1 s6, $0x3  }
0x12f: {  	s4 =	sadd.s32 $0x1, s4;
	s6 =	sand.u32 @!p1 $0x7, s6;
	s7 =	sadd.s32 @!p1 s1, s7  }
0x130: {  	[hbm4b:s7+s6] =	stream.linear.scatter @!p1 [tilespmem:s0], [sflag:$0x5], $0x1, $0x38;
	[tilespmem:$0x11A60] =	vst v63  }
.LBB2_23:
0x131: {  	s0 =	sadd.s32 s3, s5  }
0x132: {  	s3 =	sshrl.u32 s0, $0x2  }
.LBB2_24:
0x133: {  	s0 =	simm.s32 $0x5  }
0x134: {  	_ =	swait.ge [sflag:s0], s3  }
0x135: {  	s1 =	ssub.s32 $0x0, s3;
	[sflag:s0] =	ssyncset.done $0x0  }
0x136: {  	[sflag:s0] =	ssyncadd.s32 s1  }
0x137: {  	[sflag:s0] =	ssyncpa.u1 $0x1  }
0x138: {  	s29 =	simm.s32 $0x1;
	_ =	sfence  }
0x139: {  	s30 =	simm.s32 $0x2;
	[sflag:s29] =	ssyncpa.u1 $0x1  }
0x13a: {  	[sflag:s30] =	ssyncpa.u1 $0x1  }
0x13b: {  	_ =	strace $0x90000047  }
0x13c: {  	[bflag:$0x2] =	sbarrier.arrive $0xFFFF  }
0x13d: {  	s31 =	rddreg [dreg:$0x2]  }
0x13e: {  	s0 =	sadd.s32 $0x100000, s31  }
0x13f: {  	[sflag:s0] =	ssyncadd.tile.s32 $0x1;
	_ =	shalt  }
.Lfunc_end2:
_tile_overlayer_lowered:
.L_overlay_start_2:
0x140: {  	(tag) =	ssettag $0x2  }
0x141: {  	s0 =	rddreg [dreg:$0x0];
	s2 =	stileid.u32  }
0x142: {  	s1 =	rddreg [dreg:$0x1];
	p0 =	sne.s32 s2, $0x0  }
0x143: {  	s3 =	rddreg [dreg:$0x2];
	[bflag:$0x3] =	sbarrier.arrive $0xFFFF;
	s2 =	simm.s32 @!p0 $0x1C01  }
0x144: {  	[timem:s3], [sflag:s2] =	dma.local @!p0 [hbm:s0], s1  }
0x145: {  	s0 =	simm.s32 @!p0 $0x1  }
0x146: {  	_ =	swait.ge @!p0 [sflag:s0], s1  }
0x147: {  	s1 =	ssub.s32 @!p0 $0x0, s1;
	[sflag:s0] =	ssyncset.done @!p0 $0x0  }
0x148: {  	[sflag:s0] =	ssyncadd.s32 @!p0 s1  }
0x149: {  	[bflag:$0x3] =	sbarrier.arrive $0xFFFF  }
0x14a: {  	_ =	shalt  }

</sc_bundles>
